<compile_context>
chip_gen: v7x
topology: tpu7x:2x2x1
jax: 0.10.2.dev20260603
libtpu: 0.0.44.dev20260713+nightly
codegen_flags: <defaults>
</compile_context>

<pallas_src>
import functools

import jax
import jax.numpy as jnp
from jax import lax
from jax.experimental import pallas as pl
from jax.experimental.pallas import tpu as pltpu
from jax.experimental.pallas import tpu_sc as plsc

N = 10000
E = 320000
H = 128
C = 16
G = 64
L = 3

NC = 2
NS = 16
NW = NC * NS
K = 128
EPW = 10240
E2 = NW * EPW
EPAD = E2 - E
NCH = EPW // K
NPAIR = NCH // 2
RPT = 632
N2 = NS * RPT
ZR = 32

BN_SCALE = 1.0 / (1.0 + 1e-5) ** 0.5


def _seg_sum_body(h_hbm, src_hbm, dst_hbm, out0_hbm, out1_hbm,
                  sidx0, didx0, sidx1, didx1, rows0, rows1, zbuf, acc,
                  semi0, semi1, semg0, semg1):
    c = lax.axis_index("c")
    s = lax.axis_index("s")
    wid = c * NS + s

    zeros16 = jnp.zeros((16,), jnp.float32)

    def zrow(i, _):
        def zcol(j, _):
            zbuf[i, pl.ds(j * 16, 16)] = zeros16
            return 0
        return lax.fori_loop(0, H // 16, zcol, 0)

    base = wid * EPW

    def start_idx(off, sbuf, dbuf, sem):
        pltpu.async_copy(src_hbm.at[pl.ds(off, K)], sbuf, sem)
        pltpu.async_copy(dst_hbm.at[pl.ds(off, K)], dbuf, sem)

    def wait_idx(off, sbuf, dbuf, sem):
        pltpu.make_async_copy(src_hbm.at[pl.ds(off, K)], sbuf, sem).wait()
        pltpu.make_async_copy(dst_hbm.at[pl.ds(off, K)], dbuf, sem).wait()

    lax.fori_loop(0, ZR, zrow, 0)
    for r in range(RPT // ZR):
        pltpu.sync_copy(zbuf, acc.at[pl.ds(s * RPT + r * ZR, ZR)])
    rem = RPT % ZR
    if rem:
        pltpu.sync_copy(zbuf.at[pl.ds(0, rem)],
                        acc.at[pl.ds(s * RPT + (RPT // ZR) * ZR, rem)])
    plsc.subcore_barrier()

    start_idx(base, sidx0, didx0, semi0)
    wait_idx(base, sidx0, didx0, semi0)
    pltpu.async_copy(h_hbm.at[sidx0], rows0, semg0)
    start_idx(base + K, sidx1, didx1, semi1)

    def pair(g, _):
        a = base + 2 * g * K
        b = a + K
        nxt = g < NPAIR - 1
        wait_idx(b, sidx1, didx1, semi1)
        pltpu.async_copy(h_hbm.at[sidx1], rows1, semg1)
        pltpu.make_async_copy(h_hbm.at[sidx0], rows0, semg0).wait()
        pltpu.sync_copy(rows0, acc.at[didx0], add=True)

        @pl.when(nxt)
        def _pref_a():
            start_idx(b + K, sidx0, didx0, semi0)

        pltpu.make_async_copy(h_hbm.at[sidx1], rows1, semg1).wait()

        @pl.when(nxt)
        def _gather_a():
            wait_idx(b + K, sidx0, didx0, semi0)
            pltpu.async_copy(h_hbm.at[sidx0], rows0, semg0)

        pltpu.sync_copy(rows1, acc.at[didx1], add=True)

        @pl.when(nxt)
        def _pref_b():
            start_idx(b + 2 * K, sidx1, didx1, semi1)

        return 0

    lax.fori_loop(0, NPAIR, pair, 0)
    plsc.subcore_barrier()

    @pl.when(c == 0)
    def _w0():
        pltpu.sync_copy(acc.at[pl.ds(s * RPT, RPT)],
                        out0_hbm.at[pl.ds(s * RPT, RPT)])

    @pl.when(c == 1)
    def _w1():
        pltpu.sync_copy(acc.at[pl.ds(s * RPT, RPT)],
                        out1_hbm.at[pl.ds(s * RPT, RPT)])


@functools.cache
def _make_seg_sum():
    return pl.kernel(
        _seg_sum_body,
        out_type=[jax.ShapeDtypeStruct((N2, H), jnp.float32),
                  jax.ShapeDtypeStruct((N2, H), jnp.float32)],
        mesh=plsc.VectorSubcoreMesh(core_axis_name="c", subcore_axis_name="s",
                                    num_cores=NC, num_subcores=NS),
        scratch_types=[
            pltpu.VMEM((K,), jnp.int32),
            pltpu.VMEM((K,), jnp.int32),
            pltpu.VMEM((K,), jnp.int32),
            pltpu.VMEM((K,), jnp.int32),
            pltpu.VMEM((K, H), jnp.float32),
            pltpu.VMEM((K, H), jnp.float32),
            pltpu.VMEM((ZR, H), jnp.float32),
            pltpu.VMEM_SHARED((N2, H), jnp.float32),
            pltpu.SemaphoreType.DMA,
            pltpu.SemaphoreType.DMA,
            pltpu.SemaphoreType.DMA,
            pltpu.SemaphoreType.DMA,
        ],
    )


def _seg_sum(h, src, dst):
    return _make_seg_sum()(h, src, dst)


def _pad_edges(src, dst):
    ar = jnp.arange(EPAD, dtype=jnp.int32)
    pad_src = ar % N
    pad_dst = N + ar % (N2 - N)
    return (jnp.concatenate([src, pad_src]),
            jnp.concatenate([dst, pad_dst]))


BT = 5000
NB = N // BT


def _dense_body(eps_ref, h_ref, p0_ref, p1_ref, wa_ref, ba_ref, wb_ref,
                bb_ref, g_ref, be_ref, o_ref):
    z = h_ref[...] * eps_ref[0] + p0_ref[...] + p1_ref[...]
    z = jnp.maximum(
        jnp.dot(z, wa_ref[...], preferred_element_type=jnp.float32)
        + ba_ref[...], 0.0)
    z = jnp.maximum(
        jnp.dot(z, wb_ref[...], preferred_element_type=jnp.float32)
        + bb_ref[...], 0.0)
    o_ref[...] = z * (g_ref[...] * BN_SCALE) + be_ref[...]


def _dense_layer(epsv, h, p0, p1, Wa, ba, Wb, bb, gam, bet):
    return pl.pallas_call(
        _dense_body,
        grid=(NB,),
        in_specs=[
            pl.BlockSpec(memory_space=pltpu.SMEM),
            pl.BlockSpec((BT, H), lambda i: (i, 0)),
            pl.BlockSpec((BT, H), lambda i: (i, 0)),
            pl.BlockSpec((BT, H), lambda i: (i, 0)),
            pl.BlockSpec((H, H), lambda i: (0, 0)),
            pl.BlockSpec((1, H), lambda i: (0, 0)),
            pl.BlockSpec((H, H), lambda i: (0, 0)),
            pl.BlockSpec((1, H), lambda i: (0, 0)),
            pl.BlockSpec((1, H), lambda i: (0, 0)),
            pl.BlockSpec((1, H), lambda i: (0, 0)),
        ],
        out_specs=pl.BlockSpec((BT, H), lambda i: (i, 0)),
        out_shape=jax.ShapeDtypeStruct((N, H), jnp.float32),
    )(epsv, h, p0, p1, Wa, ba.reshape(1, H), Wb, bb.reshape(1, H),
      gam.reshape(1, H), bet.reshape(1, H))


def _pool_body(eps_ref, h_ref, p0_ref, p1_ref, wa_ref, ba_ref, wb_ref,
               bb_ref, g_ref, be_ref, batch_ref, wl1_ref, bl1_ref, wl2_ref,
               bl2_ref, o_ref, sums_ref, cnts_ref):
    i = pl.program_id(0)

    @pl.when(i == 0)
    def _init():
        sums_ref[...] = jnp.zeros((G, H), jnp.float32)
        cnts_ref[...] = jnp.zeros((G, H), jnp.float32)

    z = h_ref[...] * eps_ref[0] + p0_ref[...] + p1_ref[...]
    z = jnp.maximum(
        jnp.dot(z, wa_ref[...], preferred_element_type=jnp.float32)
        + ba_ref[...], 0.0)
    z = jnp.maximum(
        jnp.dot(z, wb_ref[...], preferred_element_type=jnp.float32)
        + bb_ref[...], 0.0)
    h3 = z * (g_ref[...] * BN_SCALE) + be_ref[...]

    b = batch_ref[0, 0, :]
    oh = (b[:, None] == lax.broadcasted_iota(jnp.int32, (BT, G), 1))
    oh = oh.astype(jnp.float32)
    sums_ref[...] += lax.dot_general(
        oh, h3, (((0,), (0,)), ((), ())),
        preferred_element_type=jnp.float32)
    cnts_ref[...] += lax.dot_general(
        oh, jnp.ones((BT, H), jnp.float32), (((0,), (0,)), ((), ())),
        preferred_element_type=jnp.float32)

    @pl.when(i == NB - 1)
    def _final():
        pooled = sums_ref[...] / jnp.maximum(cnts_ref[...], 1.0)
        o1 = jnp.maximum(
            jnp.dot(pooled, wl1_ref[...], preferred_element_type=jnp.float32)
            + bl1_ref[...], 0.0)
        o2 = (jnp.dot(o1, wl2_ref[...], preferred_element_type=jnp.float32)
              + bl2_ref[...])
        m = jnp.max(o2, axis=1, keepdims=True)
        ex = jnp.exp(o2 - m)
        lse = jnp.log(jnp.sum(ex, axis=1, keepdims=True))
        o_ref[...] = o2 - m - lse


def _pool_head(epsv, h, p0, p1, Wa, ba, Wb, bb, gam, bet,
               batch3d, Wl1, bl1, Wl2, bl2):
    return pl.pallas_call(
        _pool_body,
        grid=(NB,),
        in_specs=[
            pl.BlockSpec(memory_space=pltpu.SMEM),
            pl.BlockSpec((BT, H), lambda i: (i, 0)),
            pl.BlockSpec((BT, H), lambda i: (i, 0)),
            pl.BlockSpec((BT, H), lambda i: (i, 0)),
            pl.BlockSpec((H, H), lambda i: (0, 0)),
            pl.BlockSpec((1, H), lambda i: (0, 0)),
            pl.BlockSpec((H, H), lambda i: (0, 0)),
            pl.BlockSpec((1, H), lambda i: (0, 0)),
            pl.BlockSpec((1, H), lambda i: (0, 0)),
            pl.BlockSpec((1, H), lambda i: (0, 0)),
            pl.BlockSpec((1, 1, BT), lambda i: (i, 0, 0)),
            pl.BlockSpec((H, H), lambda i: (0, 0)),
            pl.BlockSpec((1, H), lambda i: (0, 0)),
            pl.BlockSpec((H, C), lambda i: (0, 0)),
            pl.BlockSpec((1, C), lambda i: (0, 0)),
        ],
        out_specs=pl.BlockSpec((G, C), lambda i: (0, 0)),
        out_shape=jax.ShapeDtypeStruct((G, C), jnp.float32),
        scratch_shapes=[
            pltpu.VMEM((G, H), jnp.float32),
            pltpu.VMEM((G, H), jnp.float32),
        ],
    )(epsv, h, p0, p1, Wa, ba.reshape(1, H), Wb, bb.reshape(1, H),
      gam.reshape(1, H), bet.reshape(1, H), batch3d, Wl1, bl1, Wl2, bl2)


def kernel(x, edge_index, batch, eps, Wa, ba, Wb, bb, gam, bet,
           Wl1, bl1, Wl2, bl2):
    src, dst = _pad_edges(edge_index[0], edge_index[1])
    batch3d = batch.reshape(NB, 1, BT)
    h = x
    for i in range(L - 1):
        p0, p1 = _seg_sum(h, src, dst)
        h = _dense_layer((1.0 + eps[i]).reshape(1), h, p0, p1,
                         Wa[i], ba[i], Wb[i], bb[i], gam[i], bet[i])
    p0, p1 = _seg_sum(h, src, dst)
    return _pool_head((1.0 + eps[L - 1]).reshape(1), h, p0, p1,
                      Wa[L - 1], ba[L - 1], Wb[L - 1], bb[L - 1],
                      gam[L - 1], bet[L - 1], batch3d,
                      Wl1, bl1.reshape(1, H), Wl2, bl2.reshape(1, C))

# --- scband reference (transcript-rebuilt; emitter-appended) ---
"""Pipeline reference for scband-gin-49194555408764 (READ-ONLY COPY).

The authoritative reference and input builder live on the scoring server;
editing this copy changes nothing except your own understanding.
"""

import jax, jax.numpy as jnp
import numpy as np

N = 10000
E = 320000
D = 128
H = 128
C = 16
G = 64
L = 3

def setup_inputs(seed: int = 0):
    key = jax.random.key(seed)
    ks = jax.random.split(key, 16)
    x = jax.random.normal(ks[0], (N, D), dtype=jnp.float32)
    edge_index = jax.random.randint(ks[1], (2, E), 0, N, dtype=jnp.int32)
    batch = jnp.sort(jax.random.randint(ks[2], (N,), 0, G, dtype=jnp.int32))
    s = 1.0 / np.sqrt(H)
    return {
        "x": x,
        "edge_index": edge_index,
        "batch": batch,
        "eps": jnp.zeros((L,), dtype=jnp.float32),
        "Wa": jax.random.normal(ks[3], (L, H, H), dtype=jnp.float32) * s,
        "ba": jnp.zeros((L, H), dtype=jnp.float32),
        "Wb": jax.random.normal(ks[4], (L, H, H), dtype=jnp.float32) * s,
        "bb": jnp.zeros((L, H), dtype=jnp.float32),
        "gam": jnp.ones((L, H), dtype=jnp.float32),
        "bet": jnp.zeros((L, H), dtype=jnp.float32),
        "Wl1": jax.random.normal(ks[5], (H, H), dtype=jnp.float32) * s,
        "bl1": jnp.zeros((H,), dtype=jnp.float32),
        "Wl2": jax.random.normal(ks[6], (H, C), dtype=jnp.float32) * s,
        "bl2": jnp.zeros((C,), dtype=jnp.float32),
    }

def reference(x, edge_index, batch, eps, Wa, ba, Wb, bb, gam, bet, Wl1, bl1, Wl2, bl2):
    # GIN with FP32 (Identity) quantizers == standard GINConv with train_eps=True.
    src = edge_index[0]
    dst = edge_index[1]
    bn_eps = 1e-5
    h = x
    for i in range(L):
        # message + sum aggregation (source_to_target): scatter-add x[src] into dst
        agg = jax.ops.segment_sum(h[src], dst, num_segments=N)
        z = (1.0 + eps[i]) * h + agg
        # nn: Linear -> ReLU -> Linear -> ReLU -> BatchNorm1d (eval: running_mean=0, running_var=1)
        z = jnp.maximum(jnp.dot(z, Wa[i]) + ba[i], 0.0)
        z = jnp.maximum(jnp.dot(z, Wb[i]) + bb[i], 0.0)
        h = z * gam[i] / jnp.sqrt(1.0 + bn_eps) + bet[i]
    # global_mean_pool over graph segment ids
    sums = jax.ops.segment_sum(h, batch, num_segments=G)
    counts = jax.ops.segment_sum(jnp.ones((N,), dtype=jnp.float32), batch, num_segments=G)
    pooled = sums / jnp.maximum(counts, 1.0)[:, None]
    o = jnp.maximum(jnp.dot(pooled, Wl1) + bl1, 0.0)
    # dropout p=0.5 disabled (eval mode)
    o = jnp.dot(o, Wl2) + bl2
    return jax.nn.log_softmax(o, axis=-1)

if __name__ == "__main__":
    import jax
    _d = setup_inputs()
    print(jax.jit(kernel)(*tuple(_d.values())))

</pallas_src>

<mosaic_0001>
#map = affine_map<(d0, d1) -> (0, 0)>
#map1 = affine_map<(d0, d1) -> (0)>
module attributes {stable_mosaic.version = 14 : i64} {
  func.func @_seg_sum_body(%arg0: i32, %arg1: i32, %arg2: memref<10000x128xf32, #tpu.memory_space<hbm>>, %arg3: memref<327680xi32, #tpu.memory_space<hbm>>, %arg4: memref<327680xi32, #tpu.memory_space<hbm>>, %arg5: memref<10112x128xf32, #tpu.memory_space<hbm>>, %arg6: memref<10112x128xf32, #tpu.memory_space<hbm>>, %arg7: memref<128xi32, #tpu.memory_space<vmem>>, %arg8: memref<128xi32, #tpu.memory_space<vmem>>, %arg9: memref<128xi32, #tpu.memory_space<vmem>>, %arg10: memref<128xi32, #tpu.memory_space<vmem>>, %arg11: memref<128x128xf32, #tpu.memory_space<vmem>>, %arg12: memref<128x128xf32, #tpu.memory_space<vmem>>, %arg13: memref<32x128xf32, #tpu.memory_space<vmem>>, %arg14: memref<10112x128xf32, #tpu.memory_space<vmem_shared>>, %arg15: memref<!tpu.dma_semaphore, #tpu.memory_space<semaphore_mem>>, %arg16: memref<!tpu.dma_semaphore, #tpu.memory_space<semaphore_mem>>, %arg17: memref<!tpu.dma_semaphore, #tpu.memory_space<semaphore_mem>>, %arg18: memref<!tpu.dma_semaphore, #tpu.memory_space<semaphore_mem>>) attributes {dimension_semantics = [#tpu.dimension_semantics<core_parallel>, #tpu.dimension_semantics<subcore_parallel>], iteration_bounds = array<i64: 2, 16>, scalar_prefetch = 0 : i64, scratch_operands = 12 : i64, tpu.core_type = #tpu.core_type<sc_vector_subcore>, window_params = [{transform_indices = #map}, {transform_indices = #map1}, {transform_indices = #map1}, {transform_indices = #map}, {transform_indices = #map}]} {
    %mul3A = arith.constant 16 : i32
    %mul3A_0 = arith.muli %arg0, %mul3A : i32
    %add3A = arith.addi %mul3A_0, %arg1 : i32
    %broadcast_in_dim3A = arith.constant 0.000000e+00 : f32
    %broadcast_in_dim3A_1 = vector.broadcast %broadcast_in_dim3A : f32 to vector<16xf32>
    %mul3A_2 = arith.constant 10240 : i32
    %mul3A_3 = arith.muli %add3A, %mul3A_2 : i32
    %scan3A = arith.constant 0 : i32
    %scan3A_4 = arith.constant 0 : i32
    %scan3A_5 = arith.constant 32 : i32
    %scan3A_6 = arith.addi %scan3A_4, %scan3A_5 : i32
    %scan3A_7 = arith.constant 1 : i32
    %scan3A_8 = scf.for %scan3A_120 = %scan3A_4 to %scan3A_6 step %scan3A_7 iter_args(%scan3A_121 = %scan3A) -> (i32)  : i32 {
      %scan3A_122 = arith.constant 0 : i32
      %scan3A_123 = arith.constant 0 : i32
      %scan3A_124 = arith.constant 8 : i32
      %scan3A_125 = arith.addi %scan3A_123, %scan3A_124 : i32
      %scan3A_126 = arith.constant 1 : i32
      %scan3A_127 = scf.for %scan3A_129 = %scan3A_123 to %scan3A_125 step %scan3A_126 iter_args(%scan3A_130 = %scan3A_122) -> (i32)  : i32 {
        %mul3A_131 = arith.constant 16 : i32
        %mul3A_132 = arith.muli %scan3A_129, %mul3A_131 : i32
        %swap3A = arith.index_cast %scan3A_120 : i32 to index
        %swap3A_133 = arith.index_cast %mul3A_132 : i32 to index
        %swap3A_134 = tpu.vector_load %arg13[%swap3A, %swap3A_133] {strides = array<i32>} : memref<32x128xf32, #tpu.memory_space<vmem>>, vector<1x16xf32>,
        %swap3A_135 = vector.shape_cast %swap3A_134 : vector<1x16xf32> to vector<16xf32>
        %swap3A_136 = vector.shape_cast %broadcast_in_dim3A_1 : vector<16xf32> to vector<1x16xf32>
        tpu.vector_store %arg13[%swap3A, %swap3A_133], %swap3A_136 {strides = array<i32>} : memref<32x128xf32, #tpu.memory_space<vmem>>, vector<1x16xf32>,
        %scan3A_137 = arith.constant 0 : i32
        scf.yield %scan3A_137 : i32
      }
      %scan3A_128 = arith.constant 8 : i32
      scf.yield %scan3A_127 : i32
    }
    %scan3A_9 = arith.constant 32 : i32
    %mul3A_10 = arith.constant 632 : i32
    %mul3A_11 = arith.muli %arg1, %mul3A_10 : i32
    %add3A_12 = arith.constant 0 : i32
    %add3A_13 = arith.addi %mul3A_11, %add3A_12 : i32
    "tpu.region"() ({
      %run_scoped3A = tpu.sem_alloc : memref<!tpu.dma_semaphore, #tpu.memory_space<semaphore_mem>>
      %dma_start3A_120 = arith.constant 0 : i32
      %dma_start3A_121 = tpu.memref_slice %arg14[%add3A_13, %dma_start3A_120] : memref<10112x128xf32, #tpu.memory_space<vmem_shared>> -> memref<32x128xf32, #tpu.memory_space<vmem_shared>>
      %dma_start3A_122 = arith.constant 0 : i32
      %dma_start3A_123 = tpu.memref_slice %arg14[%add3A_13, %dma_start3A_122] : memref<10112x128xf32, #tpu.memory_space<vmem_shared>> -> memref<32x128xf32, #tpu.memory_space<vmem_shared>>
      tpu.enqueue_dma source(%arg13 : memref<32x128xf32, #tpu.memory_space<vmem>>) target(%dma_start3A_123 : memref<32x128xf32, #tpu.memory_space<vmem_shared>>) target_semaphore(%run_scoped3A : memref<!tpu.dma_semaphore, #tpu.memory_space<semaphore_mem>>)
      %dma_wait3A_124 = arith.constant 0 : i32
      %dma_wait3A_125 = tpu.memref_slice %arg14[%add3A_13, %dma_wait3A_124] : memref<10112x128xf32, #tpu.memory_space<vmem_shared>> -> memref<32x128xf32, #tpu.memory_space<vmem_shared>>
      %dma_wait3A_126 = arith.constant 0 : i32
      %dma_wait3A_127 = tpu.memref_slice %arg14[%add3A_13, %dma_wait3A_126] : memref<10112x128xf32, #tpu.memory_space<vmem_shared>> -> memref<32x128xf32, #tpu.memory_space<vmem_shared>>
      tpu.wait_dma2 semaphore(%run_scoped3A : memref<!tpu.dma_semaphore, #tpu.memory_space<semaphore_mem>>) src(%arg13 : memref<32x128xf32, #tpu.memory_space<vmem>>) dst(%dma_wait3A_127 : memref<32x128xf32, #tpu.memory_space<vmem_shared>>)
      tpu.yield
    }) : () -> ()
    %mul3A_14 = arith.constant 632 : i32
    %mul3A_15 = arith.muli %arg1, %mul3A_14 : i32
    %add3A_16 = arith.constant 32 : i32
    %add3A_17 = arith.addi %mul3A_15, %add3A_16 : i32
    "tpu.region"() ({
      %run_scoped3A = tpu.sem_alloc : memref<!tpu.dma_semaphore, #tpu.memory_space<semaphore_mem>>
      %dma_start3A_120 = arith.constant 0 : i32
      %dma_start3A_121 = tpu.memref_slice %arg14[%add3A_17, %dma_start3A_120] : memref<10112x128xf32, #tpu.memory_space<vmem_shared>> -> memref<32x128xf32, #tpu.memory_space<vmem_shared>>
      %dma_start3A_122 = arith.constant 0 : i32
      %dma_start3A_123 = tpu.memref_slice %arg14[%add3A_17, %dma_start3A_122] : memref<10112x128xf32, #tpu.memory_space<vmem_shared>> -> memref<32x128xf32, #tpu.memory_space<vmem_shared>>
      tpu.enqueue_dma source(%arg13 : memref<32x128xf32, #tpu.memory_space<vmem>>) target(%dma_start3A_123 : memref<32x128xf32, #tpu.memory_space<vmem_shared>>) target_semaphore(%run_scoped3A : memref<!tpu.dma_semaphore, #tpu.memory_space<semaphore_mem>>)
      %dma_wait3A_124 = arith.constant 0 : i32
      %dma_wait3A_125 = tpu.memref_slice %arg14[%add3A_17, %dma_wait3A_124] : memref<10112x128xf32, #tpu.memory_space<vmem_shared>> -> memref<32x128xf32, #tpu.memory_space<vmem_shared>>
      %dma_wait3A_126 = arith.constant 0 : i32
      %dma_wait3A_127 = tpu.memref_slice %arg14[%add3A_17, %dma_wait3A_126] : memref<10112x128xf32, #tpu.memory_space<vmem_shared>> -> memref<32x128xf32, #tpu.memory_space<vmem_shared>>
      tpu.wait_dma2 semaphore(%run_scoped3A : memref<!tpu.dma_semaphore, #tpu.memory_space<semaphore_mem>>) src(%arg13 : memref<32x128xf32, #tpu.memory_space<vmem>>) dst(%dma_wait3A_127 : memref<32x128xf32, #tpu.memory_space<vmem_shared>>)
      tpu.yield
    }) : () -> ()
    %mul3A_18 = arith.constant 632 : i32
    %mul3A_19 = arith.muli %arg1, %mul3A_18 : i32
    %add3A_20 = arith.constant 64 : i32
    %add3A_21 = arith.addi %mul3A_19, %add3A_20 : i32
    "tpu.region"() ({
      %run_scoped3A = tpu.sem_alloc : memref<!tpu.dma_semaphore, #tpu.memory_space<semaphore_mem>>
      %dma_start3A_120 = arith.constant 0 : i32
      %dma_start3A_121 = tpu.memref_slice %arg14[%add3A_21, %dma_start3A_120] : memref<10112x128xf32, #tpu.memory_space<vmem_shared>> -> memref<32x128xf32, #tpu.memory_space<vmem_shared>>
      %dma_start3A_122 = arith.constant 0 : i32
      %dma_start3A_123 = tpu.memref_slice %arg14[%add3A_21, %dma_start3A_122] : memref<10112x128xf32, #tpu.memory_space<vmem_shared>> -> memref<32x128xf32, #tpu.memory_space<vmem_shared>>
      tpu.enqueue_dma source(%arg13 : memref<32x128xf32, #tpu.memory_space<vmem>>) target(%dma_start3A_123 : memref<32x128xf32, #tpu.memory_space<vmem_shared>>) target_semaphore(%run_scoped3A : memref<!tpu.dma_semaphore, #tpu.memory_space<semaphore_mem>>)
      %dma_wait3A_124 = arith.constant 0 : i32
      %dma_wait3A_125 = tpu.memref_slice %arg14[%add3A_21, %dma_wait3A_124] : memref<10112x128xf32, #tpu.memory_space<vmem_shared>> -> memref<32x128xf32, #tpu.memory_space<vmem_shared>>
      %dma_wait3A_126 = arith.constant 0 : i32
      %dma_wait3A_127 = tpu.memref_slice %arg14[%add3A_21, %dma_wait3A_126] : memref<10112x128xf32, #tpu.memory_space<vmem_shared>> -> memref<32x128xf32, #tpu.memory_space<vmem_shared>>
      tpu.wait_dma2 semaphore(%run_scoped3A : memref<!tpu.dma_semaphore, #tpu.memory_space<semaphore_mem>>) src(%arg13 : memref<32x128xf32, #tpu.memory_space<vmem>>) dst(%dma_wait3A_127 : memref<32x128xf32, #tpu.memory_space<vmem_shared>>)
      tpu.yield
    }) : () -> ()
    %mul3A_22 = arith.constant 632 : i32
    %mul3A_23 = arith.muli %arg1, %mul3A_22 : i32
    %add3A_24 = arith.constant 96 : i32
    %add3A_25 = arith.addi %mul3A_23, %add3A_24 : i32
    "tpu.region"() ({
      %run_scoped3A = tpu.sem_alloc : memref<!tpu.dma_semaphore, #tpu.memory_space<semaphore_mem>>
      %dma_start3A_120 = arith.constant 0 : i32
      %dma_start3A_121 = tpu.memref_slice %arg14[%add3A_25, %dma_start3A_120] : memref<10112x128xf32, #tpu.memory_space<vmem_shared>> -> memref<32x128xf32, #tpu.memory_space<vmem_shared>>
      %dma_start3A_122 = arith.constant 0 : i32
      %dma_start3A_123 = tpu.memref_slice %arg14[%add3A_25, %dma_start3A_122] : memref<10112x128xf32, #tpu.memory_space<vmem_shared>> -> memref<32x128xf32, #tpu.memory_space<vmem_shared>>
      tpu.enqueue_dma source(%arg13 : memref<32x128xf32, #tpu.memory_space<vmem>>) target(%dma_start3A_123 : memref<32x128xf32, #tpu.memory_space<vmem_shared>>) target_semaphore(%run_scoped3A : memref<!tpu.dma_semaphore, #tpu.memory_space<semaphore_mem>>)
      %dma_wait3A_124 = arith.constant 0 : i32
      %dma_wait3A_125 = tpu.memref_slice %arg14[%add3A_25, %dma_wait3A_124] : memref<10112x128xf32, #tpu.memory_space<vmem_shared>> -> memref<32x128xf32, #tpu.memory_space<vmem_shared>>
      %dma_wait3A_126 = arith.constant 0 : i32
      %dma_wait3A_127 = tpu.memref_slice %arg14[%add3A_25, %dma_wait3A_126] : memref<10112x128xf32, #tpu.memory_space<vmem_shared>> -> memref<32x128xf32, #tpu.memory_space<vmem_shared>>
      tpu.wait_dma2 semaphore(%run_scoped3A : memref<!tpu.dma_semaphore, #tpu.memory_space<semaphore_mem>>) src(%arg13 : memref<32x128xf32, #tpu.memory_space<vmem>>) dst(%dma_wait3A_127 : memref<32x128xf32, #tpu.memory_space<vmem_shared>>)
      tpu.yield
    }) : () -> ()
    %mul3A_26 = arith.constant 632 : i32
    %mul3A_27 = arith.muli %arg1, %mul3A_26 : i32
    %add3A_28 = arith.constant 128 : i32
    %add3A_29 = arith.addi %mul3A_27, %add3A_28 : i32
    "tpu.region"() ({
      %run_scoped3A = tpu.sem_alloc : memref<!tpu.dma_semaphore, #tpu.memory_space<semaphore_mem>>
      %dma_start3A_120 = arith.constant 0 : i32
      %dma_start3A_121 = tpu.memref_slice %arg14[%add3A_29, %dma_start3A_120] : memref<10112x128xf32, #tpu.memory_space<vmem_shared>> -> memref<32x128xf32, #tpu.memory_space<vmem_shared>>
      %dma_start3A_122 = arith.constant 0 : i32
      %dma_start3A_123 = tpu.memref_slice %arg14[%add3A_29, %dma_start3A_122] : memref<10112x128xf32, #tpu.memory_space<vmem_shared>> -> memref<32x128xf32, #tpu.memory_space<vmem_shared>>
      tpu.enqueue_dma source(%arg13 : memref<32x128xf32, #tpu.memory_space<vmem>>) target(%dma_start3A_123 : memref<32x128xf32, #tpu.memory_space<vmem_shared>>) target_semaphore(%run_scoped3A : memref<!tpu.dma_semaphore, #tpu.memory_space<semaphore_mem>>)
      %dma_wait3A_124 = arith.constant 0 : i32
      %dma_wait3A_125 = tpu.memref_slice %arg14[%add3A_29, %dma_wait3A_124] : memref<10112x128xf32, #tpu.memory_space<vmem_shared>> -> memref<32x128xf32, #tpu.memory_space<vmem_shared>>
      %dma_wait3A_126 = arith.constant 0 : i32
      %dma_wait3A_127 = tpu.memref_slice %arg14[%add3A_29, %dma_wait3A_126] : memref<10112x128xf32, #tpu.memory_space<vmem_shared>> -> memref<32x128xf32, #tpu.memory_space<vmem_shared>>
      tpu.wait_dma2 semaphore(%run_scoped3A : memref<!tpu.dma_semaphore, #tpu.memory_space<semaphore_mem>>) src(%arg13 : memref<32x128xf32, #tpu.memory_space<vmem>>) dst(%dma_wait3A_127 : memref<32x128xf32, #tpu.memory_space<vmem_shared>>)
      tpu.yield
    }) : () -> ()
    %mul3A_30 = arith.constant 632 : i32
    %mul3A_31 = arith.muli %arg1, %mul3A_30 : i32
    %add3A_32 = arith.constant 160 : i32
    %add3A_33 = arith.addi %mul3A_31, %add3A_32 : i32
    "tpu.region"() ({
      %run_scoped3A = tpu.sem_alloc : memref<!tpu.dma_semaphore, #tpu.memory_space<semaphore_mem>>
      %dma_start3A_120 = arith.constant 0 : i32
      %dma_start3A_121 = tpu.memref_slice %arg14[%add3A_33, %dma_start3A_120] : memref<10112x128xf32, #tpu.memory_space<vmem_shared>> -> memref<32x128xf32, #tpu.memory_space<vmem_shared>>
      %dma_start3A_122 = arith.constant 0 : i32
      %dma_start3A_123 = tpu.memref_slice %arg14[%add3A_33, %dma_start3A_122] : memref<10112x128xf32, #tpu.memory_space<vmem_shared>> -> memref<32x128xf32, #tpu.memory_space<vmem_shared>>
      tpu.enqueue_dma source(%arg13 : memref<32x128xf32, #tpu.memory_space<vmem>>) target(%dma_start3A_123 : memref<32x128xf32, #tpu.memory_space<vmem_shared>>) target_semaphore(%run_scoped3A : memref<!tpu.dma_semaphore, #tpu.memory_space<semaphore_mem>>)
      %dma_wait3A_124 = arith.constant 0 : i32
      %dma_wait3A_125 = tpu.memref_slice %arg14[%add3A_33, %dma_wait3A_124] : memref<10112x128xf32, #tpu.memory_space<vmem_shared>> -> memref<32x128xf32, #tpu.memory_space<vmem_shared>>
      %dma_wait3A_126 = arith.constant 0 : i32
      %dma_wait3A_127 = tpu.memref_slice %arg14[%add3A_33, %dma_wait3A_126] : memref<10112x128xf32, #tpu.memory_space<vmem_shared>> -> memref<32x128xf32, #tpu.memory_space<vmem_shared>>
      tpu.wait_dma2 semaphore(%run_scoped3A : memref<!tpu.dma_semaphore, #tpu.memory_space<semaphore_mem>>) src(%arg13 : memref<32x128xf32, #tpu.memory_space<vmem>>) dst(%dma_wait3A_127 : memref<32x128xf32, #tpu.memory_space<vmem_shared>>)
      tpu.yield
    }) : () -> ()
    %mul3A_34 = arith.constant 632 : i32
    %mul3A_35 = arith.muli %arg1, %mul3A_34 : i32
    %add3A_36 = arith.constant 192 : i32
    %add3A_37 = arith.addi %mul3A_35, %add3A_36 : i32
    "tpu.region"() ({
      %run_scoped3A = tpu.sem_alloc : memref<!tpu.dma_semaphore, #tpu.memory_space<semaphore_mem>>
      %dma_start3A_120 = arith.constant 0 : i32
      %dma_start3A_121 = tpu.memref_slice %arg14[%add3A_37, %dma_start3A_120] : memref<10112x128xf32, #tpu.memory_space<vmem_shared>> -> memref<32x128xf32, #tpu.memory_space<vmem_shared>>
      %dma_start3A_122 = arith.constant 0 : i32
      %dma_start3A_123 = tpu.memref_slice %arg14[%add3A_37, %dma_start3A_122] : memref<10112x128xf32, #tpu.memory_space<vmem_shared>> -> memref<32x128xf32, #tpu.memory_space<vmem_shared>>
      tpu.enqueue_dma source(%arg13 : memref<32x128xf32, #tpu.memory_space<vmem>>) target(%dma_start3A_123 : memref<32x128xf32, #tpu.memory_space<vmem_shared>>) target_semaphore(%run_scoped3A : memref<!tpu.dma_semaphore, #tpu.memory_space<semaphore_mem>>)
      %dma_wait3A_124 = arith.constant 0 : i32
      %dma_wait3A_125 = tpu.memref_slice %arg14[%add3A_37, %dma_wait3A_124] : memref<10112x128xf32, #tpu.memory_space<vmem_shared>> -> memref<32x128xf32, #tpu.memory_space<vmem_shared>>
      %dma_wait3A_126 = arith.constant 0 : i32
      %dma_wait3A_127 = tpu.memref_slice %arg14[%add3A_37, %dma_wait3A_126] : memref<10112x128xf32, #tpu.memory_space<vmem_shared>> -> memref<32x128xf32, #tpu.memory_space<vmem_shared>>
      tpu.wait_dma2 semaphore(%run_scoped3A : memref<!tpu.dma_semaphore, #tpu.memory_space<semaphore_mem>>) src(%arg13 : memref<32x128xf32, #tpu.memory_space<vmem>>) dst(%dma_wait3A_127 : memref<32x128xf32, #tpu.memory_space<vmem_shared>>)
      tpu.yield
    }) : () -> ()
    %mul3A_38 = arith.constant 632 : i32
    %mul3A_39 = arith.muli %arg1, %mul3A_38 : i32
    %add3A_40 = arith.constant 224 : i32
    %add3A_41 = arith.addi %mul3A_39, %add3A_40 : i32
    "tpu.region"() ({
      %run_scoped3A = tpu.sem_alloc : memref<!tpu.dma_semaphore, #tpu.memory_space<semaphore_mem>>
      %dma_start3A_120 = arith.constant 0 : i32
      %dma_start3A_121 = tpu.memref_slice %arg14[%add3A_41, %dma_start3A_120] : memref<10112x128xf32, #tpu.memory_space<vmem_shared>> -> memref<32x128xf32, #tpu.memory_space<vmem_shared>>
      %dma_start3A_122 = arith.constant 0 : i32
      %dma_start3A_123 = tpu.memref_slice %arg14[%add3A_41, %dma_start3A_122] : memref<10112x128xf32, #tpu.memory_space<vmem_shared>> -> memref<32x128xf32, #tpu.memory_space<vmem_shared>>
      tpu.enqueue_dma source(%arg13 : memref<32x128xf32, #tpu.memory_space<vmem>>) target(%dma_start3A_123 : memref<32x128xf32, #tpu.memory_space<vmem_shared>>) target_semaphore(%run_scoped3A : memref<!tpu.dma_semaphore, #tpu.memory_space<semaphore_mem>>)
      %dma_wait3A_124 = arith.constant 0 : i32
      %dma_wait3A_125 = tpu.memref_slice %arg14[%add3A_41, %dma_wait3A_124] : memref<10112x128xf32, #tpu.memory_space<vmem_shared>> -> memref<32x128xf32, #tpu.memory_space<vmem_shared>>
      %dma_wait3A_126 = arith.constant 0 : i32
      %dma_wait3A_127 = tpu.memref_slice %arg14[%add3A_41, %dma_wait3A_126] : memref<10112x128xf32, #tpu.memory_space<vmem_shared>> -> memref<32x128xf32, #tpu.memory_space<vmem_shared>>
      tpu.wait_dma2 semaphore(%run_scoped3A : memref<!tpu.dma_semaphore, #tpu.memory_space<semaphore_mem>>) src(%arg13 : memref<32x128xf32, #tpu.memory_space<vmem>>) dst(%dma_wait3A_127 : memref<32x128xf32, #tpu.memory_space<vmem_shared>>)
      tpu.yield
    }) : () -> ()
    %mul3A_42 = arith.constant 632 : i32
    %mul3A_43 = arith.muli %arg1, %mul3A_42 : i32
    %add3A_44 = arith.constant 256 : i32
    %add3A_45 = arith.addi %mul3A_43, %add3A_44 : i32
    "tpu.region"() ({
      %run_scoped3A = tpu.sem_alloc : memref<!tpu.dma_semaphore, #tpu.memory_space<semaphore_mem>>
      %dma_start3A_120 = arith.constant 0 : i32
      %dma_start3A_121 = tpu.memref_slice %arg14[%add3A_45, %dma_start3A_120] : memref<10112x128xf32, #tpu.memory_space<vmem_shared>> -> memref<32x128xf32, #tpu.memory_space<vmem_shared>>
      %dma_start3A_122 = arith.constant 0 : i32
      %dma_start3A_123 = tpu.memref_slice %arg14[%add3A_45, %dma_start3A_122] : memref<10112x128xf32, #tpu.memory_space<vmem_shared>> -> memref<32x128xf32, #tpu.memory_space<vmem_shared>>
      tpu.enqueue_dma source(%arg13 : memref<32x128xf32, #tpu.memory_space<vmem>>) target(%dma_start3A_123 : memref<32x128xf32, #tpu.memory_space<vmem_shared>>) target_semaphore(%run_scoped3A : memref<!tpu.dma_semaphore, #tpu.memory_space<semaphore_mem>>)
      %dma_wait3A_124 = arith.constant 0 : i32
      %dma_wait3A_125 = tpu.memref_slice %arg14[%add3A_45, %dma_wait3A_124] : memref<10112x128xf32, #tpu.memory_space<vmem_shared>> -> memref<32x128xf32, #tpu.memory_space<vmem_shared>>
      %dma_wait3A_126 = arith.constant 0 : i32
      %dma_wait3A_127 = tpu.memref_slice %arg14[%add3A_45, %dma_wait3A_126] : memref<10112x128xf32, #tpu.memory_space<vmem_shared>> -> memref<32x128xf32, #tpu.memory_space<vmem_shared>>
      tpu.wait_dma2 semaphore(%run_scoped3A : memref<!tpu.dma_semaphore, #tpu.memory_space<semaphore_mem>>) src(%arg13 : memref<32x128xf32, #tpu.memory_space<vmem>>) dst(%dma_wait3A_127 : memref<32x128xf32, #tpu.memory_space<vmem_shared>>)
      tpu.yield
    }) : () -> ()
    %mul3A_46 = arith.constant 632 : i32
    %mul3A_47 = arith.muli %arg1, %mul3A_46 : i32
    %add3A_48 = arith.constant 288 : i32
    %add3A_49 = arith.addi %mul3A_47, %add3A_48 : i32
    "tpu.region"() ({
      %run_scoped3A = tpu.sem_alloc : memref<!tpu.dma_semaphore, #tpu.memory_space<semaphore_mem>>
      %dma_start3A_120 = arith.constant 0 : i32
      %dma_start3A_121 = tpu.memref_slice %arg14[%add3A_49, %dma_start3A_120] : memref<10112x128xf32, #tpu.memory_space<vmem_shared>> -> memref<32x128xf32, #tpu.memory_space<vmem_shared>>
      %dma_start3A_122 = arith.constant 0 : i32
      %dma_start3A_123 = tpu.memref_slice %arg14[%add3A_49, %dma_start3A_122] : memref<10112x128xf32, #tpu.memory_space<vmem_shared>> -> memref<32x128xf32, #tpu.memory_space<vmem_shared>>
      tpu.enqueue_dma source(%arg13 : memref<32x128xf32, #tpu.memory_space<vmem>>) target(%dma_start3A_123 : memref<32x128xf32, #tpu.memory_space<vmem_shared>>) target_semaphore(%run_scoped3A : memref<!tpu.dma_semaphore, #tpu.memory_space<semaphore_mem>>)
      %dma_wait3A_124 = arith.constant 0 : i32
      %dma_wait3A_125 = tpu.memref_slice %arg14[%add3A_49, %dma_wait3A_124] : memref<10112x128xf32, #tpu.memory_space<vmem_shared>> -> memref<32x128xf32, #tpu.memory_space<vmem_shared>>
      %dma_wait3A_126 = arith.constant 0 : i32
      %dma_wait3A_127 = tpu.memref_slice %arg14[%add3A_49, %dma_wait3A_126] : memref<10112x128xf32, #tpu.memory_space<vmem_shared>> -> memref<32x128xf32, #tpu.memory_space<vmem_shared>>
      tpu.wait_dma2 semaphore(%run_scoped3A : memref<!tpu.dma_semaphore, #tpu.memory_space<semaphore_mem>>) src(%arg13 : memref<32x128xf32, #tpu.memory_space<vmem>>) dst(%dma_wait3A_127 : memref<32x128xf32, #tpu.memory_space<vmem_shared>>)
      tpu.yield
    }) : () -> ()
    %mul3A_50 = arith.constant 632 : i32
    %mul3A_51 = arith.muli %arg1, %mul3A_50 : i32
    %add3A_52 = arith.constant 320 : i32
    %add3A_53 = arith.addi %mul3A_51, %add3A_52 : i32
    "tpu.region"() ({
      %run_scoped3A = tpu.sem_alloc : memref<!tpu.dma_semaphore, #tpu.memory_space<semaphore_mem>>
      %dma_start3A_120 = arith.constant 0 : i32
      %dma_start3A_121 = tpu.memref_slice %arg14[%add3A_53, %dma_start3A_120] : memref<10112x128xf32, #tpu.memory_space<vmem_shared>> -> memref<32x128xf32, #tpu.memory_space<vmem_shared>>
      %dma_start3A_122 = arith.constant 0 : i32
      %dma_start3A_123 = tpu.memref_slice %arg14[%add3A_53, %dma_start3A_122] : memref<10112x128xf32, #tpu.memory_space<vmem_shared>> -> memref<32x128xf32, #tpu.memory_space<vmem_shared>>
      tpu.enqueue_dma source(%arg13 : memref<32x128xf32, #tpu.memory_space<vmem>>) target(%dma_start3A_123 : memref<32x128xf32, #tpu.memory_space<vmem_shared>>) target_semaphore(%run_scoped3A : memref<!tpu.dma_semaphore, #tpu.memory_space<semaphore_mem>>)
      %dma_wait3A_124 = arith.constant 0 : i32
      %dma_wait3A_125 = tpu.memref_slice %arg14[%add3A_53, %dma_wait3A_124] : memref<10112x128xf32, #tpu.memory_space<vmem_shared>> -> memref<32x128xf32, #tpu.memory_space<vmem_shared>>
      %dma_wait3A_126 = arith.constant 0 : i32
      %dma_wait3A_127 = tpu.memref_slice %arg14[%add3A_53, %dma_wait3A_126] : memref<10112x128xf32, #tpu.memory_space<vmem_shared>> -> memref<32x128xf32, #tpu.memory_space<vmem_shared>>
      tpu.wait_dma2 semaphore(%run_scoped3A : memref<!tpu.dma_semaphore, #tpu.memory_space<semaphore_mem>>) src(%arg13 : memref<32x128xf32, #tpu.memory_space<vmem>>) dst(%dma_wait3A_127 : memref<32x128xf32, #tpu.memory_space<vmem_shared>>)
      tpu.yield
    }) : () -> ()
    %mul3A_54 = arith.constant 632 : i32
    %mul3A_55 = arith.muli %arg1, %mul3A_54 : i32
    %add3A_56 = arith.constant 352 : i32
    %add3A_57 = arith.addi %mul3A_55, %add3A_56 : i32
    "tpu.region"() ({
      %run_scoped3A = tpu.sem_alloc : memref<!tpu.dma_semaphore, #tpu.memory_space<semaphore_mem>>
      %dma_start3A_120 = arith.constant 0 : i32
      %dma_start3A_121 = tpu.memref_slice %arg14[%add3A_57, %dma_start3A_120] : memref<10112x128xf32, #tpu.memory_space<vmem_shared>> -> memref<32x128xf32, #tpu.memory_space<vmem_shared>>
      %dma_start3A_122 = arith.constant 0 : i32
      %dma_start3A_123 = tpu.memref_slice %arg14[%add3A_57, %dma_start3A_122] : memref<10112x128xf32, #tpu.memory_space<vmem_shared>> -> memref<32x128xf32, #tpu.memory_space<vmem_shared>>
      tpu.enqueue_dma source(%arg13 : memref<32x128xf32, #tpu.memory_space<vmem>>) target(%dma_start3A_123 : memref<32x128xf32, #tpu.memory_space<vmem_shared>>) target_semaphore(%run_scoped3A : memref<!tpu.dma_semaphore, #tpu.memory_space<semaphore_mem>>)
      %dma_wait3A_124 = arith.constant 0 : i32
      %dma_wait3A_125 = tpu.memref_slice %arg14[%add3A_57, %dma_wait3A_124] : memref<10112x128xf32, #tpu.memory_space<vmem_shared>> -> memref<32x128xf32, #tpu.memory_space<vmem_shared>>
      %dma_wait3A_126 = arith.constant 0 : i32
      %dma_wait3A_127 = tpu.memref_slice %arg14[%add3A_57, %dma_wait3A_126] : memref<10112x128xf32, #tpu.memory_space<vmem_shared>> -> memref<32x128xf32, #tpu.memory_space<vmem_shared>>
      tpu.wait_dma2 semaphore(%run_scoped3A : memref<!tpu.dma_semaphore, #tpu.memory_space<semaphore_mem>>) src(%arg13 : memref<32x128xf32, #tpu.memory_space<vmem>>) dst(%dma_wait3A_127 : memref<32x128xf32, #tpu.memory_space<vmem_shared>>)
      tpu.yield
    }) : () -> ()
    %mul3A_58 = arith.constant 632 : i32
    %mul3A_59 = arith.muli %arg1, %mul3A_58 : i32
    %add3A_60 = arith.constant 384 : i32
    %add3A_61 = arith.addi %mul3A_59, %add3A_60 : i32
    "tpu.region"() ({
      %run_scoped3A = tpu.sem_alloc : memref<!tpu.dma_semaphore, #tpu.memory_space<semaphore_mem>>
      %dma_start3A_120 = arith.constant 0 : i32
      %dma_start3A_121 = tpu.memref_slice %arg14[%add3A_61, %dma_start3A_120] : memref<10112x128xf32, #tpu.memory_space<vmem_shared>> -> memref<32x128xf32, #tpu.memory_space<vmem_shared>>
      %dma_start3A_122 = arith.constant 0 : i32
      %dma_start3A_123 = tpu.memref_slice %arg14[%add3A_61, %dma_start3A_122] : memref<10112x128xf32, #tpu.memory_space<vmem_shared>> -> memref<32x128xf32, #tpu.memory_space<vmem_shared>>
      tpu.enqueue_dma source(%arg13 : memref<32x128xf32, #tpu.memory_space<vmem>>) target(%dma_start3A_123 : memref<32x128xf32, #tpu.memory_space<vmem_shared>>) target_semaphore(%run_scoped3A : memref<!tpu.dma_semaphore, #tpu.memory_space<semaphore_mem>>)
      %dma_wait3A_124 = arith.constant 0 : i32
      %dma_wait3A_125 = tpu.memref_slice %arg14[%add3A_61, %dma_wait3A_124] : memref<10112x128xf32, #tpu.memory_space<vmem_shared>> -> memref<32x128xf32, #tpu.memory_space<vmem_shared>>
      %dma_wait3A_126 = arith.constant 0 : i32
      %dma_wait3A_127 = tpu.memref_slice %arg14[%add3A_61, %dma_wait3A_126] : memref<10112x128xf32, #tpu.memory_space<vmem_shared>> -> memref<32x128xf32, #tpu.memory_space<vmem_shared>>
      tpu.wait_dma2 semaphore(%run_scoped3A : memref<!tpu.dma_semaphore, #tpu.memory_space<semaphore_mem>>) src(%arg13 : memref<32x128xf32, #tpu.memory_space<vmem>>) dst(%dma_wait3A_127 : memref<32x128xf32, #tpu.memory_space<vmem_shared>>)
      tpu.yield
    }) : () -> ()
    %mul3A_62 = arith.constant 632 : i32
    %mul3A_63 = arith.muli %arg1, %mul3A_62 : i32
    %add3A_64 = arith.constant 416 : i32
    %add3A_65 = arith.addi %mul3A_63, %add3A_64 : i32
    "tpu.region"() ({
      %run_scoped3A = tpu.sem_alloc : memref<!tpu.dma_semaphore, #tpu.memory_space<semaphore_mem>>
      %dma_start3A_120 = arith.constant 0 : i32
      %dma_start3A_121 = tpu.memref_slice %arg14[%add3A_65, %dma_start3A_120] : memref<10112x128xf32, #tpu.memory_space<vmem_shared>> -> memref<32x128xf32, #tpu.memory_space<vmem_shared>>
      %dma_start3A_122 = arith.constant 0 : i32
      %dma_start3A_123 = tpu.memref_slice %arg14[%add3A_65, %dma_start3A_122] : memref<10112x128xf32, #tpu.memory_space<vmem_shared>> -> memref<32x128xf32, #tpu.memory_space<vmem_shared>>
      tpu.enqueue_dma source(%arg13 : memref<32x128xf32, #tpu.memory_space<vmem>>) target(%dma_start3A_123 : memref<32x128xf32, #tpu.memory_space<vmem_shared>>) target_semaphore(%run_scoped3A : memref<!tpu.dma_semaphore, #tpu.memory_space<semaphore_mem>>)
      %dma_wait3A_124 = arith.constant 0 : i32
      %dma_wait3A_125 = tpu.memref_slice %arg14[%add3A_65, %dma_wait3A_124] : memref<10112x128xf32, #tpu.memory_space<vmem_shared>> -> memref<32x128xf32, #tpu.memory_space<vmem_shared>>
      %dma_wait3A_126 = arith.constant 0 : i32
      %dma_wait3A_127 = tpu.memref_slice %arg14[%add3A_65, %dma_wait3A_126] : memref<10112x128xf32, #tpu.memory_space<vmem_shared>> -> memref<32x128xf32, #tpu.memory_space<vmem_shared>>
      tpu.wait_dma2 semaphore(%run_scoped3A : memref<!tpu.dma_semaphore, #tpu.memory_space<semaphore_mem>>) src(%arg13 : memref<32x128xf32, #tpu.memory_space<vmem>>) dst(%dma_wait3A_127 : memref<32x128xf32, #tpu.memory_space<vmem_shared>>)
      tpu.yield
    }) : () -> ()
    %mul3A_66 = arith.constant 632 : i32
    %mul3A_67 = arith.muli %arg1, %mul3A_66 : i32
    %add3A_68 = arith.constant 448 : i32
    %add3A_69 = arith.addi %mul3A_67, %add3A_68 : i32
    "tpu.region"() ({
      %run_scoped3A = tpu.sem_alloc : memref<!tpu.dma_semaphore, #tpu.memory_space<semaphore_mem>>
      %dma_start3A_120 = arith.constant 0 : i32
      %dma_start3A_121 = tpu.memref_slice %arg14[%add3A_69, %dma_start3A_120] : memref<10112x128xf32, #tpu.memory_space<vmem_shared>> -> memref<32x128xf32, #tpu.memory_space<vmem_shared>>
      %dma_start3A_122 = arith.constant 0 : i32
      %dma_start3A_123 = tpu.memref_slice %arg14[%add3A_69, %dma_start3A_122] : memref<10112x128xf32, #tpu.memory_space<vmem_shared>> -> memref<32x128xf32, #tpu.memory_space<vmem_shared>>
      tpu.enqueue_dma source(%arg13 : memref<32x128xf32, #tpu.memory_space<vmem>>) target(%dma_start3A_123 : memref<32x128xf32, #tpu.memory_space<vmem_shared>>) target_semaphore(%run_scoped3A : memref<!tpu.dma_semaphore, #tpu.memory_space<semaphore_mem>>)
      %dma_wait3A_124 = arith.constant 0 : i32
      %dma_wait3A_125 = tpu.memref_slice %arg14[%add3A_69, %dma_wait3A_124] : memref<10112x128xf32, #tpu.memory_space<vmem_shared>> -> memref<32x128xf32, #tpu.memory_space<vmem_shared>>
      %dma_wait3A_126 = arith.constant 0 : i32
      %dma_wait3A_127 = tpu.memref_slice %arg14[%add3A_69, %dma_wait3A_126] : memref<10112x128xf32, #tpu.memory_space<vmem_shared>> -> memref<32x128xf32, #tpu.memory_space<vmem_shared>>
      tpu.wait_dma2 semaphore(%run_scoped3A : memref<!tpu.dma_semaphore, #tpu.memory_space<semaphore_mem>>) src(%arg13 : memref<32x128xf32, #tpu.memory_space<vmem>>) dst(%dma_wait3A_127 : memref<32x128xf32, #tpu.memory_space<vmem_shared>>)
      tpu.yield
    }) : () -> ()
    %mul3A_70 = arith.constant 632 : i32
    %mul3A_71 = arith.muli %arg1, %mul3A_70 : i32
    %add3A_72 = arith.constant 480 : i32
    %add3A_73 = arith.addi %mul3A_71, %add3A_72 : i32
    "tpu.region"() ({
      %run_scoped3A = tpu.sem_alloc : memref<!tpu.dma_semaphore, #tpu.memory_space<semaphore_mem>>
      %dma_start3A_120 = arith.constant 0 : i32
      %dma_start3A_121 = tpu.memref_slice %arg14[%add3A_73, %dma_start3A_120] : memref<10112x128xf32, #tpu.memory_space<vmem_shared>> -> memref<32x128xf32, #tpu.memory_space<vmem_shared>>
      %dma_start3A_122 = arith.constant 0 : i32
      %dma_start3A_123 = tpu.memref_slice %arg14[%add3A_73, %dma_start3A_122] : memref<10112x128xf32, #tpu.memory_space<vmem_shared>> -> memref<32x128xf32, #tpu.memory_space<vmem_shared>>
      tpu.enqueue_dma source(%arg13 : memref<32x128xf32, #tpu.memory_space<vmem>>) target(%dma_start3A_123 : memref<32x128xf32, #tpu.memory_space<vmem_shared>>) target_semaphore(%run_scoped3A : memref<!tpu.dma_semaphore, #tpu.memory_space<semaphore_mem>>)
      %dma_wait3A_124 = arith.constant 0 : i32
      %dma_wait3A_125 = tpu.memref_slice %arg14[%add3A_73, %dma_wait3A_124] : memref<10112x128xf32, #tpu.memory_space<vmem_shared>> -> memref<32x128xf32, #tpu.memory_space<vmem_shared>>
      %dma_wait3A_126 = arith.constant 0 : i32
      %dma_wait3A_127 = tpu.memref_slice %arg14[%add3A_73, %dma_wait3A_126] : memref<10112x128xf32, #tpu.memory_space<vmem_shared>> -> memref<32x128xf32, #tpu.memory_space<vmem_shared>>
      tpu.wait_dma2 semaphore(%run_scoped3A : memref<!tpu.dma_semaphore, #tpu.memory_space<semaphore_mem>>) src(%arg13 : memref<32x128xf32, #tpu.memory_space<vmem>>) dst(%dma_wait3A_127 : memref<32x128xf32, #tpu.memory_space<vmem_shared>>)
      tpu.yield
    }) : () -> ()
    %mul3A_74 = arith.constant 632 : i32
    %mul3A_75 = arith.muli %arg1, %mul3A_74 : i32
    %add3A_76 = arith.constant 512 : i32
    %add3A_77 = arith.addi %mul3A_75, %add3A_76 : i32
    "tpu.region"() ({
      %run_scoped3A = tpu.sem_alloc : memref<!tpu.dma_semaphore, #tpu.memory_space<semaphore_mem>>
      %dma_start3A_120 = arith.constant 0 : i32
      %dma_start3A_121 = tpu.memref_slice %arg14[%add3A_77, %dma_start3A_120] : memref<10112x128xf32, #tpu.memory_space<vmem_shared>> -> memref<32x128xf32, #tpu.memory_space<vmem_shared>>
      %dma_start3A_122 = arith.constant 0 : i32
      %dma_start3A_123 = tpu.memref_slice %arg14[%add3A_77, %dma_start3A_122] : memref<10112x128xf32, #tpu.memory_space<vmem_shared>> -> memref<32x128xf32, #tpu.memory_space<vmem_shared>>
      tpu.enqueue_dma source(%arg13 : memref<32x128xf32, #tpu.memory_space<vmem>>) target(%dma_start3A_123 : memref<32x128xf32, #tpu.memory_space<vmem_shared>>) target_semaphore(%run_scoped3A : memref<!tpu.dma_semaphore, #tpu.memory_space<semaphore_mem>>)
      %dma_wait3A_124 = arith.constant 0 : i32
      %dma_wait3A_125 = tpu.memref_slice %arg14[%add3A_77, %dma_wait3A_124] : memref<10112x128xf32, #tpu.memory_space<vmem_shared>> -> memref<32x128xf32, #tpu.memory_space<vmem_shared>>
      %dma_wait3A_126 = arith.constant 0 : i32
      %dma_wait3A_127 = tpu.memref_slice %arg14[%add3A_77, %dma_wait3A_126] : memref<10112x128xf32, #tpu.memory_space<vmem_shared>> -> memref<32x128xf32, #tpu.memory_space<vmem_shared>>
      tpu.wait_dma2 semaphore(%run_scoped3A : memref<!tpu.dma_semaphore, #tpu.memory_space<semaphore_mem>>) src(%arg13 : memref<32x128xf32, #tpu.memory_space<vmem>>) dst(%dma_wait3A_127 : memref<32x128xf32, #tpu.memory_space<vmem_shared>>)
      tpu.yield
    }) : () -> ()
    %mul3A_78 = arith.constant 632 : i32
    %mul3A_79 = arith.muli %arg1, %mul3A_78 : i32
    %add3A_80 = arith.constant 544 : i32
    %add3A_81 = arith.addi %mul3A_79, %add3A_80 : i32
    "tpu.region"() ({
      %run_scoped3A = tpu.sem_alloc : memref<!tpu.dma_semaphore, #tpu.memory_space<semaphore_mem>>
      %dma_start3A_120 = arith.constant 0 : i32
      %dma_start3A_121 = tpu.memref_slice %arg14[%add3A_81, %dma_start3A_120] : memref<10112x128xf32, #tpu.memory_space<vmem_shared>> -> memref<32x128xf32, #tpu.memory_space<vmem_shared>>
      %dma_start3A_122 = arith.constant 0 : i32
      %dma_start3A_123 = tpu.memref_slice %arg14[%add3A_81, %dma_start3A_122] : memref<10112x128xf32, #tpu.memory_space<vmem_shared>> -> memref<32x128xf32, #tpu.memory_space<vmem_shared>>
      tpu.enqueue_dma source(%arg13 : memref<32x128xf32, #tpu.memory_space<vmem>>) target(%dma_start3A_123 : memref<32x128xf32, #tpu.memory_space<vmem_shared>>) target_semaphore(%run_scoped3A : memref<!tpu.dma_semaphore, #tpu.memory_space<semaphore_mem>>)
      %dma_wait3A_124 = arith.constant 0 : i32
      %dma_wait3A_125 = tpu.memref_slice %arg14[%add3A_81, %dma_wait3A_124] : memref<10112x128xf32, #tpu.memory_space<vmem_shared>> -> memref<32x128xf32, #tpu.memory_space<vmem_shared>>
      %dma_wait3A_126 = arith.constant 0 : i32
      %dma_wait3A_127 = tpu.memref_slice %arg14[%add3A_81, %dma_wait3A_126] : memref<10112x128xf32, #tpu.memory_space<vmem_shared>> -> memref<32x128xf32, #tpu.memory_space<vmem_shared>>
      tpu.wait_dma2 semaphore(%run_scoped3A : memref<!tpu.dma_semaphore, #tpu.memory_space<semaphore_mem>>) src(%arg13 : memref<32x128xf32, #tpu.memory_space<vmem>>) dst(%dma_wait3A_127 : memref<32x128xf32, #tpu.memory_space<vmem_shared>>)
      tpu.yield
    }) : () -> ()
    %mul3A_82 = arith.constant 632 : i32
    %mul3A_83 = arith.muli %arg1, %mul3A_82 : i32
    %add3A_84 = arith.constant 576 : i32
    %add3A_85 = arith.addi %mul3A_83, %add3A_84 : i32
    "tpu.region"() ({
      %run_scoped3A = tpu.sem_alloc : memref<!tpu.dma_semaphore, #tpu.memory_space<semaphore_mem>>
      %dma_start3A_120 = arith.constant 0 : i32
      %dma_start3A_121 = tpu.memref_slice %arg14[%add3A_85, %dma_start3A_120] : memref<10112x128xf32, #tpu.memory_space<vmem_shared>> -> memref<32x128xf32, #tpu.memory_space<vmem_shared>>
      %dma_start3A_122 = arith.constant 0 : i32
      %dma_start3A_123 = tpu.memref_slice %arg14[%add3A_85, %dma_start3A_122] : memref<10112x128xf32, #tpu.memory_space<vmem_shared>> -> memref<32x128xf32, #tpu.memory_space<vmem_shared>>
      tpu.enqueue_dma source(%arg13 : memref<32x128xf32, #tpu.memory_space<vmem>>) target(%dma_start3A_123 : memref<32x128xf32, #tpu.memory_space<vmem_shared>>) target_semaphore(%run_scoped3A : memref<!tpu.dma_semaphore, #tpu.memory_space<semaphore_mem>>)
      %dma_wait3A_124 = arith.constant 0 : i32
      %dma_wait3A_125 = tpu.memref_slice %arg14[%add3A_85, %dma_wait3A_124] : memref<10112x128xf32, #tpu.memory_space<vmem_shared>> -> memref<32x128xf32, #tpu.memory_space<vmem_shared>>
      %dma_wait3A_126 = arith.constant 0 : i32
      %dma_wait3A_127 = tpu.memref_slice %arg14[%add3A_85, %dma_wait3A_126] : memref<10112x128xf32, #tpu.memory_space<vmem_shared>> -> memref<32x128xf32, #tpu.memory_space<vmem_shared>>
      tpu.wait_dma2 semaphore(%run_scoped3A : memref<!tpu.dma_semaphore, #tpu.memory_space<semaphore_mem>>) src(%arg13 : memref<32x128xf32, #tpu.memory_space<vmem>>) dst(%dma_wait3A_127 : memref<32x128xf32, #tpu.memory_space<vmem_shared>>)
      tpu.yield
    }) : () -> ()
    %mul3A_86 = arith.constant 632 : i32
    %mul3A_87 = arith.muli %arg1, %mul3A_86 : i32
    %add3A_88 = arith.constant 608 : i32
    %add3A_89 = arith.addi %mul3A_87, %add3A_88 : i32
    "tpu.region"() ({
      %run_scoped3A = tpu.sem_alloc : memref<!tpu.dma_semaphore, #tpu.memory_space<semaphore_mem>>
      %dma_start3A_120 = arith.constant 0 : i32
      %dma_start3A_121 = arith.constant 0 : i32
      %dma_start3A_122 = tpu.memref_slice %arg13[%dma_start3A_120, %dma_start3A_121] : memref<32x128xf32, #tpu.memory_space<vmem>> -> memref<24x128xf32, #tpu.memory_space<vmem>>
      %dma_start3A_123 = arith.constant 0 : i32
      %dma_start3A_124 = tpu.memref_slice %arg14[%add3A_89, %dma_start3A_123] : memref<10112x128xf32, #tpu.memory_space<vmem_shared>> -> memref<24x128xf32, #tpu.memory_space<vmem_shared>>
      %dma_start3A_125 = arith.constant 0 : i32
      %dma_start3A_126 = tpu.memref_slice %arg14[%add3A_89, %dma_start3A_125] : memref<10112x128xf32, #tpu.memory_space<vmem_shared>> -> memref<24x128xf32, #tpu.memory_space<vmem_shared>>
      %dma_start3A_127 = arith.constant 0 : i32
      %dma_start3A_128 = arith.constant 0 : i32
      %dma_start3A_129 = tpu.memref_slice %arg13[%dma_start3A_127, %dma_start3A_128] : memref<32x128xf32, #tpu.memory_space<vmem>> -> memref<24x128xf32, #tpu.memory_space<vmem>>
      tpu.enqueue_dma source(%dma_start3A_129 : memref<24x128xf32, #tpu.memory_space<vmem>>) target(%dma_start3A_126 : memref<24x128xf32, #tpu.memory_space<vmem_shared>>) target_semaphore(%run_scoped3A : memref<!tpu.dma_semaphore, #tpu.memory_space<semaphore_mem>>)
      %dma_wait3A_130 = arith.constant 0 : i32
      %dma_wait3A_131 = arith.constant 0 : i32
      %dma_wait3A_132 = tpu.memref_slice %arg13[%dma_wait3A_130, %dma_wait3A_131] : memref<32x128xf32, #tpu.memory_space<vmem>> -> memref<24x128xf32, #tpu.memory_space<vmem>>
      %dma_wait3A_133 = arith.constant 0 : i32
      %dma_wait3A_134 = tpu.memref_slice %arg14[%add3A_89, %dma_wait3A_133] : memref<10112x128xf32, #tpu.memory_space<vmem_shared>> -> memref<24x128xf32, #tpu.memory_space<vmem_shared>>
      %dma_wait3A_135 = arith.constant 0 : i32
      %dma_wait3A_136 = tpu.memref_slice %arg14[%add3A_89, %dma_wait3A_135] : memref<10112x128xf32, #tpu.memory_space<vmem_shared>> -> memref<24x128xf32, #tpu.memory_space<vmem_shared>>
      %dma_wait3A_137 = arith.constant 0 : i32
      %dma_wait3A_138 = arith.constant 0 : i32
      %dma_wait3A_139 = tpu.memref_slice %arg13[%dma_wait3A_137, %dma_wait3A_138] : memref<32x128xf32, #tpu.memory_space<vmem>> -> memref<24x128xf32, #tpu.memory_space<vmem>>
      tpu.wait_dma2 semaphore(%run_scoped3A : memref<!tpu.dma_semaphore, #tpu.memory_space<semaphore_mem>>) src(%dma_wait3A_139 : memref<24x128xf32, #tpu.memory_space<vmem>>) dst(%dma_wait3A_136 : memref<24x128xf32, #tpu.memory_space<vmem_shared>>)
      tpu.yield
    }) : () -> ()
    %barrier3A = arith.constant 0 : index
    tpu.barrier barrier_id(%barrier3A)
    %dma_start3A = tpu.memref_slice %arg3[%mul3A_3] : memref<327680xi32, #tpu.memory_space<hbm>> -> memref<128xi32, #tpu.memory_space<hbm>>
    %dma_start3A_90 = tpu.memref_slice %arg3[%mul3A_3] : memref<327680xi32, #tpu.memory_space<hbm>> -> memref<128xi32, #tpu.memory_space<hbm>>
    tpu.enqueue_dma source(%dma_start3A_90 : memref<128xi32, #tpu.memory_space<hbm>>) target(%arg7 : memref<128xi32, #tpu.memory_space<vmem>>) target_semaphore(%arg15 : memref<!tpu.dma_semaphore, #tpu.memory_space<semaphore_mem>>)
    %dma_start3A_91 = tpu.memref_slice %arg4[%mul3A_3] : memref<327680xi32, #tpu.memory_space<hbm>> -> memref<128xi32, #tpu.memory_space<hbm>>
    %dma_start3A_92 = tpu.memref_slice %arg4[%mul3A_3] : memref<327680xi32, #tpu.memory_space<hbm>> -> memref<128xi32, #tpu.memory_space<hbm>>
    tpu.enqueue_dma source(%dma_start3A_92 : memref<128xi32, #tpu.memory_space<hbm>>) target(%arg8 : memref<128xi32, #tpu.memory_space<vmem>>) target_semaphore(%arg15 : memref<!tpu.dma_semaphore, #tpu.memory_space<semaphore_mem>>)
    %dma_wait3A = tpu.memref_slice %arg3[%mul3A_3] : memref<327680xi32, #tpu.memory_space<hbm>> -> memref<128xi32, #tpu.memory_space<hbm>>
    %dma_wait3A_93 = tpu.memref_slice %arg3[%mul3A_3] : memref<327680xi32, #tpu.memory_space<hbm>> -> memref<128xi32, #tpu.memory_space<hbm>>
    tpu.wait_dma2 semaphore(%arg15 : memref<!tpu.dma_semaphore, #tpu.memory_space<semaphore_mem>>) src(%dma_wait3A_93 : memref<128xi32, #tpu.memory_space<hbm>>) dst(%arg7 : memref<128xi32, #tpu.memory_space<vmem>>)
    %dma_wait3A_94 = tpu.memref_slice %arg4[%mul3A_3] : memref<327680xi32, #tpu.memory_space<hbm>> -> memref<128xi32, #tpu.memory_space<hbm>>
    %dma_wait3A_95 = tpu.memref_slice %arg4[%mul3A_3] : memref<327680xi32, #tpu.memory_space<hbm>> -> memref<128xi32, #tpu.memory_space<hbm>>
    tpu.wait_dma2 semaphore(%arg15 : memref<!tpu.dma_semaphore, #tpu.memory_space<semaphore_mem>>) src(%dma_wait3A_95 : memref<128xi32, #tpu.memory_space<hbm>>) dst(%arg8 : memref<128xi32, #tpu.memory_space<vmem>>)
    %dma_start3A_96 = arith.constant 0 : i32
    %dma_start3A_97 = arith.constant 0 : i32
    %dma_start3A_98 = tpu.memref_slice %arg2[%dma_start3A_96, %dma_start3A_97] : memref<10000x128xf32, #tpu.memory_space<hbm>> -> memref<10000x128xf32, #tpu.memory_space<hbm>>
    tpu.enqueue_indirect_dma source(%dma_start3A_98 : memref<10000x128xf32, #tpu.memory_space<hbm>>) target(%arg11 : memref<128x128xf32, #tpu.memory_space<vmem>>) offsets(%arg7 : memref<128xi32, #tpu.memory_space<vmem>>) semaphore(%arg17 : memref<!tpu.dma_semaphore, #tpu.memory_space<semaphore_mem>>)
    %add3A_99 = arith.constant 128 : i32
    %add3A_100 = arith.addi %mul3A_3, %add3A_99 : i32
    %dma_start3A_101 = tpu.memref_slice %arg3[%add3A_100] : memref<327680xi32, #tpu.memory_space<hbm>> -> memref<128xi32, #tpu.memory_space<hbm>>
    %dma_start3A_102 = tpu.memref_slice %arg3[%add3A_100] : memref<327680xi32, #tpu.memory_space<hbm>> -> memref<128xi32, #tpu.memory_space<hbm>>
    tpu.enqueue_dma source(%dma_start3A_102 : memref<128xi32, #tpu.memory_space<hbm>>) target(%arg9 : memref<128xi32, #tpu.memory_space<vmem>>) target_semaphore(%arg16 : memref<!tpu.dma_semaphore, #tpu.memory_space<semaphore_mem>>)
    %dma_start3A_103 = tpu.memref_slice %arg4[%add3A_100] : memref<327680xi32, #tpu.memory_space<hbm>> -> memref<128xi32, #tpu.memory_space<hbm>>
    %dma_start3A_104 = tpu.memref_slice %arg4[%add3A_100] : memref<327680xi32, #tpu.memory_space<hbm>> -> memref<128xi32, #tpu.memory_space<hbm>>
    tpu.enqueue_dma source(%dma_start3A_104 : memref<128xi32, #tpu.memory_space<hbm>>) target(%arg10 : memref<128xi32, #tpu.memory_space<vmem>>) target_semaphore(%arg16 : memref<!tpu.dma_semaphore, #tpu.memory_space<semaphore_mem>>)
    %scan3A_105 = arith.constant 0 : i32
    %scan3A_106 = arith.constant 0 : i32
    %scan3A_107 = arith.constant 40 : i32
    %scan3A_108 = arith.addi %scan3A_106, %scan3A_107 : i32
    %scan3A_109 = arith.constant 1 : i32
    %scan3A_110 = scf.for %scan3A_120 = %scan3A_106 to %scan3A_108 step %scan3A_109 iter_args(%scan3A_121 = %scan3A_105) -> (i32)  : i32 {
      %mul3A_122 = arith.constant 2 : i32
      %mul3A_123 = arith.muli %mul3A_122, %scan3A_120 : i32
      %mul3A_124 = arith.constant 128 : i32
      %mul3A_125 = arith.muli %mul3A_123, %mul3A_124 : i32
      %add3A_126 = arith.addi %mul3A_3, %mul3A_125 : i32
      %add3A_127 = arith.constant 128 : i32
      %add3A_128 = arith.addi %add3A_126, %add3A_127 : i32
      %lt3A = arith.constant 39 : i32
      %lt3A_129 = arith.cmpi slt, %scan3A_120, %lt3A : i32
      %dma_wait3A_130 = tpu.memref_slice %arg3[%add3A_128] : memref<327680xi32, #tpu.memory_space<hbm>> -> memref<128xi32, #tpu.memory_space<hbm>>
      %dma_wait3A_131 = tpu.memref_slice %arg3[%add3A_128] : memref<327680xi32, #tpu.memory_space<hbm>> -> memref<128xi32, #tpu.memory_space<hbm>>
      tpu.wait_dma2 semaphore(%arg16 : memref<!tpu.dma_semaphore, #tpu.memory_space<semaphore_mem>>) src(%dma_wait3A_131 : memref<128xi32, #tpu.memory_space<hbm>>) dst(%arg9 : memref<128xi32, #tpu.memory_space<vmem>>)
      %dma_wait3A_132 = tpu.memref_slice %arg4[%add3A_128] : memref<327680xi32, #tpu.memory_space<hbm>> -> memref<128xi32, #tpu.memory_space<hbm>>
      %dma_wait3A_133 = tpu.memref_slice %arg4[%add3A_128] : memref<327680xi32, #tpu.memory_space<hbm>> -> memref<128xi32, #tpu.memory_space<hbm>>
      tpu.wait_dma2 semaphore(%arg16 : memref<!tpu.dma_semaphore, #tpu.memory_space<semaphore_mem>>) src(%dma_wait3A_133 : memref<128xi32, #tpu.memory_space<hbm>>) dst(%arg10 : memref<128xi32, #tpu.memory_space<vmem>>)
      %dma_start3A_134 = arith.constant 0 : i32
      %dma_start3A_135 = arith.constant 0 : i32
      %dma_start3A_136 = tpu.memref_slice %arg2[%dma_start3A_134, %dma_start3A_135] : memref<10000x128xf32, #tpu.memory_space<hbm>> -> memref<10000x128xf32, #tpu.memory_space<hbm>>
      tpu.enqueue_indirect_dma source(%dma_start3A_136 : memref<10000x128xf32, #tpu.memory_space<hbm>>) target(%arg12 : memref<128x128xf32, #tpu.memory_space<vmem>>) offsets(%arg9 : memref<128xi32, #tpu.memory_space<vmem>>) semaphore(%arg18 : memref<!tpu.dma_semaphore, #tpu.memory_space<semaphore_mem>>)
      %dma_wait3A_137 = arith.constant 0 : i32
      %dma_wait3A_138 = arith.constant 0 : i32
      %dma_wait3A_139 = tpu.memref_slice %arg2[%dma_wait3A_137, %dma_wait3A_138] : memref<10000x128xf32, #tpu.memory_space<hbm>> -> memref<10000x128xf32, #tpu.memory_space<hbm>>
      tpu.wait_indirect_dma semaphore(%arg17 : memref<!tpu.dma_semaphore, #tpu.memory_space<semaphore_mem>>) src(%dma_wait3A_139 : memref<10000x128xf32, #tpu.memory_space<hbm>>) dst(%arg11 : memref<128x128xf32, #tpu.memory_space<vmem>>)
      "tpu.region"() ({
        %run_scoped3A = tpu.sem_alloc : memref<!tpu.dma_semaphore, #tpu.memory_space<semaphore_mem>>
        %dma_start3A_153 = arith.constant 0 : i32
        %dma_start3A_154 = arith.constant 0 : i32
        %dma_start3A_155 = tpu.memref_slice %arg14[%dma_start3A_153, %dma_start3A_154] : memref<10112x128xf32, #tpu.memory_space<vmem_shared>> -> memref<10112x128xf32, #tpu.memory_space<vmem_shared>>
        tpu.enqueue_indirect_dma source(%arg11 : memref<128x128xf32, #tpu.memory_space<vmem>>) target(%dma_start3A_155 : memref<10112x128xf32, #tpu.memory_space<vmem_shared>>) offsets(%arg8 : memref<128xi32, #tpu.memory_space<vmem>>) semaphore(%run_scoped3A : memref<!tpu.dma_semaphore, #tpu.memory_space<semaphore_mem>>) {add = true}
        %dma_wait3A_156 = arith.constant 0 : i32
        %dma_wait3A_157 = arith.constant 0 : i32
        %dma_wait3A_158 = tpu.memref_slice %arg14[%dma_wait3A_156, %dma_wait3A_157] : memref<10112x128xf32, #tpu.memory_space<vmem_shared>> -> memref<10112x128xf32, #tpu.memory_space<vmem_shared>>
        tpu.wait_indirect_dma semaphore(%run_scoped3A : memref<!tpu.dma_semaphore, #tpu.memory_space<semaphore_mem>>) src(%arg11 : memref<128x128xf32, #tpu.memory_space<vmem>>) dst(%dma_wait3A_158 : memref<10112x128xf32, #tpu.memory_space<vmem_shared>>)
        tpu.yield
      }) : () -> ()
      %convert_element_type3A_140 = arith.extui %lt3A_129 : i1 to i32
      %cond3A_141 = arith.constant 0 : i32
      %cond3A_142 = arith.cmpi ne, %convert_element_type3A_140, %cond3A_141 : i32
      scf.if %cond3A_142 {
        %add3A_153 = arith.constant 128 : i32
        %add3A_154 = arith.addi %add3A_128, %add3A_153 : i32
        %dma_start3A_155 = tpu.memref_slice %arg3[%add3A_154] : memref<327680xi32, #tpu.memory_space<hbm>> -> memref<128xi32, #tpu.memory_space<hbm>>
        %dma_start3A_156 = tpu.memref_slice %arg3[%add3A_154] : memref<327680xi32, #tpu.memory_space<hbm>> -> memref<128xi32, #tpu.memory_space<hbm>>
        tpu.enqueue_dma source(%dma_start3A_156 : memref<128xi32, #tpu.memory_space<hbm>>) target(%arg7 : memref<128xi32, #tpu.memory_space<vmem>>) target_semaphore(%arg15 : memref<!tpu.dma_semaphore, #tpu.memory_space<semaphore_mem>>)
        %dma_start3A_157 = tpu.memref_slice %arg4[%add3A_154] : memref<327680xi32, #tpu.memory_space<hbm>> -> memref<128xi32, #tpu.memory_space<hbm>>
        %dma_start3A_158 = tpu.memref_slice %arg4[%add3A_154] : memref<327680xi32, #tpu.memory_space<hbm>> -> memref<128xi32, #tpu.memory_space<hbm>>
        tpu.enqueue_dma source(%dma_start3A_158 : memref<128xi32, #tpu.memory_space<hbm>>) target(%arg8 : memref<128xi32, #tpu.memory_space<vmem>>) target_semaphore(%arg15 : memref<!tpu.dma_semaphore, #tpu.memory_space<semaphore_mem>>)
      } else {
      }
      %dma_wait3A_143 = arith.constant 0 : i32
      %dma_wait3A_144 = arith.constant 0 : i32
      %dma_wait3A_145 = tpu.memref_slice %arg2[%dma_wait3A_143, %dma_wait3A_144] : memref<10000x128xf32, #tpu.memory_space<hbm>> -> memref<10000x128xf32, #tpu.memory_space<hbm>>
      tpu.wait_indirect_dma semaphore(%arg18 : memref<!tpu.dma_semaphore, #tpu.memory_space<semaphore_mem>>) src(%dma_wait3A_145 : memref<10000x128xf32, #tpu.memory_space<hbm>>) dst(%arg12 : memref<128x128xf32, #tpu.memory_space<vmem>>)
      %convert_element_type3A_146 = arith.extui %lt3A_129 : i1 to i32
      %cond3A_147 = arith.constant 0 : i32
      %cond3A_148 = arith.cmpi ne, %convert_element_type3A_146, %cond3A_147 : i32
      scf.if %cond3A_148 {
        %add3A_153 = arith.constant 128 : i32
        %add3A_154 = arith.addi %add3A_128, %add3A_153 : i32
        %dma_wait3A_155 = tpu.memref_slice %arg3[%add3A_154] : memref<327680xi32, #tpu.memory_space<hbm>> -> memref<128xi32, #tpu.memory_space<hbm>>
        %dma_wait3A_156 = tpu.memref_slice %arg3[%add3A_154] : memref<327680xi32, #tpu.memory_space<hbm>> -> memref<128xi32, #tpu.memory_space<hbm>>
        tpu.wait_dma2 semaphore(%arg15 : memref<!tpu.dma_semaphore, #tpu.memory_space<semaphore_mem>>) src(%dma_wait3A_156 : memref<128xi32, #tpu.memory_space<hbm>>) dst(%arg7 : memref<128xi32, #tpu.memory_space<vmem>>)
        %dma_wait3A_157 = tpu.memref_slice %arg4[%add3A_154] : memref<327680xi32, #tpu.memory_space<hbm>> -> memref<128xi32, #tpu.memory_space<hbm>>
        %dma_wait3A_158 = tpu.memref_slice %arg4[%add3A_154] : memref<327680xi32, #tpu.memory_space<hbm>> -> memref<128xi32, #tpu.memory_space<hbm>>
        tpu.wait_dma2 semaphore(%arg15 : memref<!tpu.dma_semaphore, #tpu.memory_space<semaphore_mem>>) src(%dma_wait3A_158 : memref<128xi32, #tpu.memory_space<hbm>>) dst(%arg8 : memref<128xi32, #tpu.memory_space<vmem>>)
        %dma_start3A_159 = arith.constant 0 : i32
        %dma_start3A_160 = arith.constant 0 : i32
        %dma_start3A_161 = tpu.memref_slice %arg2[%dma_start3A_159, %dma_start3A_160] : memref<10000x128xf32, #tpu.memory_space<hbm>> -> memref<10000x128xf32, #tpu.memory_space<hbm>>
        tpu.enqueue_indirect_dma source(%dma_start3A_161 : memref<10000x128xf32, #tpu.memory_space<hbm>>) target(%arg11 : memref<128x128xf32, #tpu.memory_space<vmem>>) offsets(%arg7 : memref<128xi32, #tpu.memory_space<vmem>>) semaphore(%arg17 : memref<!tpu.dma_semaphore, #tpu.memory_space<semaphore_mem>>)
      } else {
      }
      "tpu.region"() ({
        %run_scoped3A = tpu.sem_alloc : memref<!tpu.dma_semaphore, #tpu.memory_space<semaphore_mem>>
        %dma_start3A_153 = arith.constant 0 : i32
        %dma_start3A_154 = arith.constant 0 : i32
        %dma_start3A_155 = tpu.memref_slice %arg14[%dma_start3A_153, %dma_start3A_154] : memref<10112x128xf32, #tpu.memory_space<vmem_shared>> -> memref<10112x128xf32, #tpu.memory_space<vmem_shared>>
        tpu.enqueue_indirect_dma source(%arg12 : memref<128x128xf32, #tpu.memory_space<vmem>>) target(%dma_start3A_155 : memref<10112x128xf32, #tpu.memory_space<vmem_shared>>) offsets(%arg10 : memref<128xi32, #tpu.memory_space<vmem>>) semaphore(%run_scoped3A : memref<!tpu.dma_semaphore, #tpu.memory_space<semaphore_mem>>) {add = true}
        %dma_wait3A_156 = arith.constant 0 : i32
        %dma_wait3A_157 = arith.constant 0 : i32
        %dma_wait3A_158 = tpu.memref_slice %arg14[%dma_wait3A_156, %dma_wait3A_157] : memref<10112x128xf32, #tpu.memory_space<vmem_shared>> -> memref<10112x128xf32, #tpu.memory_space<vmem_shared>>
        tpu.wait_indirect_dma semaphore(%run_scoped3A : memref<!tpu.dma_semaphore, #tpu.memory_space<semaphore_mem>>) src(%arg12 : memref<128x128xf32, #tpu.memory_space<vmem>>) dst(%dma_wait3A_158 : memref<10112x128xf32, #tpu.memory_space<vmem_shared>>)
        tpu.yield
      }) : () -> ()
      %convert_element_type3A_149 = arith.extui %lt3A_129 : i1 to i32
      %cond3A_150 = arith.constant 0 : i32
      %cond3A_151 = arith.cmpi ne, %convert_element_type3A_149, %cond3A_150 : i32
      scf.if %cond3A_151 {
        %add3A_153 = arith.constant 256 : i32
        %add3A_154 = arith.addi %add3A_128, %add3A_153 : i32
        %dma_start3A_155 = tpu.memref_slice %arg3[%add3A_154] : memref<327680xi32, #tpu.memory_space<hbm>> -> memref<128xi32, #tpu.memory_space<hbm>>
        %dma_start3A_156 = tpu.memref_slice %arg3[%add3A_154] : memref<327680xi32, #tpu.memory_space<hbm>> -> memref<128xi32, #tpu.memory_space<hbm>>
        tpu.enqueue_dma source(%dma_start3A_156 : memref<128xi32, #tpu.memory_space<hbm>>) target(%arg9 : memref<128xi32, #tpu.memory_space<vmem>>) target_semaphore(%arg16 : memref<!tpu.dma_semaphore, #tpu.memory_space<semaphore_mem>>)
        %dma_start3A_157 = tpu.memref_slice %arg4[%add3A_154] : memref<327680xi32, #tpu.memory_space<hbm>> -> memref<128xi32, #tpu.memory_space<hbm>>
        %dma_start3A_158 = tpu.memref_slice %arg4[%add3A_154] : memref<327680xi32, #tpu.memory_space<hbm>> -> memref<128xi32, #tpu.memory_space<hbm>>
        tpu.enqueue_dma source(%dma_start3A_158 : memref<128xi32, #tpu.memory_space<hbm>>) target(%arg10 : memref<128xi32, #tpu.memory_space<vmem>>) target_semaphore(%arg16 : memref<!tpu.dma_semaphore, #tpu.memory_space<semaphore_mem>>)
      } else {
      }
      %scan3A_152 = arith.constant 0 : i32
      scf.yield %scan3A_152 : i32
    }
    %scan3A_111 = arith.constant 40 : i32
    %barrier3A_112 = arith.constant 0 : index
    tpu.barrier barrier_id(%barrier3A_112)
    %eq3A = arith.constant 0 : i32
    %eq3A_113 = arith.cmpi eq, %arg0, %eq3A : i32
    %convert_element_type3A = arith.extui %eq3A_113 : i1 to i32
    %cond3A = arith.constant 0 : i32
    %cond3A_114 = arith.cmpi ne, %convert_element_type3A, %cond3A : i32
    scf.if %cond3A_114 {
      %mul3A_120 = arith.constant 632 : i32
      %mul3A_121 = arith.muli %arg1, %mul3A_120 : i32
      %mul3A_122 = arith.constant 632 : i32
      %mul3A_123 = arith.muli %arg1, %mul3A_122 : i32
      "tpu.region"() ({
        %run_scoped3A = tpu.sem_alloc : memref<!tpu.dma_semaphore, #tpu.memory_space<semaphore_mem>>
        %dma_start3A_124 = arith.constant 0 : i32
        %dma_start3A_125 = tpu.memref_slice %arg5[%mul3A_123, %dma_start3A_124] : memref<10112x128xf32, #tpu.memory_space<hbm>> -> memref<632x128xf32, #tpu.memory_space<hbm>>
        %dma_start3A_126 = arith.constant 0 : i32
        %dma_start3A_127 = tpu.memref_slice %arg14[%mul3A_121, %dma_start3A_126] : memref<10112x128xf32, #tpu.memory_space<vmem_shared>> -> memref<632x128xf32, #tpu.memory_space<vmem_shared>>
        tpu.enqueue_dma source(%dma_start3A_127 : memref<632x128xf32, #tpu.memory_space<vmem_shared>>) target(%dma_start3A_125 : memref<632x128xf32, #tpu.memory_space<hbm>>) target_semaphore(%run_scoped3A : memref<!tpu.dma_semaphore, #tpu.memory_space<semaphore_mem>>)
        %dma_wait3A_128 = arith.constant 0 : i32
        %dma_wait3A_129 = tpu.memref_slice %arg5[%mul3A_123, %dma_wait3A_128] : memref<10112x128xf32, #tpu.memory_space<hbm>> -> memref<632x128xf32, #tpu.memory_space<hbm>>
        %dma_wait3A_130 = arith.constant 0 : i32
        %dma_wait3A_131 = tpu.memref_slice %arg14[%mul3A_121, %dma_wait3A_130] : memref<10112x128xf32, #tpu.memory_space<vmem_shared>> -> memref<632x128xf32, #tpu.memory_space<vmem_shared>>
        tpu.wait_dma2 semaphore(%run_scoped3A : memref<!tpu.dma_semaphore, #tpu.memory_space<semaphore_mem>>) src(%dma_wait3A_131 : memref<632x128xf32, #tpu.memory_space<vmem_shared>>) dst(%dma_wait3A_129 : memref<632x128xf32, #tpu.memory_space<hbm>>)
        tpu.yield
      }) : () -> ()
    } else {
    }
    %eq3A_115 = arith.constant 1 : i32
    %eq3A_116 = arith.cmpi eq, %arg0, %eq3A_115 : i32
    %convert_element_type3A_117 = arith.extui %eq3A_116 : i1 to i32
    %cond3A_118 = arith.constant 0 : i32
    %cond3A_119 = arith.cmpi ne, %convert_element_type3A_117, %cond3A_118 : i32
    scf.if %cond3A_119 {
      %mul3A_120 = arith.constant 632 : i32
      %mul3A_121 = arith.muli %arg1, %mul3A_120 : i32
      %mul3A_122 = arith.constant 632 : i32
      %mul3A_123 = arith.muli %arg1, %mul3A_122 : i32
      "tpu.region"() ({
        %run_scoped3A = tpu.sem_alloc : memref<!tpu.dma_semaphore, #tpu.memory_space<semaphore_mem>>
        %dma_start3A_124 = arith.constant 0 : i32
        %dma_start3A_125 = tpu.memref_slice %arg6[%mul3A_123, %dma_start3A_124] : memref<10112x128xf32, #tpu.memory_space<hbm>> -> memref<632x128xf32, #tpu.memory_space<hbm>>
        %dma_start3A_126 = arith.constant 0 : i32
        %dma_start3A_127 = tpu.memref_slice %arg14[%mul3A_121, %dma_start3A_126] : memref<10112x128xf32, #tpu.memory_space<vmem_shared>> -> memref<632x128xf32, #tpu.memory_space<vmem_shared>>
        tpu.enqueue_dma source(%dma_start3A_127 : memref<632x128xf32, #tpu.memory_space<vmem_shared>>) target(%dma_start3A_125 : memref<632x128xf32, #tpu.memory_space<hbm>>) target_semaphore(%run_scoped3A : memref<!tpu.dma_semaphore, #tpu.memory_space<semaphore_mem>>)
        %dma_wait3A_128 = arith.constant 0 : i32
        %dma_wait3A_129 = tpu.memref_slice %arg6[%mul3A_123, %dma_wait3A_128] : memref<10112x128xf32, #tpu.memory_space<hbm>> -> memref<632x128xf32, #tpu.memory_space<hbm>>
        %dma_wait3A_130 = arith.constant 0 : i32
        %dma_wait3A_131 = tpu.memref_slice %arg14[%mul3A_121, %dma_wait3A_130] : memref<10112x128xf32, #tpu.memory_space<vmem_shared>> -> memref<632x128xf32, #tpu.memory_space<vmem_shared>>
        tpu.wait_dma2 semaphore(%run_scoped3A : memref<!tpu.dma_semaphore, #tpu.memory_space<semaphore_mem>>) src(%dma_wait3A_131 : memref<632x128xf32, #tpu.memory_space<vmem_shared>>) dst(%dma_wait3A_129 : memref<632x128xf32, #tpu.memory_space<hbm>>)
        tpu.yield
      }) : () -> ()
    } else {
    }
    return
  }
}

#map = affine_map<(d0, d1) -> (0, 0)>
#map1 = affine_map<(d0, d1) -> (0)>
module attributes {stable_mosaic.version = 14 : i64} {
  func.func @_seg_sum_body(%arg0: i32, %arg1: i32, %arg2: memref<10000x128xf32, #tpu.memory_space<hbm>>, %arg3: memref<327680xi32, #tpu.memory_space<hbm>>, %arg4: memref<327680xi32, #tpu.memory_space<hbm>>, %arg5: memref<10112x128xf32, #tpu.memory_space<hbm>>, %arg6: memref<10112x128xf32, #tpu.memory_space<hbm>>, %arg7: memref<128xi32, #tpu.memory_space<vmem>>, %arg8: memref<128xi32, #tpu.memory_space<vmem>>, %arg9: memref<128xi32, #tpu.memory_space<vmem>>, %arg10: memref<128xi32, #tpu.memory_space<vmem>>, %arg11: memref<128x128xf32, #tpu.memory_space<vmem>>, %arg12: memref<128x128xf32, #tpu.memory_space<vmem>>, %arg13: memref<32x128xf32, #tpu.memory_space<vmem>>, %arg14: memref<10112x128xf32, #tpu.memory_space<vmem_shared>>, %arg15: memref<!tpu.dma_semaphore, #tpu.memory_space<semaphore_mem>>, %arg16: memref<!tpu.dma_semaphore, #tpu.memory_space<semaphore_mem>>, %arg17: memref<!tpu.dma_semaphore, #tpu.memory_space<semaphore_mem>>, %arg18: memref<!tpu.dma_semaphore, #tpu.memory_space<semaphore_mem>>) attributes {dimension_semantics = [#tpu.dimension_semantics<core_parallel>, #tpu.dimension_semantics<subcore_parallel>], iteration_bounds = array<i64: 2, 16>, scalar_prefetch = 0 : i64, scratch_operands = 12 : i64, tpu.core_type = #tpu.core_type<sc_vector_subcore>, window_params = [{transform_indices = #map}, {transform_indices = #map1}, {transform_indices = #map1}, {transform_indices = #map}, {transform_indices = #map}]} {
    %mul3A = arith.constant 16 : i32
    %mul3A_0 = arith.muli %arg0, %mul3A : i32
    %add3A = arith.addi %mul3A_0, %arg1 : i32
    %broadcast_in_dim3A = arith.constant 0.000000e+00 : f32
    %broadcast_in_dim3A_1 = vector.broadcast %broadcast_in_dim3A : f32 to vector<16xf32>
    %mul3A_2 = arith.constant 10240 : i32
    %mul3A_3 = arith.muli %add3A, %mul3A_2 : i32
    %scan3A = arith.constant 0 : i32
    %scan3A_4 = arith.constant 0 : i32
    %scan3A_5 = arith.constant 32 : i32
    %scan3A_6 = arith.addi %scan3A_4, %scan3A_5 : i32
    %scan3A_7 = arith.constant 1 : i32
    %scan3A_8 = scf.for %scan3A_120 = %scan3A_4 to %scan3A_6 step %scan3A_7 iter_args(%scan3A_121 = %scan3A) -> (i32)  : i32 {
      %scan3A_122 = arith.constant 0 : i32
      %scan3A_123 = arith.constant 0 : i32
      %scan3A_124 = arith.constant 8 : i32
      %scan3A_125 = arith.addi %scan3A_123, %scan3A_124 : i32
      %scan3A_126 = arith.constant 1 : i32
      %scan3A_127 = scf.for %scan3A_129 = %scan3A_123 to %scan3A_125 step %scan3A_126 iter_args(%scan3A_130 = %scan3A_122) -> (i32)  : i32 {
        %mul3A_131 = arith.constant 16 : i32
        %mul3A_132 = arith.muli %scan3A_129, %mul3A_131 : i32
        %swap3A = arith.index_cast %scan3A_120 : i32 to index
        %swap3A_133 = arith.index_cast %mul3A_132 : i32 to index
        %swap3A_134 = tpu.vector_load %arg13[%swap3A, %swap3A_133] {strides = array<i32>} : memref<32x128xf32, #tpu.memory_space<vmem>>, vector<1x16xf32>,
        %swap3A_135 = vector.shape_cast %swap3A_134 : vector<1x16xf32> to vector<16xf32>
        %swap3A_136 = vector.shape_cast %broadcast_in_dim3A_1 : vector<16xf32> to vector<1x16xf32>
        tpu.vector_store %arg13[%swap3A, %swap3A_133], %swap3A_136 {strides = array<i32>} : memref<32x128xf32, #tpu.memory_space<vmem>>, vector<1x16xf32>,
        %scan3A_137 = arith.constant 0 : i32
        scf.yield %scan3A_137 : i32
      }
      %scan3A_128 = arith.constant 8 : i32
      scf.yield %scan3A_127 : i32
    }
    %scan3A_9 = arith.constant 32 : i32
    %mul3A_10 = arith.constant 632 : i32
    %mul3A_11 = arith.muli %arg1, %mul3A_10 : i32
    %add3A_12 = arith.constant 0 : i32
    %add3A_13 = arith.addi %mul3A_11, %add3A_12 : i32
    "tpu.region"() ({
      %run_scoped3A = tpu.sem_alloc : memref<!tpu.dma_semaphore, #tpu.memory_space<semaphore_mem>>
      %dma_start3A_120 = arith.constant 0 : i32
      %dma_start3A_121 = tpu.memref_slice %arg14[%add3A_13, %dma_start3A_120] : memref<10112x128xf32, #tpu.memory_space<vmem_shared>> -> memref<32x128xf32, #tpu.memory_space<vmem_shared>>
      %dma_start3A_122 = arith.constant 0 : i32
      %dma_start3A_123 = tpu.memref_slice %arg14[%add3A_13, %dma_start3A_122] : memref<10112x128xf32, #tpu.memory_space<vmem_shared>> -> memref<32x128xf32, #tpu.memory_space<vmem_shared>>
      tpu.enqueue_dma source(%arg13 : memref<32x128xf32, #tpu.memory_space<vmem>>) target(%dma_start3A_123 : memref<32x128xf32, #tpu.memory_space<vmem_shared>>) target_semaphore(%run_scoped3A : memref<!tpu.dma_semaphore, #tpu.memory_space<semaphore_mem>>)
      %dma_wait3A_124 = arith.constant 0 : i32
      %dma_wait3A_125 = tpu.memref_slice %arg14[%add3A_13, %dma_wait3A_124] : memref<10112x128xf32, #tpu.memory_space<vmem_shared>> -> memref<32x128xf32, #tpu.memory_space<vmem_shared>>
      %dma_wait3A_126 = arith.constant 0 : i32
      %dma_wait3A_127 = tpu.memref_slice %arg14[%add3A_13, %dma_wait3A_126] : memref<10112x128xf32, #tpu.memory_space<vmem_shared>> -> memref<32x128xf32, #tpu.memory_space<vmem_shared>>
      tpu.wait_dma2 semaphore(%run_scoped3A : memref<!tpu.dma_semaphore, #tpu.memory_space<semaphore_mem>>) src(%arg13 : memref<32x128xf32, #tpu.memory_space<vmem>>) dst(%dma_wait3A_127 : memref<32x128xf32, #tpu.memory_space<vmem_shared>>)
      tpu.yield
    }) : () -> ()
    %mul3A_14 = arith.constant 632 : i32
    %mul3A_15 = arith.muli %arg1, %mul3A_14 : i32
    %add3A_16 = arith.constant 32 : i32
    %add3A_17 = arith.addi %mul3A_15, %add3A_16 : i32
    "tpu.region"() ({
      %run_scoped3A = tpu.sem_alloc : memref<!tpu.dma_semaphore, #tpu.memory_space<semaphore_mem>>
      %dma_start3A_120 = arith.constant 0 : i32
      %dma_start3A_121 = tpu.memref_slice %arg14[%add3A_17, %dma_start3A_120] : memref<10112x128xf32, #tpu.memory_space<vmem_shared>> -> memref<32x128xf32, #tpu.memory_space<vmem_shared>>
      %dma_start3A_122 = arith.constant 0 : i32
      %dma_start3A_123 = tpu.memref_slice %arg14[%add3A_17, %dma_start3A_122] : memref<10112x128xf32, #tpu.memory_space<vmem_shared>> -> memref<32x128xf32, #tpu.memory_space<vmem_shared>>
      tpu.enqueue_dma source(%arg13 : memref<32x128xf32, #tpu.memory_space<vmem>>) target(%dma_start3A_123 : memref<32x128xf32, #tpu.memory_space<vmem_shared>>) target_semaphore(%run_scoped3A : memref<!tpu.dma_semaphore, #tpu.memory_space<semaphore_mem>>)
      %dma_wait3A_124 = arith.constant 0 : i32
      %dma_wait3A_125 = tpu.memref_slice %arg14[%add3A_17, %dma_wait3A_124] : memref<10112x128xf32, #tpu.memory_space<vmem_shared>> -> memref<32x128xf32, #tpu.memory_space<vmem_shared>>
      %dma_wait3A_126 = arith.constant 0 : i32
      %dma_wait3A_127 = tpu.memref_slice %arg14[%add3A_17, %dma_wait3A_126] : memref<10112x128xf32, #tpu.memory_space<vmem_shared>> -> memref<32x128xf32, #tpu.memory_space<vmem_shared>>
      tpu.wait_dma2 semaphore(%run_scoped3A : memref<!tpu.dma_semaphore, #tpu.memory_space<semaphore_mem>>) src(%arg13 : memref<32x128xf32, #tpu.memory_space<vmem>>) dst(%dma_wait3A_127 : memref<32x128xf32, #tpu.memory_space<vmem_shared>>)
      tpu.yield
    }) : () -> ()
    %mul3A_18 = arith.constant 632 : i32
    %mul3A_19 = arith.muli %arg1, %mul3A_18 : i32
    %add3A_20 = arith.constant 64 : i32
    %add3A_21 = arith.addi %mul3A_19, %add3A_20 : i32
    "tpu.region"() ({
      %run_scoped3A = tpu.sem_alloc : memref<!tpu.dma_semaphore, #tpu.memory_space<semaphore_mem>>
      %dma_start3A_120 = arith.constant 0 : i32
      %dma_start3A_121 = tpu.memref_slice %arg14[%add3A_21, %dma_start3A_120] : memref<10112x128xf32, #tpu.memory_space<vmem_shared>> -> memref<32x128xf32, #tpu.memory_space<vmem_shared>>
      %dma_start3A_122 = arith.constant 0 : i32
      %dma_start3A_123 = tpu.memref_slice %arg14[%add3A_21, %dma_start3A_122] : memref<10112x128xf32, #tpu.memory_space<vmem_shared>> -> memref<32x128xf32, #tpu.memory_space<vmem_shared>>
      tpu.enqueue_dma source(%arg13 : memref<32x128xf32, #tpu.memory_space<vmem>>) target(%dma_start3A_123 : memref<32x128xf32, #tpu.memory_space<vmem_shared>>) target_semaphore(%run_scoped3A : memref<!tpu.dma_semaphore, #tpu.memory_space<semaphore_mem>>)
      %dma_wait3A_124 = arith.constant 0 : i32
      %dma_wait3A_125 = tpu.memref_slice %arg14[%add3A_21, %dma_wait3A_124] : memref<10112x128xf32, #tpu.memory_space<vmem_shared>> -> memref<32x128xf32, #tpu.memory_space<vmem_shared>>
      %dma_wait3A_126 = arith.constant 0 : i32
      %dma_wait3A_127 = tpu.memref_slice %arg14[%add3A_21, %dma_wait3A_126] : memref<10112x128xf32, #tpu.memory_space<vmem_shared>> -> memref<32x128xf32, #tpu.memory_space<vmem_shared>>
      tpu.wait_dma2 semaphore(%run_scoped3A : memref<!tpu.dma_semaphore, #tpu.memory_space<semaphore_mem>>) src(%arg13 : memref<32x128xf32, #tpu.memory_space<vmem>>) dst(%dma_wait3A_127 : memref<32x128xf32, #tpu.memory_space<vmem_shared>>)
      tpu.yield
    }) : () -> ()
    %mul3A_22 = arith.constant 632 : i32
    %mul3A_23 = arith.muli %arg1, %mul3A_22 : i32
    %add3A_24 = arith.constant 96 : i32
    %add3A_25 = arith.addi %mul3A_23, %add3A_24 : i32
    "tpu.region"() ({
      %run_scoped3A = tpu.sem_alloc : memref<!tpu.dma_semaphore, #tpu.memory_space<semaphore_mem>>
      %dma_start3A_120 = arith.constant 0 : i32
      %dma_start3A_121 = tpu.memref_slice %arg14[%add3A_25, %dma_start3A_120] : memref<10112x128xf32, #tpu.memory_space<vmem_shared>> -> memref<32x128xf32, #tpu.memory_space<vmem_shared>>
      %dma_start3A_122 = arith.constant 0 : i32
      %dma_start3A_123 = tpu.memref_slice %arg14[%add3A_25, %dma_start3A_122] : memref<10112x128xf32, #tpu.memory_space<vmem_shared>> -> memref<32x128xf32, #tpu.memory_space<vmem_shared>>
      tpu.enqueue_dma source(%arg13 : memref<32x128xf32, #tpu.memory_space<vmem>>) target(%dma_start3A_123 : memref<32x128xf32, #tpu.memory_space<vmem_shared>>) target_semaphore(%run_scoped3A : memref<!tpu.dma_semaphore, #tpu.memory_space<semaphore_mem>>)
      %dma_wait3A_124 = arith.constant 0 : i32
      %dma_wait3A_125 = tpu.memref_slice %arg14[%add3A_25, %dma_wait3A_124] : memref<10112x128xf32, #tpu.memory_space<vmem_shared>> -> memref<32x128xf32, #tpu.memory_space<vmem_shared>>
      %dma_wait3A_126 = arith.constant 0 : i32
      %dma_wait3A_127 = tpu.memref_slice %arg14[%add3A_25, %dma_wait3A_126] : memref<10112x128xf32, #tpu.memory_space<vmem_shared>> -> memref<32x128xf32, #tpu.memory_space<vmem_shared>>
      tpu.wait_dma2 semaphore(%run_scoped3A : memref<!tpu.dma_semaphore, #tpu.memory_space<semaphore_mem>>) src(%arg13 : memref<32x128xf32, #tpu.memory_space<vmem>>) dst(%dma_wait3A_127 : memref<32x128xf32, #tpu.memory_space<vmem_shared>>)
      tpu.yield
    }) : () -> ()
    %mul3A_26 = arith.constant 632 : i32
    %mul3A_27 = arith.muli %arg1, %mul3A_26 : i32
    %add3A_28 = arith.constant 128 : i32
    %add3A_29 = arith.addi %mul3A_27, %add3A_28 : i32
    "tpu.region"() ({
      %run_scoped3A = tpu.sem_alloc : memref<!tpu.dma_semaphore, #tpu.memory_space<semaphore_mem>>
      %dma_start3A_120 = arith.constant 0 : i32
      %dma_start3A_121 = tpu.memref_slice %arg14[%add3A_29, %dma_start3A_120] : memref<10112x128xf32, #tpu.memory_space<vmem_shared>> -> memref<32x128xf32, #tpu.memory_space<vmem_shared>>
      %dma_start3A_122 = arith.constant 0 : i32
      %dma_start3A_123 = tpu.memref_slice %arg14[%add3A_29, %dma_start3A_122] : memref<10112x128xf32, #tpu.memory_space<vmem_shared>> -> memref<32x128xf32, #tpu.memory_space<vmem_shared>>
      tpu.enqueue_dma source(%arg13 : memref<32x128xf32, #tpu.memory_space<vmem>>) target(%dma_start3A_123 : memref<32x128xf32, #tpu.memory_space<vmem_shared>>) target_semaphore(%run_scoped3A : memref<!tpu.dma_semaphore, #tpu.memory_space<semaphore_mem>>)
      %dma_wait3A_124 = arith.constant 0 : i32
      %dma_wait3A_125 = tpu.memref_slice %arg14[%add3A_29, %dma_wait3A_124] : memref<10112x128xf32, #tpu.memory_space<vmem_shared>> -> memref<32x128xf32, #tpu.memory_space<vmem_shared>>
      %dma_wait3A_126 = arith.constant 0 : i32
      %dma_wait3A_127 = tpu.memref_slice %arg14[%add3A_29, %dma_wait3A_126] : memref<10112x128xf32, #tpu.memory_space<vmem_shared>> -> memref<32x128xf32, #tpu.memory_space<vmem_shared>>
      tpu.wait_dma2 semaphore(%run_scoped3A : memref<!tpu.dma_semaphore, #tpu.memory_space<semaphore_mem>>) src(%arg13 : memref<32x128xf32, #tpu.memory_space<vmem>>) dst(%dma_wait3A_127 : memref<32x128xf32, #tpu.memory_space<vmem_shared>>)
      tpu.yield
    }) : () -> ()
    %mul3A_30 = arith.constant 632 : i32
    %mul3A_31 = arith.muli %arg1, %mul3A_30 : i32
    %add3A_32 = arith.constant 160 : i32
    %add3A_33 = arith.addi %mul3A_31, %add3A_32 : i32
    "tpu.region"() ({
      %run_scoped3A = tpu.sem_alloc : memref<!tpu.dma_semaphore, #tpu.memory_space<semaphore_mem>>
      %dma_start3A_120 = arith.constant 0 : i32
      %dma_start3A_121 = tpu.memref_slice %arg14[%add3A_33, %dma_start3A_120] : memref<10112x128xf32, #tpu.memory_space<vmem_shared>> -> memref<32x128xf32, #tpu.memory_space<vmem_shared>>
      %dma_start3A_122 = arith.constant 0 : i32
      %dma_start3A_123 = tpu.memref_slice %arg14[%add3A_33, %dma_start3A_122] : memref<10112x128xf32, #tpu.memory_space<vmem_shared>> -> memref<32x128xf32, #tpu.memory_space<vmem_shared>>
      tpu.enqueue_dma source(%arg13 : memref<32x128xf32, #tpu.memory_space<vmem>>) target(%dma_start3A_123 : memref<32x128xf32, #tpu.memory_space<vmem_shared>>) target_semaphore(%run_scoped3A : memref<!tpu.dma_semaphore, #tpu.memory_space<semaphore_mem>>)
      %dma_wait3A_124 = arith.constant 0 : i32
      %dma_wait3A_125 = tpu.memref_slice %arg14[%add3A_33, %dma_wait3A_124] : memref<10112x128xf32, #tpu.memory_space<vmem_shared>> -> memref<32x128xf32, #tpu.memory_space<vmem_shared>>
      %dma_wait3A_126 = arith.constant 0 : i32
      %dma_wait3A_127 = tpu.memref_slice %arg14[%add3A_33, %dma_wait3A_126] : memref<10112x128xf32, #tpu.memory_space<vmem_shared>> -> memref<32x128xf32, #tpu.memory_space<vmem_shared>>
      tpu.wait_dma2 semaphore(%run_scoped3A : memref<!tpu.dma_semaphore, #tpu.memory_space<semaphore_mem>>) src(%arg13 : memref<32x128xf32, #tpu.memory_space<vmem>>) dst(%dma_wait3A_127 : memref<32x128xf32, #tpu.memory_space<vmem_shared>>)
      tpu.yield
    }) : () -> ()
    %mul3A_34 = arith.constant 632 : i32
    %mul3A_35 = arith.muli %arg1, %mul3A_34 : i32
    %add3A_36 = arith.constant 192 : i32
    %add3A_37 = arith.addi %mul3A_35, %add3A_36 : i32
    "tpu.region"() ({
      %run_scoped3A = tpu.sem_alloc : memref<!tpu.dma_semaphore, #tpu.memory_space<semaphore_mem>>
      %dma_start3A_120 = arith.constant 0 : i32
      %dma_start3A_121 = tpu.memref_slice %arg14[%add3A_37, %dma_start3A_120] : memref<10112x128xf32, #tpu.memory_space<vmem_shared>> -> memref<32x128xf32, #tpu.memory_space<vmem_shared>>
      %dma_start3A_122 = arith.constant 0 : i32
      %dma_start3A_123 = tpu.memref_slice %arg14[%add3A_37, %dma_start3A_122] : memref<10112x128xf32, #tpu.memory_space<vmem_shared>> -> memref<32x128xf32, #tpu.memory_space<vmem_shared>>
      tpu.enqueue_dma source(%arg13 : memref<32x128xf32, #tpu.memory_space<vmem>>) target(%dma_start3A_123 : memref<32x128xf32, #tpu.memory_space<vmem_shared>>) target_semaphore(%run_scoped3A : memref<!tpu.dma_semaphore, #tpu.memory_space<semaphore_mem>>)
      %dma_wait3A_124 = arith.constant 0 : i32
      %dma_wait3A_125 = tpu.memref_slice %arg14[%add3A_37, %dma_wait3A_124] : memref<10112x128xf32, #tpu.memory_space<vmem_shared>> -> memref<32x128xf32, #tpu.memory_space<vmem_shared>>
      %dma_wait3A_126 = arith.constant 0 : i32
      %dma_wait3A_127 = tpu.memref_slice %arg14[%add3A_37, %dma_wait3A_126] : memref<10112x128xf32, #tpu.memory_space<vmem_shared>> -> memref<32x128xf32, #tpu.memory_space<vmem_shared>>
      tpu.wait_dma2 semaphore(%run_scoped3A : memref<!tpu.dma_semaphore, #tpu.memory_space<semaphore_mem>>) src(%arg13 : memref<32x128xf32, #tpu.memory_space<vmem>>) dst(%dma_wait3A_127 : memref<32x128xf32, #tpu.memory_space<vmem_shared>>)
      tpu.yield
    }) : () -> ()
    %mul3A_38 = arith.constant 632 : i32
    %mul3A_39 = arith.muli %arg1, %mul3A_38 : i32
    %add3A_40 = arith.constant 224 : i32
    %add3A_41 = arith.addi %mul3A_39, %add3A_40 : i32
    "tpu.region"() ({
      %run_scoped3A = tpu.sem_alloc : memref<!tpu.dma_semaphore, #tpu.memory_space<semaphore_mem>>
      %dma_start3A_120 = arith.constant 0 : i32
      %dma_start3A_121 = tpu.memref_slice %arg14[%add3A_41, %dma_start3A_120] : memref<10112x128xf32, #tpu.memory_space<vmem_shared>> -> memref<32x128xf32, #tpu.memory_space<vmem_shared>>
      %dma_start3A_122 = arith.constant 0 : i32
      %dma_start3A_123 = tpu.memref_slice %arg14[%add3A_41, %dma_start3A_122] : memref<10112x128xf32, #tpu.memory_space<vmem_shared>> -> memref<32x128xf32, #tpu.memory_space<vmem_shared>>
      tpu.enqueue_dma source(%arg13 : memref<32x128xf32, #tpu.memory_space<vmem>>) target(%dma_start3A_123 : memref<32x128xf32, #tpu.memory_space<vmem_shared>>) target_semaphore(%run_scoped3A : memref<!tpu.dma_semaphore, #tpu.memory_space<semaphore_mem>>)
      %dma_wait3A_124 = arith.constant 0 : i32
      %dma_wait3A_125 = tpu.memref_slice %arg14[%add3A_41, %dma_wait3A_124] : memref<10112x128xf32, #tpu.memory_space<vmem_shared>> -> memref<32x128xf32, #tpu.memory_space<vmem_shared>>
      %dma_wait3A_126 = arith.constant 0 : i32
      %dma_wait3A_127 = tpu.memref_slice %arg14[%add3A_41, %dma_wait3A_126] : memref<10112x128xf32, #tpu.memory_space<vmem_shared>> -> memref<32x128xf32, #tpu.memory_space<vmem_shared>>
      tpu.wait_dma2 semaphore(%run_scoped3A : memref<!tpu.dma_semaphore, #tpu.memory_space<semaphore_mem>>) src(%arg13 : memref<32x128xf32, #tpu.memory_space<vmem>>) dst(%dma_wait3A_127 : memref<32x128xf32, #tpu.memory_space<vmem_shared>>)
      tpu.yield
    }) : () -> ()
    %mul3A_42 = arith.constant 632 : i32
    %mul3A_43 = arith.muli %arg1, %mul3A_42 : i32
    %add3A_44 = arith.constant 256 : i32
    %add3A_45 = arith.addi %mul3A_43, %add3A_44 : i32
    "tpu.region"() ({
      %run_scoped3A = tpu.sem_alloc : memref<!tpu.dma_semaphore, #tpu.memory_space<semaphore_mem>>
      %dma_start3A_120 = arith.constant 0 : i32
      %dma_start3A_121 = tpu.memref_slice %arg14[%add3A_45, %dma_start3A_120] : memref<10112x128xf32, #tpu.memory_space<vmem_shared>> -> memref<32x128xf32, #tpu.memory_space<vmem_shared>>
      %dma_start3A_122 = arith.constant 0 : i32
      %dma_start3A_123 = tpu.memref_slice %arg14[%add3A_45, %dma_start3A_122] : memref<10112x128xf32, #tpu.memory_space<vmem_shared>> -> memref<32x128xf32, #tpu.memory_space<vmem_shared>>
      tpu.enqueue_dma source(%arg13 : memref<32x128xf32, #tpu.memory_space<vmem>>) target(%dma_start3A_123 : memref<32x128xf32, #tpu.memory_space<vmem_shared>>) target_semaphore(%run_scoped3A : memref<!tpu.dma_semaphore, #tpu.memory_space<semaphore_mem>>)
      %dma_wait3A_124 = arith.constant 0 : i32
      %dma_wait3A_125 = tpu.memref_slice %arg14[%add3A_45, %dma_wait3A_124] : memref<10112x128xf32, #tpu.memory_space<vmem_shared>> -> memref<32x128xf32, #tpu.memory_space<vmem_shared>>
      %dma_wait3A_126 = arith.constant 0 : i32
      %dma_wait3A_127 = tpu.memref_slice %arg14[%add3A_45, %dma_wait3A_126] : memref<10112x128xf32, #tpu.memory_space<vmem_shared>> -> memref<32x128xf32, #tpu.memory_space<vmem_shared>>
      tpu.wait_dma2 semaphore(%run_scoped3A : memref<!tpu.dma_semaphore, #tpu.memory_space<semaphore_mem>>) src(%arg13 : memref<32x128xf32, #tpu.memory_space<vmem>>) dst(%dma_wait3A_127 : memref<32x128xf32, #tpu.memory_space<vmem_shared>>)
      tpu.yield
    }) : () -> ()
    %mul3A_46 = arith.constant 632 : i32
    %mul3A_47 = arith.muli %arg1, %mul3A_46 : i32
    %add3A_48 = arith.constant 288 : i32
    %add3A_49 = arith.addi %mul3A_47, %add3A_48 : i32
    "tpu.region"() ({
      %run_scoped3A = tpu.sem_alloc : memref<!tpu.dma_semaphore, #tpu.memory_space<semaphore_mem>>
      %dma_start3A_120 = arith.constant 0 : i32
      %dma_start3A_121 = tpu.memref_slice %arg14[%add3A_49, %dma_start3A_120] : memref<10112x128xf32, #tpu.memory_space<vmem_shared>> -> memref<32x128xf32, #tpu.memory_space<vmem_shared>>
      %dma_start3A_122 = arith.constant 0 : i32
      %dma_start3A_123 = tpu.memref_slice %arg14[%add3A_49, %dma_start3A_122] : memref<10112x128xf32, #tpu.memory_space<vmem_shared>> -> memref<32x128xf32, #tpu.memory_space<vmem_shared>>
      tpu.enqueue_dma source(%arg13 : memref<32x128xf32, #tpu.memory_space<vmem>>) target(%dma_start3A_123 : memref<32x128xf32, #tpu.memory_space<vmem_shared>>) target_semaphore(%run_scoped3A : memref<!tpu.dma_semaphore, #tpu.memory_space<semaphore_mem>>)
      %dma_wait3A_124 = arith.constant 0 : i32
      %dma_wait3A_125 = tpu.memref_slice %arg14[%add3A_49, %dma_wait3A_124] : memref<10112x128xf32, #tpu.memory_space<vmem_shared>> -> memref<32x128xf32, #tpu.memory_space<vmem_shared>>
      %dma_wait3A_126 = arith.constant 0 : i32
      %dma_wait3A_127 = tpu.memref_slice %arg14[%add3A_49, %dma_wait3A_126] : memref<10112x128xf32, #tpu.memory_space<vmem_shared>> -> memref<32x128xf32, #tpu.memory_space<vmem_shared>>
      tpu.wait_dma2 semaphore(%run_scoped3A : memref<!tpu.dma_semaphore, #tpu.memory_space<semaphore_mem>>) src(%arg13 : memref<32x128xf32, #tpu.memory_space<vmem>>) dst(%dma_wait3A_127 : memref<32x128xf32, #tpu.memory_space<vmem_shared>>)
      tpu.yield
    }) : () -> ()
    %mul3A_50 = arith.constant 632 : i32
    %mul3A_51 = arith.muli %arg1, %mul3A_50 : i32
    %add3A_52 = arith.constant 320 : i32
    %add3A_53 = arith.addi %mul3A_51, %add3A_52 : i32
    "tpu.region"() ({
      %run_scoped3A = tpu.sem_alloc : memref<!tpu.dma_semaphore, #tpu.memory_space<semaphore_mem>>
      %dma_start3A_120 = arith.constant 0 : i32
      %dma_start3A_121 = tpu.memref_slice %arg14[%add3A_53, %dma_start3A_120] : memref<10112x128xf32, #tpu.memory_space<vmem_shared>> -> memref<32x128xf32, #tpu.memory_space<vmem_shared>>
      %dma_start3A_122 = arith.constant 0 : i32
      %dma_start3A_123 = tpu.memref_slice %arg14[%add3A_53, %dma_start3A_122] : memref<10112x128xf32, #tpu.memory_space<vmem_shared>> -> memref<32x128xf32, #tpu.memory_space<vmem_shared>>
      tpu.enqueue_dma source(%arg13 : memref<32x128xf32, #tpu.memory_space<vmem>>) target(%dma_start3A_123 : memref<32x128xf32, #tpu.memory_space<vmem_shared>>) target_semaphore(%run_scoped3A : memref<!tpu.dma_semaphore, #tpu.memory_space<semaphore_mem>>)
      %dma_wait3A_124 = arith.constant 0 : i32
      %dma_wait3A_125 = tpu.memref_slice %arg14[%add3A_53, %dma_wait3A_124] : memref<10112x128xf32, #tpu.memory_space<vmem_shared>> -> memref<32x128xf32, #tpu.memory_space<vmem_shared>>
      %dma_wait3A_126 = arith.constant 0 : i32
      %dma_wait3A_127 = tpu.memref_slice %arg14[%add3A_53, %dma_wait3A_126] : memref<10112x128xf32, #tpu.memory_space<vmem_shared>> -> memref<32x128xf32, #tpu.memory_space<vmem_shared>>
      tpu.wait_dma2 semaphore(%run_scoped3A : memref<!tpu.dma_semaphore, #tpu.memory_space<semaphore_mem>>) src(%arg13 : memref<32x128xf32, #tpu.memory_space<vmem>>) dst(%dma_wait3A_127 : memref<32x128xf32, #tpu.memory_space<vmem_shared>>)
      tpu.yield
    }) : () -> ()
    %mul3A_54 = arith.constant 632 : i32
    %mul3A_55 = arith.muli %arg1, %mul3A_54 : i32
    %add3A_56 = arith.constant 352 : i32
    %add3A_57 = arith.addi %mul3A_55, %add3A_56 : i32
    "tpu.region"() ({
      %run_scoped3A = tpu.sem_alloc : memref<!tpu.dma_semaphore, #tpu.memory_space<semaphore_mem>>
      %dma_start3A_120 = arith.constant 0 : i32
      %dma_start3A_121 = tpu.memref_slice %arg14[%add3A_57, %dma_start3A_120] : memref<10112x128xf32, #tpu.memory_space<vmem_shared>> -> memref<32x128xf32, #tpu.memory_space<vmem_shared>>
      %dma_start3A_122 = arith.constant 0 : i32
      %dma_start3A_123 = tpu.memref_slice %arg14[%add3A_57, %dma_start3A_122] : memref<10112x128xf32, #tpu.memory_space<vmem_shared>> -> memref<32x128xf32, #tpu.memory_space<vmem_shared>>
      tpu.enqueue_dma source(%arg13 : memref<32x128xf32, #tpu.memory_space<vmem>>) target(%dma_start3A_123 : memref<32x128xf32, #tpu.memory_space<vmem_shared>>) target_semaphore(%run_scoped3A : memref<!tpu.dma_semaphore, #tpu.memory_space<semaphore_mem>>)
      %dma_wait3A_124 = arith.constant 0 : i32
      %dma_wait3A_125 = tpu.memref_slice %arg14[%add3A_57, %dma_wait3A_124] : memref<10112x128xf32, #tpu.memory_space<vmem_shared>> -> memref<32x128xf32, #tpu.memory_space<vmem_shared>>
      %dma_wait3A_126 = arith.constant 0 : i32
      %dma_wait3A_127 = tpu.memref_slice %arg14[%add3A_57, %dma_wait3A_126] : memref<10112x128xf32, #tpu.memory_space<vmem_shared>> -> memref<32x128xf32, #tpu.memory_space<vmem_shared>>
      tpu.wait_dma2 semaphore(%run_scoped3A : memref<!tpu.dma_semaphore, #tpu.memory_space<semaphore_mem>>) src(%arg13 : memref<32x128xf32, #tpu.memory_space<vmem>>) dst(%dma_wait3A_127 : memref<32x128xf32, #tpu.memory_space<vmem_shared>>)
      tpu.yield
    }) : () -> ()
    %mul3A_58 = arith.constant 632 : i32
    %mul3A_59 = arith.muli %arg1, %mul3A_58 : i32
    %add3A_60 = arith.constant 384 : i32
    %add3A_61 = arith.addi %mul3A_59, %add3A_60 : i32
    "tpu.region"() ({
      %run_scoped3A = tpu.sem_alloc : memref<!tpu.dma_semaphore, #tpu.memory_space<semaphore_mem>>
      %dma_start3A_120 = arith.constant 0 : i32
      %dma_start3A_121 = tpu.memref_slice %arg14[%add3A_61, %dma_start3A_120] : memref<10112x128xf32, #tpu.memory_space<vmem_shared>> -> memref<32x128xf32, #tpu.memory_space<vmem_shared>>
      %dma_start3A_122 = arith.constant 0 : i32
      %dma_start3A_123 = tpu.memref_slice %arg14[%add3A_61, %dma_start3A_122] : memref<10112x128xf32, #tpu.memory_space<vmem_shared>> -> memref<32x128xf32, #tpu.memory_space<vmem_shared>>
      tpu.enqueue_dma source(%arg13 : memref<32x128xf32, #tpu.memory_space<vmem>>) target(%dma_start3A_123 : memref<32x128xf32, #tpu.memory_space<vmem_shared>>) target_semaphore(%run_scoped3A : memref<!tpu.dma_semaphore, #tpu.memory_space<semaphore_mem>>)
      %dma_wait3A_124 = arith.constant 0 : i32
      %dma_wait3A_125 = tpu.memref_slice %arg14[%add3A_61, %dma_wait3A_124] : memref<10112x128xf32, #tpu.memory_space<vmem_shared>> -> memref<32x128xf32, #tpu.memory_space<vmem_shared>>
      %dma_wait3A_126 = arith.constant 0 : i32
      %dma_wait3A_127 = tpu.memref_slice %arg14[%add3A_61, %dma_wait3A_126] : memref<10112x128xf32, #tpu.memory_space<vmem_shared>> -> memref<32x128xf32, #tpu.memory_space<vmem_shared>>
      tpu.wait_dma2 semaphore(%run_scoped3A : memref<!tpu.dma_semaphore, #tpu.memory_space<semaphore_mem>>) src(%arg13 : memref<32x128xf32, #tpu.memory_space<vmem>>) dst(%dma_wait3A_127 : memref<32x128xf32, #tpu.memory_space<vmem_shared>>)
      tpu.yield
    }) : () -> ()
    %mul3A_62 = arith.constant 632 : i32
    %mul3A_63 = arith.muli %arg1, %mul3A_62 : i32
    %add3A_64 = arith.constant 416 : i32
    %add3A_65 = arith.addi %mul3A_63, %add3A_64 : i32
    "tpu.region"() ({
      %run_scoped3A = tpu.sem_alloc : memref<!tpu.dma_semaphore, #tpu.memory_space<semaphore_mem>>
      %dma_start3A_120 = arith.constant 0 : i32
      %dma_start3A_121 = tpu.memref_slice %arg14[%add3A_65, %dma_start3A_120] : memref<10112x128xf32, #tpu.memory_space<vmem_shared>> -> memref<32x128xf32, #tpu.memory_space<vmem_shared>>
      %dma_start3A_122 = arith.constant 0 : i32
      %dma_start3A_123 = tpu.memref_slice %arg14[%add3A_65, %dma_start3A_122] : memref<10112x128xf32, #tpu.memory_space<vmem_shared>> -> memref<32x128xf32, #tpu.memory_space<vmem_shared>>
      tpu.enqueue_dma source(%arg13 : memref<32x128xf32, #tpu.memory_space<vmem>>) target(%dma_start3A_123 : memref<32x128xf32, #tpu.memory_space<vmem_shared>>) target_semaphore(%run_scoped3A : memref<!tpu.dma_semaphore, #tpu.memory_space<semaphore_mem>>)
      %dma_wait3A_124 = arith.constant 0 : i32
      %dma_wait3A_125 = tpu.memref_slice %arg14[%add3A_65, %dma_wait3A_124] : memref<10112x128xf32, #tpu.memory_space<vmem_shared>> -> memref<32x128xf32, #tpu.memory_space<vmem_shared>>
      %dma_wait3A_126 = arith.constant 0 : i32
      %dma_wait3A_127 = tpu.memref_slice %arg14[%add3A_65, %dma_wait3A_126] : memref<10112x128xf32, #tpu.memory_space<vmem_shared>> -> memref<32x128xf32, #tpu.memory_space<vmem_shared>>
      tpu.wait_dma2 semaphore(%run_scoped3A : memref<!tpu.dma_semaphore, #tpu.memory_space<semaphore_mem>>) src(%arg13 : memref<32x128xf32, #tpu.memory_space<vmem>>) dst(%dma_wait3A_127 : memref<32x128xf32, #tpu.memory_space<vmem_shared>>)
      tpu.yield
    }) : () -> ()
    %mul3A_66 = arith.constant 632 : i32
    %mul3A_67 = arith.muli %arg1, %mul3A_66 : i32
    %add3A_68 = arith.constant 448 : i32
    %add3A_69 = arith.addi %mul3A_67, %add3A_68 : i32
    "tpu.region"() ({
      %run_scoped3A = tpu.sem_alloc : memref<!tpu.dma_semaphore, #tpu.memory_space<semaphore_mem>>
      %dma_start3A_120 = arith.constant 0 : i32
      %dma_start3A_121 = tpu.memref_slice %arg14[%add3A_69, %dma_start3A_120] : memref<10112x128xf32, #tpu.memory_space<vmem_shared>> -> memref<32x128xf32, #tpu.memory_space<vmem_shared>>
      %dma_start3A_122 = arith.constant 0 : i32
      %dma_start3A_123 = tpu.memref_slice %arg14[%add3A_69, %dma_start3A_122] : memref<10112x128xf32, #tpu.memory_space<vmem_shared>> -> memref<32x128xf32, #tpu.memory_space<vmem_shared>>
      tpu.enqueue_dma source(%arg13 : memref<32x128xf32, #tpu.memory_space<vmem>>) target(%dma_start3A_123 : memref<32x128xf32, #tpu.memory_space<vmem_shared>>) target_semaphore(%run_scoped3A : memref<!tpu.dma_semaphore, #tpu.memory_space<semaphore_mem>>)
      %dma_wait3A_124 = arith.constant 0 : i32
      %dma_wait3A_125 = tpu.memref_slice %arg14[%add3A_69, %dma_wait3A_124] : memref<10112x128xf32, #tpu.memory_space<vmem_shared>> -> memref<32x128xf32, #tpu.memory_space<vmem_shared>>
      %dma_wait3A_126 = arith.constant 0 : i32
      %dma_wait3A_127 = tpu.memref_slice %arg14[%add3A_69, %dma_wait3A_126] : memref<10112x128xf32, #tpu.memory_space<vmem_shared>> -> memref<32x128xf32, #tpu.memory_space<vmem_shared>>
      tpu.wait_dma2 semaphore(%run_scoped3A : memref<!tpu.dma_semaphore, #tpu.memory_space<semaphore_mem>>) src(%arg13 : memref<32x128xf32, #tpu.memory_space<vmem>>) dst(%dma_wait3A_127 : memref<32x128xf32, #tpu.memory_space<vmem_shared>>)
      tpu.yield
    }) : () -> ()
    %mul3A_70 = arith.constant 632 : i32
    %mul3A_71 = arith.muli %arg1, %mul3A_70 : i32
    %add3A_72 = arith.constant 480 : i32
    %add3A_73 = arith.addi %mul3A_71, %add3A_72 : i32
    "tpu.region"() ({
      %run_scoped3A = tpu.sem_alloc : memref<!tpu.dma_semaphore, #tpu.memory_space<semaphore_mem>>
      %dma_start3A_120 = arith.constant 0 : i32
      %dma_start3A_121 = tpu.memref_slice %arg14[%add3A_73, %dma_start3A_120] : memref<10112x128xf32, #tpu.memory_space<vmem_shared>> -> memref<32x128xf32, #tpu.memory_space<vmem_shared>>
      %dma_start3A_122 = arith.constant 0 : i32
      %dma_start3A_123 = tpu.memref_slice %arg14[%add3A_73, %dma_start3A_122] : memref<10112x128xf32, #tpu.memory_space<vmem_shared>> -> memref<32x128xf32, #tpu.memory_space<vmem_shared>>
      tpu.enqueue_dma source(%arg13 : memref<32x128xf32, #tpu.memory_space<vmem>>) target(%dma_start3A_123 : memref<32x128xf32, #tpu.memory_space<vmem_shared>>) target_semaphore(%run_scoped3A : memref<!tpu.dma_semaphore, #tpu.memory_space<semaphore_mem>>)
      %dma_wait3A_124 = arith.constant 0 : i32
      %dma_wait3A_125 = tpu.memref_slice %arg14[%add3A_73, %dma_wait3A_124] : memref<10112x128xf32, #tpu.memory_space<vmem_shared>> -> memref<32x128xf32, #tpu.memory_space<vmem_shared>>
      %dma_wait3A_126 = arith.constant 0 : i32
      %dma_wait3A_127 = tpu.memref_slice %arg14[%add3A_73, %dma_wait3A_126] : memref<10112x128xf32, #tpu.memory_space<vmem_shared>> -> memref<32x128xf32, #tpu.memory_space<vmem_shared>>
      tpu.wait_dma2 semaphore(%run_scoped3A : memref<!tpu.dma_semaphore, #tpu.memory_space<semaphore_mem>>) src(%arg13 : memref<32x128xf32, #tpu.memory_space<vmem>>) dst(%dma_wait3A_127 : memref<32x128xf32, #tpu.memory_space<vmem_shared>>)
      tpu.yield
    }) : () -> ()
    %mul3A_74 = arith.constant 632 : i32
    %mul3A_75 = arith.muli %arg1, %mul3A_74 : i32
    %add3A_76 = arith.constant 512 : i32
    %add3A_77 = arith.addi %mul3A_75, %add3A_76 : i32
    "tpu.region"() ({
      %run_scoped3A = tpu.sem_alloc : memref<!tpu.dma_semaphore, #tpu.memory_space<semaphore_mem>>
      %dma_start3A_120 = arith.constant 0 : i32
      %dma_start3A_121 = tpu.memref_slice %arg14[%add3A_77, %dma_start3A_120] : memref<10112x128xf32, #tpu.memory_space<vmem_shared>> -> memref<32x128xf32, #tpu.memory_space<vmem_shared>>
      %dma_start3A_122 = arith.constant 0 : i32
      %dma_start3A_123 = tpu.memref_slice %arg14[%add3A_77, %dma_start3A_122] : memref<10112x128xf32, #tpu.memory_space<vmem_shared>> -> memref<32x128xf32, #tpu.memory_space<vmem_shared>>
      tpu.enqueue_dma source(%arg13 : memref<32x128xf32, #tpu.memory_space<vmem>>) target(%dma_start3A_123 : memref<32x128xf32, #tpu.memory_space<vmem_shared>>) target_semaphore(%run_scoped3A : memref<!tpu.dma_semaphore, #tpu.memory_space<semaphore_mem>>)
      %dma_wait3A_124 = arith.constant 0 : i32
      %dma_wait3A_125 = tpu.memref_slice %arg14[%add3A_77, %dma_wait3A_124] : memref<10112x128xf32, #tpu.memory_space<vmem_shared>> -> memref<32x128xf32, #tpu.memory_space<vmem_shared>>
      %dma_wait3A_126 = arith.constant 0 : i32
      %dma_wait3A_127 = tpu.memref_slice %arg14[%add3A_77, %dma_wait3A_126] : memref<10112x128xf32, #tpu.memory_space<vmem_shared>> -> memref<32x128xf32, #tpu.memory_space<vmem_shared>>
      tpu.wait_dma2 semaphore(%run_scoped3A : memref<!tpu.dma_semaphore, #tpu.memory_space<semaphore_mem>>) src(%arg13 : memref<32x128xf32, #tpu.memory_space<vmem>>) dst(%dma_wait3A_127 : memref<32x128xf32, #tpu.memory_space<vmem_shared>>)
      tpu.yield
    }) : () -> ()
    %mul3A_78 = arith.constant 632 : i32
    %mul3A_79 = arith.muli %arg1, %mul3A_78 : i32
    %add3A_80 = arith.constant 544 : i32
    %add3A_81 = arith.addi %mul3A_79, %add3A_80 : i32
    "tpu.region"() ({
      %run_scoped3A = tpu.sem_alloc : memref<!tpu.dma_semaphore, #tpu.memory_space<semaphore_mem>>
      %dma_start3A_120 = arith.constant 0 : i32
      %dma_start3A_121 = tpu.memref_slice %arg14[%add3A_81, %dma_start3A_120] : memref<10112x128xf32, #tpu.memory_space<vmem_shared>> -> memref<32x128xf32, #tpu.memory_space<vmem_shared>>
      %dma_start3A_122 = arith.constant 0 : i32
      %dma_start3A_123 = tpu.memref_slice %arg14[%add3A_81, %dma_start3A_122] : memref<10112x128xf32, #tpu.memory_space<vmem_shared>> -> memref<32x128xf32, #tpu.memory_space<vmem_shared>>
      tpu.enqueue_dma source(%arg13 : memref<32x128xf32, #tpu.memory_space<vmem>>) target(%dma_start3A_123 : memref<32x128xf32, #tpu.memory_space<vmem_shared>>) target_semaphore(%run_scoped3A : memref<!tpu.dma_semaphore, #tpu.memory_space<semaphore_mem>>)
      %dma_wait3A_124 = arith.constant 0 : i32
      %dma_wait3A_125 = tpu.memref_slice %arg14[%add3A_81, %dma_wait3A_124] : memref<10112x128xf32, #tpu.memory_space<vmem_shared>> -> memref<32x128xf32, #tpu.memory_space<vmem_shared>>
      %dma_wait3A_126 = arith.constant 0 : i32
      %dma_wait3A_127 = tpu.memref_slice %arg14[%add3A_81, %dma_wait3A_126] : memref<10112x128xf32, #tpu.memory_space<vmem_shared>> -> memref<32x128xf32, #tpu.memory_space<vmem_shared>>
      tpu.wait_dma2 semaphore(%run_scoped3A : memref<!tpu.dma_semaphore, #tpu.memory_space<semaphore_mem>>) src(%arg13 : memref<32x128xf32, #tpu.memory_space<vmem>>) dst(%dma_wait3A_127 : memref<32x128xf32, #tpu.memory_space<vmem_shared>>)
      tpu.yield
    }) : () -> ()
    %mul3A_82 = arith.constant 632 : i32
    %mul3A_83 = arith.muli %arg1, %mul3A_82 : i32
    %add3A_84 = arith.constant 576 : i32
    %add3A_85 = arith.addi %mul3A_83, %add3A_84 : i32
    "tpu.region"() ({
      %run_scoped3A = tpu.sem_alloc : memref<!tpu.dma_semaphore, #tpu.memory_space<semaphore_mem>>
      %dma_start3A_120 = arith.constant 0 : i32
      %dma_start3A_121 = tpu.memref_slice %arg14[%add3A_85, %dma_start3A_120] : memref<10112x128xf32, #tpu.memory_space<vmem_shared>> -> memref<32x128xf32, #tpu.memory_space<vmem_shared>>
      %dma_start3A_122 = arith.constant 0 : i32
      %dma_start3A_123 = tpu.memref_slice %arg14[%add3A_85, %dma_start3A_122] : memref<10112x128xf32, #tpu.memory_space<vmem_shared>> -> memref<32x128xf32, #tpu.memory_space<vmem_shared>>
      tpu.enqueue_dma source(%arg13 : memref<32x128xf32, #tpu.memory_space<vmem>>) target(%dma_start3A_123 : memref<32x128xf32, #tpu.memory_space<vmem_shared>>) target_semaphore(%run_scoped3A : memref<!tpu.dma_semaphore, #tpu.memory_space<semaphore_mem>>)
      %dma_wait3A_124 = arith.constant 0 : i32
      %dma_wait3A_125 = tpu.memref_slice %arg14[%add3A_85, %dma_wait3A_124] : memref<10112x128xf32, #tpu.memory_space<vmem_shared>> -> memref<32x128xf32, #tpu.memory_space<vmem_shared>>
      %dma_wait3A_126 = arith.constant 0 : i32
      %dma_wait3A_127 = tpu.memref_slice %arg14[%add3A_85, %dma_wait3A_126] : memref<10112x128xf32, #tpu.memory_space<vmem_shared>> -> memref<32x128xf32, #tpu.memory_space<vmem_shared>>
      tpu.wait_dma2 semaphore(%run_scoped3A : memref<!tpu.dma_semaphore, #tpu.memory_space<semaphore_mem>>) src(%arg13 : memref<32x128xf32, #tpu.memory_space<vmem>>) dst(%dma_wait3A_127 : memref<32x128xf32, #tpu.memory_space<vmem_shared>>)
      tpu.yield
    }) : () -> ()
    %mul3A_86 = arith.constant 632 : i32
    %mul3A_87 = arith.muli %arg1, %mul3A_86 : i32
    %add3A_88 = arith.constant 608 : i32
    %add3A_89 = arith.addi %mul3A_87, %add3A_88 : i32
    "tpu.region"() ({
      %run_scoped3A = tpu.sem_alloc : memref<!tpu.dma_semaphore, #tpu.memory_space<semaphore_mem>>
      %dma_start3A_120 = arith.constant 0 : i32
      %dma_start3A_121 = arith.constant 0 : i32
      %dma_start3A_122 = tpu.memref_slice %arg13[%dma_start3A_120, %dma_start3A_121] : memref<32x128xf32, #tpu.memory_space<vmem>> -> memref<24x128xf32, #tpu.memory_space<vmem>>
      %dma_start3A_123 = arith.constant 0 : i32
      %dma_start3A_124 = tpu.memref_slice %arg14[%add3A_89, %dma_start3A_123] : memref<10112x128xf32, #tpu.memory_space<vmem_shared>> -> memref<24x128xf32, #tpu.memory_space<vmem_shared>>
      %dma_start3A_125 = arith.constant 0 : i32
      %dma_start3A_126 = tpu.memref_slice %arg14[%add3A_89, %dma_start3A_125] : memref<10112x128xf32, #tpu.memory_space<vmem_shared>> -> memref<24x128xf32, #tpu.memory_space<vmem_shared>>
      %dma_start3A_127 = arith.constant 0 : i32
      %dma_start3A_128 = arith.constant 0 : i32
      %dma_start3A_129 = tpu.memref_slice %arg13[%dma_start3A_127, %dma_start3A_128] : memref<32x128xf32, #tpu.memory_space<vmem>> -> memref<24x128xf32, #tpu.memory_space<vmem>>
      tpu.enqueue_dma source(%dma_start3A_129 : memref<24x128xf32, #tpu.memory_space<vmem>>) target(%dma_start3A_126 : memref<24x128xf32, #tpu.memory_space<vmem_shared>>) target_semaphore(%run_scoped3A : memref<!tpu.dma_semaphore, #tpu.memory_space<semaphore_mem>>)
      %dma_wait3A_130 = arith.constant 0 : i32
      %dma_wait3A_131 = arith.constant 0 : i32
      %dma_wait3A_132 = tpu.memref_slice %arg13[%dma_wait3A_130, %dma_wait3A_131] : memref<32x128xf32, #tpu.memory_space<vmem>> -> memref<24x128xf32, #tpu.memory_space<vmem>>
      %dma_wait3A_133 = arith.constant 0 : i32
      %dma_wait3A_134 = tpu.memref_slice %arg14[%add3A_89, %dma_wait3A_133] : memref<10112x128xf32, #tpu.memory_space<vmem_shared>> -> memref<24x128xf32, #tpu.memory_space<vmem_shared>>
      %dma_wait3A_135 = arith.constant 0 : i32
      %dma_wait3A_136 = tpu.memref_slice %arg14[%add3A_89, %dma_wait3A_135] : memref<10112x128xf32, #tpu.memory_space<vmem_shared>> -> memref<24x128xf32, #tpu.memory_space<vmem_shared>>
      %dma_wait3A_137 = arith.constant 0 : i32
      %dma_wait3A_138 = arith.constant 0 : i32
      %dma_wait3A_139 = tpu.memref_slice %arg13[%dma_wait3A_137, %dma_wait3A_138] : memref<32x128xf32, #tpu.memory_space<vmem>> -> memref<24x128xf32, #tpu.memory_space<vmem>>
      tpu.wait_dma2 semaphore(%run_scoped3A : memref<!tpu.dma_semaphore, #tpu.memory_space<semaphore_mem>>) src(%dma_wait3A_139 : memref<24x128xf32, #tpu.memory_space<vmem>>) dst(%dma_wait3A_136 : memref<24x128xf32, #tpu.memory_space<vmem_shared>>)
      tpu.yield
    }) : () -> ()
    %barrier3A = arith.constant 0 : index
    tpu.barrier barrier_id(%barrier3A)
    %dma_start3A = tpu.memref_slice %arg3[%mul3A_3] : memref<327680xi32, #tpu.memory_space<hbm>> -> memref<128xi32, #tpu.memory_space<hbm>>
    %dma_start3A_90 = tpu.memref_slice %arg3[%mul3A_3] : memref<327680xi32, #tpu.memory_space<hbm>> -> memref<128xi32, #tpu.memory_space<hbm>>
    tpu.enqueue_dma source(%dma_start3A_90 : memref<128xi32, #tpu.memory_space<hbm>>) target(%arg7 : memref<128xi32, #tpu.memory_space<vmem>>) target_semaphore(%arg15 : memref<!tpu.dma_semaphore, #tpu.memory_space<semaphore_mem>>)
    %dma_start3A_91 = tpu.memref_slice %arg4[%mul3A_3] : memref<327680xi32, #tpu.memory_space<hbm>> -> memref<128xi32, #tpu.memory_space<hbm>>
    %dma_start3A_92 = tpu.memref_slice %arg4[%mul3A_3] : memref<327680xi32, #tpu.memory_space<hbm>> -> memref<128xi32, #tpu.memory_space<hbm>>
    tpu.enqueue_dma source(%dma_start3A_92 : memref<128xi32, #tpu.memory_space<hbm>>) target(%arg8 : memref<128xi32, #tpu.memory_space<vmem>>) target_semaphore(%arg15 : memref<!tpu.dma_semaphore, #tpu.memory_space<semaphore_mem>>)
    %dma_wait3A = tpu.memref_slice %arg3[%mul3A_3] : memref<327680xi32, #tpu.memory_space<hbm>> -> memref<128xi32, #tpu.memory_space<hbm>>
    %dma_wait3A_93 = tpu.memref_slice %arg3[%mul3A_3] : memref<327680xi32, #tpu.memory_space<hbm>> -> memref<128xi32, #tpu.memory_space<hbm>>
    tpu.wait_dma2 semaphore(%arg15 : memref<!tpu.dma_semaphore, #tpu.memory_space<semaphore_mem>>) src(%dma_wait3A_93 : memref<128xi32, #tpu.memory_space<hbm>>) dst(%arg7 : memref<128xi32, #tpu.memory_space<vmem>>)
    %dma_wait3A_94 = tpu.memref_slice %arg4[%mul3A_3] : memref<327680xi32, #tpu.memory_space<hbm>> -> memref<128xi32, #tpu.memory_space<hbm>>
    %dma_wait3A_95 = tpu.memref_slice %arg4[%mul3A_3] : memref<327680xi32, #tpu.memory_space<hbm>> -> memref<128xi32, #tpu.memory_space<hbm>>
    tpu.wait_dma2 semaphore(%arg15 : memref<!tpu.dma_semaphore, #tpu.memory_space<semaphore_mem>>) src(%dma_wait3A_95 : memref<128xi32, #tpu.memory_space<hbm>>) dst(%arg8 : memref<128xi32, #tpu.memory_space<vmem>>)
    %dma_start3A_96 = arith.constant 0 : i32
    %dma_start3A_97 = arith.constant 0 : i32
    %dma_start3A_98 = tpu.memref_slice %arg2[%dma_start3A_96, %dma_start3A_97] : memref<10000x128xf32, #tpu.memory_space<hbm>> -> memref<10000x128xf32, #tpu.memory_space<hbm>>
    tpu.enqueue_indirect_dma source(%dma_start3A_98 : memref<10000x128xf32, #tpu.memory_space<hbm>>) target(%arg11 : memref<128x128xf32, #tpu.memory_space<vmem>>) offsets(%arg7 : memref<128xi32, #tpu.memory_space<vmem>>) semaphore(%arg17 : memref<!tpu.dma_semaphore, #tpu.memory_space<semaphore_mem>>)
    %add3A_99 = arith.constant 128 : i32
    %add3A_100 = arith.addi %mul3A_3, %add3A_99 : i32
    %dma_start3A_101 = tpu.memref_slice %arg3[%add3A_100] : memref<327680xi32, #tpu.memory_space<hbm>> -> memref<128xi32, #tpu.memory_space<hbm>>
    %dma_start3A_102 = tpu.memref_slice %arg3[%add3A_100] : memref<327680xi32, #tpu.memory_space<hbm>> -> memref<128xi32, #tpu.memory_space<hbm>>
    tpu.enqueue_dma source(%dma_start3A_102 : memref<128xi32, #tpu.memory_space<hbm>>) target(%arg9 : memref<128xi32, #tpu.memory_space<vmem>>) target_semaphore(%arg16 : memref<!tpu.dma_semaphore, #tpu.memory_space<semaphore_mem>>)
    %dma_start3A_103 = tpu.memref_slice %arg4[%add3A_100] : memref<327680xi32, #tpu.memory_space<hbm>> -> memref<128xi32, #tpu.memory_space<hbm>>
    %dma_start3A_104 = tpu.memref_slice %arg4[%add3A_100] : memref<327680xi32, #tpu.memory_space<hbm>> -> memref<128xi32, #tpu.memory_space<hbm>>
    tpu.enqueue_dma source(%dma_start3A_104 : memref<128xi32, #tpu.memory_space<hbm>>) target(%arg10 : memref<128xi32, #tpu.memory_space<vmem>>) target_semaphore(%arg16 : memref<!tpu.dma_semaphore, #tpu.memory_space<semaphore_mem>>)
    %scan3A_105 = arith.constant 0 : i32
    %scan3A_106 = arith.constant 0 : i32
    %scan3A_107 = arith.constant 40 : i32
    %scan3A_108 = arith.addi %scan3A_106, %scan3A_107 : i32
    %scan3A_109 = arith.constant 1 : i32
    %scan3A_110 = scf.for %scan3A_120 = %scan3A_106 to %scan3A_108 step %scan3A_109 iter_args(%scan3A_121 = %scan3A_105) -> (i32)  : i32 {
      %mul3A_122 = arith.constant 2 : i32
      %mul3A_123 = arith.muli %mul3A_122, %scan3A_120 : i32
      %mul3A_124 = arith.constant 128 : i32
      %mul3A_125 = arith.muli %mul3A_123, %mul3A_124 : i32
      %add3A_126 = arith.addi %mul3A_3, %mul3A_125 : i32
      %add3A_127 = arith.constant 128 : i32
      %add3A_128 = arith.addi %add3A_126, %add3A_127 : i32
      %lt3A = arith.constant 39 : i32
      %lt3A_129 = arith.cmpi slt, %scan3A_120, %lt3A : i32
      %dma_wait3A_130 = tpu.memref_slice %arg3[%add3A_128] : memref<327680xi32, #tpu.memory_space<hbm>> -> memref<128xi32, #tpu.memory_space<hbm>>
      %dma_wait3A_131 = tpu.memref_slice %arg3[%add3A_128] : memref<327680xi32, #tpu.memory_space<hbm>> -> memref<128xi32, #tpu.memory_space<hbm>>
      tpu.wait_dma2 semaphore(%arg16 : memref<!tpu.dma_semaphore, #tpu.memory_space<semaphore_mem>>) src(%dma_wait3A_131 : memref<128xi32, #tpu.memory_space<hbm>>) dst(%arg9 : memref<128xi32, #tpu.memory_space<vmem>>)
      %dma_wait3A_132 = tpu.memref_slice %arg4[%add3A_128] : memref<327680xi32, #tpu.memory_space<hbm>> -> memref<128xi32, #tpu.memory_space<hbm>>
      %dma_wait3A_133 = tpu.memref_slice %arg4[%add3A_128] : memref<327680xi32, #tpu.memory_space<hbm>> -> memref<128xi32, #tpu.memory_space<hbm>>
      tpu.wait_dma2 semaphore(%arg16 : memref<!tpu.dma_semaphore, #tpu.memory_space<semaphore_mem>>) src(%dma_wait3A_133 : memref<128xi32, #tpu.memory_space<hbm>>) dst(%arg10 : memref<128xi32, #tpu.memory_space<vmem>>)
      %dma_start3A_134 = arith.constant 0 : i32
      %dma_start3A_135 = arith.constant 0 : i32
      %dma_start3A_136 = tpu.memref_slice %arg2[%dma_start3A_134, %dma_start3A_135] : memref<10000x128xf32, #tpu.memory_space<hbm>> -> memref<10000x128xf32, #tpu.memory_space<hbm>>
      tpu.enqueue_indirect_dma source(%dma_start3A_136 : memref<10000x128xf32, #tpu.memory_space<hbm>>) target(%arg12 : memref<128x128xf32, #tpu.memory_space<vmem>>) offsets(%arg9 : memref<128xi32, #tpu.memory_space<vmem>>) semaphore(%arg18 : memref<!tpu.dma_semaphore, #tpu.memory_space<semaphore_mem>>)
      %dma_wait3A_137 = arith.constant 0 : i32
      %dma_wait3A_138 = arith.constant 0 : i32
      %dma_wait3A_139 = tpu.memref_slice %arg2[%dma_wait3A_137, %dma_wait3A_138] : memref<10000x128xf32, #tpu.memory_space<hbm>> -> memref<10000x128xf32, #tpu.memory_space<hbm>>
      tpu.wait_indirect_dma semaphore(%arg17 : memref<!tpu.dma_semaphore, #tpu.memory_space<semaphore_mem>>) src(%dma_wait3A_139 : memref<10000x128xf32, #tpu.memory_space<hbm>>) dst(%arg11 : memref<128x128xf32, #tpu.memory_space<vmem>>)
      "tpu.region"() ({
        %run_scoped3A = tpu.sem_alloc : memref<!tpu.dma_semaphore, #tpu.memory_space<semaphore_mem>>
        %dma_start3A_153 = arith.constant 0 : i32
        %dma_start3A_154 = arith.constant 0 : i32
        %dma_start3A_155 = tpu.memref_slice %arg14[%dma_start3A_153, %dma_start3A_154] : memref<10112x128xf32, #tpu.memory_space<vmem_shared>> -> memref<10112x128xf32, #tpu.memory_space<vmem_shared>>
        tpu.enqueue_indirect_dma source(%arg11 : memref<128x128xf32, #tpu.memory_space<vmem>>) target(%dma_start3A_155 : memref<10112x128xf32, #tpu.memory_space<vmem_shared>>) offsets(%arg8 : memref<128xi32, #tpu.memory_space<vmem>>) semaphore(%run_scoped3A : memref<!tpu.dma_semaphore, #tpu.memory_space<semaphore_mem>>) {add = true}
        %dma_wait3A_156 = arith.constant 0 : i32
        %dma_wait3A_157 = arith.constant 0 : i32
        %dma_wait3A_158 = tpu.memref_slice %arg14[%dma_wait3A_156, %dma_wait3A_157] : memref<10112x128xf32, #tpu.memory_space<vmem_shared>> -> memref<10112x128xf32, #tpu.memory_space<vmem_shared>>
        tpu.wait_indirect_dma semaphore(%run_scoped3A : memref<!tpu.dma_semaphore, #tpu.memory_space<semaphore_mem>>) src(%arg11 : memref<128x128xf32, #tpu.memory_space<vmem>>) dst(%dma_wait3A_158 : memref<10112x128xf32, #tpu.memory_space<vmem_shared>>)
        tpu.yield
      }) : () -> ()
      %convert_element_type3A_140 = arith.extui %lt3A_129 : i1 to i32
      %cond3A_141 = arith.constant 0 : i32
      %cond3A_142 = arith.cmpi ne, %convert_element_type3A_140, %cond3A_141 : i32
      scf.if %cond3A_142 {
        %add3A_153 = arith.constant 128 : i32
        %add3A_154 = arith.addi %add3A_128, %add3A_153 : i32
        %dma_start3A_155 = tpu.memref_slice %arg3[%add3A_154] : memref<327680xi32, #tpu.memory_space<hbm>> -> memref<128xi32, #tpu.memory_space<hbm>>
        %dma_start3A_156 = tpu.memref_slice %arg3[%add3A_154] : memref<327680xi32, #tpu.memory_space<hbm>> -> memref<128xi32, #tpu.memory_space<hbm>>
        tpu.enqueue_dma source(%dma_start3A_156 : memref<128xi32, #tpu.memory_space<hbm>>) target(%arg7 : memref<128xi32, #tpu.memory_space<vmem>>) target_semaphore(%arg15 : memref<!tpu.dma_semaphore, #tpu.memory_space<semaphore_mem>>)
        %dma_start3A_157 = tpu.memref_slice %arg4[%add3A_154] : memref<327680xi32, #tpu.memory_space<hbm>> -> memref<128xi32, #tpu.memory_space<hbm>>
        %dma_start3A_158 = tpu.memref_slice %arg4[%add3A_154] : memref<327680xi32, #tpu.memory_space<hbm>> -> memref<128xi32, #tpu.memory_space<hbm>>
        tpu.enqueue_dma source(%dma_start3A_158 : memref<128xi32, #tpu.memory_space<hbm>>) target(%arg8 : memref<128xi32, #tpu.memory_space<vmem>>) target_semaphore(%arg15 : memref<!tpu.dma_semaphore, #tpu.memory_space<semaphore_mem>>)
      } else {
      }
      %dma_wait3A_143 = arith.constant 0 : i32
      %dma_wait3A_144 = arith.constant 0 : i32
      %dma_wait3A_145 = tpu.memref_slice %arg2[%dma_wait3A_143, %dma_wait3A_144] : memref<10000x128xf32, #tpu.memory_space<hbm>> -> memref<10000x128xf32, #tpu.memory_space<hbm>>
      tpu.wait_indirect_dma semaphore(%arg18 : memref<!tpu.dma_semaphore, #tpu.memory_space<semaphore_mem>>) src(%dma_wait3A_145 : memref<10000x128xf32, #tpu.memory_space<hbm>>) dst(%arg12 : memref<128x128xf32, #tpu.memory_space<vmem>>)
      %convert_element_type3A_146 = arith.extui %lt3A_129 : i1 to i32
      %cond3A_147 = arith.constant 0 : i32
      %cond3A_148 = arith.cmpi ne, %convert_element_type3A_146, %cond3A_147 : i32
      scf.if %cond3A_148 {
        %add3A_153 = arith.constant 128 : i32
        %add3A_154 = arith.addi %add3A_128, %add3A_153 : i32
        %dma_wait3A_155 = tpu.memref_slice %arg3[%add3A_154] : memref<327680xi32, #tpu.memory_space<hbm>> -> memref<128xi32, #tpu.memory_space<hbm>>
        %dma_wait3A_156 = tpu.memref_slice %arg3[%add3A_154] : memref<327680xi32, #tpu.memory_space<hbm>> -> memref<128xi32, #tpu.memory_space<hbm>>
        tpu.wait_dma2 semaphore(%arg15 : memref<!tpu.dma_semaphore, #tpu.memory_space<semaphore_mem>>) src(%dma_wait3A_156 : memref<128xi32, #tpu.memory_space<hbm>>) dst(%arg7 : memref<128xi32, #tpu.memory_space<vmem>>)
        %dma_wait3A_157 = tpu.memref_slice %arg4[%add3A_154] : memref<327680xi32, #tpu.memory_space<hbm>> -> memref<128xi32, #tpu.memory_space<hbm>>
        %dma_wait3A_158 = tpu.memref_slice %arg4[%add3A_154] : memref<327680xi32, #tpu.memory_space<hbm>> -> memref<128xi32, #tpu.memory_space<hbm>>
        tpu.wait_dma2 semaphore(%arg15 : memref<!tpu.dma_semaphore, #tpu.memory_space<semaphore_mem>>) src(%dma_wait3A_158 : memref<128xi32, #tpu.memory_space<hbm>>) dst(%arg8 : memref<128xi32, #tpu.memory_space<vmem>>)
        %dma_start3A_159 = arith.constant 0 : i32
        %dma_start3A_160 = arith.constant 0 : i32
        %dma_start3A_161 = tpu.memref_slice %arg2[%dma_start3A_159, %dma_start3A_160] : memref<10000x128xf32, #tpu.memory_space<hbm>> -> memref<10000x128xf32, #tpu.memory_space<hbm>>
        tpu.enqueue_indirect_dma source(%dma_start3A_161 : memref<10000x128xf32, #tpu.memory_space<hbm>>) target(%arg11 : memref<128x128xf32, #tpu.memory_space<vmem>>) offsets(%arg7 : memref<128xi32, #tpu.memory_space<vmem>>) semaphore(%arg17 : memref<!tpu.dma_semaphore, #tpu.memory_space<semaphore_mem>>)
      } else {
      }
      "tpu.region"() ({
        %run_scoped3A = tpu.sem_alloc : memref<!tpu.dma_semaphore, #tpu.memory_space<semaphore_mem>>
        %dma_start3A_153 = arith.constant 0 : i32
        %dma_start3A_154 = arith.constant 0 : i32
        %dma_start3A_155 = tpu.memref_slice %arg14[%dma_start3A_153, %dma_start3A_154] : memref<10112x128xf32, #tpu.memory_space<vmem_shared>> -> memref<10112x128xf32, #tpu.memory_space<vmem_shared>>
        tpu.enqueue_indirect_dma source(%arg12 : memref<128x128xf32, #tpu.memory_space<vmem>>) target(%dma_start3A_155 : memref<10112x128xf32, #tpu.memory_space<vmem_shared>>) offsets(%arg10 : memref<128xi32, #tpu.memory_space<vmem>>) semaphore(%run_scoped3A : memref<!tpu.dma_semaphore, #tpu.memory_space<semaphore_mem>>) {add = true}
        %dma_wait3A_156 = arith.constant 0 : i32
        %dma_wait3A_157 = arith.constant 0 : i32
        %dma_wait3A_158 = tpu.memref_slice %arg14[%dma_wait3A_156, %dma_wait3A_157] : memref<10112x128xf32, #tpu.memory_space<vmem_shared>> -> memref<10112x128xf32, #tpu.memory_space<vmem_shared>>
        tpu.wait_indirect_dma semaphore(%run_scoped3A : memref<!tpu.dma_semaphore, #tpu.memory_space<semaphore_mem>>) src(%arg12 : memref<128x128xf32, #tpu.memory_space<vmem>>) dst(%dma_wait3A_158 : memref<10112x128xf32, #tpu.memory_space<vmem_shared>>)
        tpu.yield
      }) : () -> ()
      %convert_element_type3A_149 = arith.extui %lt3A_129 : i1 to i32
      %cond3A_150 = arith.constant 0 : i32
      %cond3A_151 = arith.cmpi ne, %convert_element_type3A_149, %cond3A_150 : i32
      scf.if %cond3A_151 {
        %add3A_153 = arith.constant 256 : i32
        %add3A_154 = arith.addi %add3A_128, %add3A_153 : i32
        %dma_start3A_155 = tpu.memref_slice %arg3[%add3A_154] : memref<327680xi32, #tpu.memory_space<hbm>> -> memref<128xi32, #tpu.memory_space<hbm>>
        %dma_start3A_156 = tpu.memref_slice %arg3[%add3A_154] : memref<327680xi32, #tpu.memory_space<hbm>> -> memref<128xi32, #tpu.memory_space<hbm>>
        tpu.enqueue_dma source(%dma_start3A_156 : memref<128xi32, #tpu.memory_space<hbm>>) target(%arg9 : memref<128xi32, #tpu.memory_space<vmem>>) target_semaphore(%arg16 : memref<!tpu.dma_semaphore, #tpu.memory_space<semaphore_mem>>)
        %dma_start3A_157 = tpu.memref_slice %arg4[%add3A_154] : memref<327680xi32, #tpu.memory_space<hbm>> -> memref<128xi32, #tpu.memory_space<hbm>>
        %dma_start3A_158 = tpu.memref_slice %arg4[%add3A_154] : memref<327680xi32, #tpu.memory_space<hbm>> -> memref<128xi32, #tpu.memory_space<hbm>>
        tpu.enqueue_dma source(%dma_start3A_158 : memref<128xi32, #tpu.memory_space<hbm>>) target(%arg10 : memref<128xi32, #tpu.memory_space<vmem>>) target_semaphore(%arg16 : memref<!tpu.dma_semaphore, #tpu.memory_space<semaphore_mem>>)
      } else {
      }
      %scan3A_152 = arith.constant 0 : i32
      scf.yield %scan3A_152 : i32
    }
    %scan3A_111 = arith.constant 40 : i32
    %barrier3A_112 = arith.constant 0 : index
    tpu.barrier barrier_id(%barrier3A_112)
    %eq3A = arith.constant 0 : i32
    %eq3A_113 = arith.cmpi eq, %arg0, %eq3A : i32
    %convert_element_type3A = arith.extui %eq3A_113 : i1 to i32
    %cond3A = arith.constant 0 : i32
    %cond3A_114 = arith.cmpi ne, %convert_element_type3A, %cond3A : i32
    scf.if %cond3A_114 {
      %mul3A_120 = arith.constant 632 : i32
      %mul3A_121 = arith.muli %arg1, %mul3A_120 : i32
      %mul3A_122 = arith.constant 632 : i32
      %mul3A_123 = arith.muli %arg1, %mul3A_122 : i32
      "tpu.region"() ({
        %run_scoped3A = tpu.sem_alloc : memref<!tpu.dma_semaphore, #tpu.memory_space<semaphore_mem>>
        %dma_start3A_124 = arith.constant 0 : i32
        %dma_start3A_125 = tpu.memref_slice %arg5[%mul3A_123, %dma_start3A_124] : memref<10112x128xf32, #tpu.memory_space<hbm>> -> memref<632x128xf32, #tpu.memory_space<hbm>>
        %dma_start3A_126 = arith.constant 0 : i32
        %dma_start3A_127 = tpu.memref_slice %arg14[%mul3A_121, %dma_start3A_126] : memref<10112x128xf32, #tpu.memory_space<vmem_shared>> -> memref<632x128xf32, #tpu.memory_space<vmem_shared>>
        tpu.enqueue_dma source(%dma_start3A_127 : memref<632x128xf32, #tpu.memory_space<vmem_shared>>) target(%dma_start3A_125 : memref<632x128xf32, #tpu.memory_space<hbm>>) target_semaphore(%run_scoped3A : memref<!tpu.dma_semaphore, #tpu.memory_space<semaphore_mem>>)
        %dma_wait3A_128 = arith.constant 0 : i32
        %dma_wait3A_129 = tpu.memref_slice %arg5[%mul3A_123, %dma_wait3A_128] : memref<10112x128xf32, #tpu.memory_space<hbm>> -> memref<632x128xf32, #tpu.memory_space<hbm>>
        %dma_wait3A_130 = arith.constant 0 : i32
        %dma_wait3A_131 = tpu.memref_slice %arg14[%mul3A_121, %dma_wait3A_130] : memref<10112x128xf32, #tpu.memory_space<vmem_shared>> -> memref<632x128xf32, #tpu.memory_space<vmem_shared>>
        tpu.wait_dma2 semaphore(%run_scoped3A : memref<!tpu.dma_semaphore, #tpu.memory_space<semaphore_mem>>) src(%dma_wait3A_131 : memref<632x128xf32, #tpu.memory_space<vmem_shared>>) dst(%dma_wait3A_129 : memref<632x128xf32, #tpu.memory_space<hbm>>)
        tpu.yield
      }) : () -> ()
    } else {
    }
    %eq3A_115 = arith.constant 1 : i32
    %eq3A_116 = arith.cmpi eq, %arg0, %eq3A_115 : i32
    %convert_element_type3A_117 = arith.extui %eq3A_116 : i1 to i32
    %cond3A_118 = arith.constant 0 : i32
    %cond3A_119 = arith.cmpi ne, %convert_element_type3A_117, %cond3A_118 : i32
    scf.if %cond3A_119 {
      %mul3A_120 = arith.constant 632 : i32
      %mul3A_121 = arith.muli %arg1, %mul3A_120 : i32
      %mul3A_122 = arith.constant 632 : i32
      %mul3A_123 = arith.muli %arg1, %mul3A_122 : i32
      "tpu.region"() ({
        %run_scoped3A = tpu.sem_alloc : memref<!tpu.dma_semaphore, #tpu.memory_space<semaphore_mem>>
        %dma_start3A_124 = arith.constant 0 : i32
        %dma_start3A_125 = tpu.memref_slice %arg6[%mul3A_123, %dma_start3A_124] : memref<10112x128xf32, #tpu.memory_space<hbm>> -> memref<632x128xf32, #tpu.memory_space<hbm>>
        %dma_start3A_126 = arith.constant 0 : i32
        %dma_start3A_127 = tpu.memref_slice %arg14[%mul3A_121, %dma_start3A_126] : memref<10112x128xf32, #tpu.memory_space<vmem_shared>> -> memref<632x128xf32, #tpu.memory_space<vmem_shared>>
        tpu.enqueue_dma source(%dma_start3A_127 : memref<632x128xf32, #tpu.memory_space<vmem_shared>>) target(%dma_start3A_125 : memref<632x128xf32, #tpu.memory_space<hbm>>) target_semaphore(%run_scoped3A : memref<!tpu.dma_semaphore, #tpu.memory_space<semaphore_mem>>)
        %dma_wait3A_128 = arith.constant 0 : i32
        %dma_wait3A_129 = tpu.memref_slice %arg6[%mul3A_123, %dma_wait3A_128] : memref<10112x128xf32, #tpu.memory_space<hbm>> -> memref<632x128xf32, #tpu.memory_space<hbm>>
        %dma_wait3A_130 = arith.constant 0 : i32
        %dma_wait3A_131 = tpu.memref_slice %arg14[%mul3A_121, %dma_wait3A_130] : memref<10112x128xf32, #tpu.memory_space<vmem_shared>> -> memref<632x128xf32, #tpu.memory_space<vmem_shared>>
        tpu.wait_dma2 semaphore(%run_scoped3A : memref<!tpu.dma_semaphore, #tpu.memory_space<semaphore_mem>>) src(%dma_wait3A_131 : memref<632x128xf32, #tpu.memory_space<vmem_shared>>) dst(%dma_wait3A_129 : memref<632x128xf32, #tpu.memory_space<hbm>>)
        tpu.yield
      }) : () -> ()
    } else {
    }
    return
  }
}

#map = affine_map<(d0, d1) -> (0, 0)>
#map1 = affine_map<(d0, d1) -> (0)>
module attributes {stable_mosaic.version = 14 : i64} {
  func.func @_seg_sum_body(%arg0: i32, %arg1: i32, %arg2: memref<10000x128xf32, #tpu.memory_space<hbm>>, %arg3: memref<327680xi32, #tpu.memory_space<hbm>>, %arg4: memref<327680xi32, #tpu.memory_space<hbm>>, %arg5: memref<10112x128xf32, #tpu.memory_space<hbm>>, %arg6: memref<10112x128xf32, #tpu.memory_space<hbm>>, %arg7: memref<128xi32, #tpu.memory_space<vmem>>, %arg8: memref<128xi32, #tpu.memory_space<vmem>>, %arg9: memref<128xi32, #tpu.memory_space<vmem>>, %arg10: memref<128xi32, #tpu.memory_space<vmem>>, %arg11: memref<128x128xf32, #tpu.memory_space<vmem>>, %arg12: memref<128x128xf32, #tpu.memory_space<vmem>>, %arg13: memref<32x128xf32, #tpu.memory_space<vmem>>, %arg14: memref<10112x128xf32, #tpu.memory_space<vmem_shared>>, %arg15: memref<!tpu.dma_semaphore, #tpu.memory_space<semaphore_mem>>, %arg16: memref<!tpu.dma_semaphore, #tpu.memory_space<semaphore_mem>>, %arg17: memref<!tpu.dma_semaphore, #tpu.memory_space<semaphore_mem>>, %arg18: memref<!tpu.dma_semaphore, #tpu.memory_space<semaphore_mem>>) attributes {dimension_semantics = [#tpu.dimension_semantics<core_parallel>, #tpu.dimension_semantics<subcore_parallel>], iteration_bounds = array<i64: 2, 16>, scalar_prefetch = 0 : i64, scratch_operands = 12 : i64, tpu.core_type = #tpu.core_type<sc_vector_subcore>, window_params = [{transform_indices = #map}, {transform_indices = #map1}, {transform_indices = #map1}, {transform_indices = #map}, {transform_indices = #map}]} {
    %mul3A = arith.constant 16 : i32
    %mul3A_0 = arith.muli %arg0, %mul3A : i32
    %add3A = arith.addi %mul3A_0, %arg1 : i32
    %broadcast_in_dim3A = arith.constant 0.000000e+00 : f32
    %broadcast_in_dim3A_1 = vector.broadcast %broadcast_in_dim3A : f32 to vector<16xf32>
    %mul3A_2 = arith.constant 10240 : i32
    %mul3A_3 = arith.muli %add3A, %mul3A_2 : i32
    %scan3A = arith.constant 0 : i32
    %scan3A_4 = arith.constant 0 : i32
    %scan3A_5 = arith.constant 32 : i32
    %scan3A_6 = arith.addi %scan3A_4, %scan3A_5 : i32
    %scan3A_7 = arith.constant 1 : i32
    %scan3A_8 = scf.for %scan3A_120 = %scan3A_4 to %scan3A_6 step %scan3A_7 iter_args(%scan3A_121 = %scan3A) -> (i32)  : i32 {
      %scan3A_122 = arith.constant 0 : i32
      %scan3A_123 = arith.constant 0 : i32
      %scan3A_124 = arith.constant 8 : i32
      %scan3A_125 = arith.addi %scan3A_123, %scan3A_124 : i32
      %scan3A_126 = arith.constant 1 : i32
      %scan3A_127 = scf.for %scan3A_129 = %scan3A_123 to %scan3A_125 step %scan3A_126 iter_args(%scan3A_130 = %scan3A_122) -> (i32)  : i32 {
        %mul3A_131 = arith.constant 16 : i32
        %mul3A_132 = arith.muli %scan3A_129, %mul3A_131 : i32
        %swap3A = arith.index_cast %scan3A_120 : i32 to index
        %swap3A_133 = arith.index_cast %mul3A_132 : i32 to index
        %swap3A_134 = tpu.vector_load %arg13[%swap3A, %swap3A_133] {strides = array<i32>} : memref<32x128xf32, #tpu.memory_space<vmem>>, vector<1x16xf32>,
        %swap3A_135 = vector.shape_cast %swap3A_134 : vector<1x16xf32> to vector<16xf32>
        %swap3A_136 = vector.shape_cast %broadcast_in_dim3A_1 : vector<16xf32> to vector<1x16xf32>
        tpu.vector_store %arg13[%swap3A, %swap3A_133], %swap3A_136 {strides = array<i32>} : memref<32x128xf32, #tpu.memory_space<vmem>>, vector<1x16xf32>,
        %scan3A_137 = arith.constant 0 : i32
        scf.yield %scan3A_137 : i32
      }
      %scan3A_128 = arith.constant 8 : i32
      scf.yield %scan3A_127 : i32
    }
    %scan3A_9 = arith.constant 32 : i32
    %mul3A_10 = arith.constant 632 : i32
    %mul3A_11 = arith.muli %arg1, %mul3A_10 : i32
    %add3A_12 = arith.constant 0 : i32
    %add3A_13 = arith.addi %mul3A_11, %add3A_12 : i32
    "tpu.region"() ({
      %run_scoped3A = tpu.sem_alloc : memref<!tpu.dma_semaphore, #tpu.memory_space<semaphore_mem>>
      %dma_start3A_120 = arith.constant 0 : i32
      %dma_start3A_121 = tpu.memref_slice %arg14[%add3A_13, %dma_start3A_120] : memref<10112x128xf32, #tpu.memory_space<vmem_shared>> -> memref<32x128xf32, #tpu.memory_space<vmem_shared>>
      %dma_start3A_122 = arith.constant 0 : i32
      %dma_start3A_123 = tpu.memref_slice %arg14[%add3A_13, %dma_start3A_122] : memref<10112x128xf32, #tpu.memory_space<vmem_shared>> -> memref<32x128xf32, #tpu.memory_space<vmem_shared>>
      tpu.enqueue_dma source(%arg13 : memref<32x128xf32, #tpu.memory_space<vmem>>) target(%dma_start3A_123 : memref<32x128xf32, #tpu.memory_space<vmem_shared>>) target_semaphore(%run_scoped3A : memref<!tpu.dma_semaphore, #tpu.memory_space<semaphore_mem>>)
      %dma_wait3A_124 = arith.constant 0 : i32
      %dma_wait3A_125 = tpu.memref_slice %arg14[%add3A_13, %dma_wait3A_124] : memref<10112x128xf32, #tpu.memory_space<vmem_shared>> -> memref<32x128xf32, #tpu.memory_space<vmem_shared>>
      %dma_wait3A_126 = arith.constant 0 : i32
      %dma_wait3A_127 = tpu.memref_slice %arg14[%add3A_13, %dma_wait3A_126] : memref<10112x128xf32, #tpu.memory_space<vmem_shared>> -> memref<32x128xf32, #tpu.memory_space<vmem_shared>>
      tpu.wait_dma2 semaphore(%run_scoped3A : memref<!tpu.dma_semaphore, #tpu.memory_space<semaphore_mem>>) src(%arg13 : memref<32x128xf32, #tpu.memory_space<vmem>>) dst(%dma_wait3A_127 : memref<32x128xf32, #tpu.memory_space<vmem_shared>>)
      tpu.yield
    }) : () -> ()
    %mul3A_14 = arith.constant 632 : i32
    %mul3A_15 = arith.muli %arg1, %mul3A_14 : i32
    %add3A_16 = arith.constant 32 : i32
    %add3A_17 = arith.addi %mul3A_15, %add3A_16 : i32
    "tpu.region"() ({
      %run_scoped3A = tpu.sem_alloc : memref<!tpu.dma_semaphore, #tpu.memory_space<semaphore_mem>>
      %dma_start3A_120 = arith.constant 0 : i32
      %dma_start3A_121 = tpu.memref_slice %arg14[%add3A_17, %dma_start3A_120] : memref<10112x128xf32, #tpu.memory_space<vmem_shared>> -> memref<32x128xf32, #tpu.memory_space<vmem_shared>>
      %dma_start3A_122 = arith.constant 0 : i32
      %dma_start3A_123 = tpu.memref_slice %arg14[%add3A_17, %dma_start3A_122] : memref<10112x128xf32, #tpu.memory_space<vmem_shared>> -> memref<32x128xf32, #tpu.memory_space<vmem_shared>>
      tpu.enqueue_dma source(%arg13 : memref<32x128xf32, #tpu.memory_space<vmem>>) target(%dma_start3A_123 : memref<32x128xf32, #tpu.memory_space<vmem_shared>>) target_semaphore(%run_scoped3A : memref<!tpu.dma_semaphore, #tpu.memory_space<semaphore_mem>>)
      %dma_wait3A_124 = arith.constant 0 : i32
      %dma_wait3A_125 = tpu.memref_slice %arg14[%add3A_17, %dma_wait3A_124] : memref<10112x128xf32, #tpu.memory_space<vmem_shared>> -> memref<32x128xf32, #tpu.memory_space<vmem_shared>>
      %dma_wait3A_126 = arith.constant 0 : i32
      %dma_wait3A_127 = tpu.memref_slice %arg14[%add3A_17, %dma_wait3A_126] : memref<10112x128xf32, #tpu.memory_space<vmem_shared>> -> memref<32x128xf32, #tpu.memory_space<vmem_shared>>
      tpu.wait_dma2 semaphore(%run_scoped3A : memref<!tpu.dma_semaphore, #tpu.memory_space<semaphore_mem>>) src(%arg13 : memref<32x128xf32, #tpu.memory_space<vmem>>) dst(%dma_wait3A_127 : memref<32x128xf32, #tpu.memory_space<vmem_shared>>)
      tpu.yield
    }) : () -> ()
    %mul3A_18 = arith.constant 632 : i32
    %mul3A_19 = arith.muli %arg1, %mul3A_18 : i32
    %add3A_20 = arith.constant 64 : i32
    %add3A_21 = arith.addi %mul3A_19, %add3A_20 : i32
    "tpu.region"() ({
      %run_scoped3A = tpu.sem_alloc : memref<!tpu.dma_semaphore, #tpu.memory_space<semaphore_mem>>
      %dma_start3A_120 = arith.constant 0 : i32
      %dma_start3A_121 = tpu.memref_slice %arg14[%add3A_21, %dma_start3A_120] : memref<10112x128xf32, #tpu.memory_space<vmem_shared>> -> memref<32x128xf32, #tpu.memory_space<vmem_shared>>
      %dma_start3A_122 = arith.constant 0 : i32
      %dma_start3A_123 = tpu.memref_slice %arg14[%add3A_21, %dma_start3A_122] : memref<10112x128xf32, #tpu.memory_space<vmem_shared>> -> memref<32x128xf32, #tpu.memory_space<vmem_shared>>
      tpu.enqueue_dma source(%arg13 : memref<32x128xf32, #tpu.memory_space<vmem>>) target(%dma_start3A_123 : memref<32x128xf32, #tpu.memory_space<vmem_shared>>) target_semaphore(%run_scoped3A : memref<!tpu.dma_semaphore, #tpu.memory_space<semaphore_mem>>)
      %dma_wait3A_124 = arith.constant 0 : i32
      %dma_wait3A_125 = tpu.memref_slice %arg14[%add3A_21, %dma_wait3A_124] : memref<10112x128xf32, #tpu.memory_space<vmem_shared>> -> memref<32x128xf32, #tpu.memory_space<vmem_shared>>
      %dma_wait3A_126 = arith.constant 0 : i32
      %dma_wait3A_127 = tpu.memref_slice %arg14[%add3A_21, %dma_wait3A_126] : memref<10112x128xf32, #tpu.memory_space<vmem_shared>> -> memref<32x128xf32, #tpu.memory_space<vmem_shared>>
      tpu.wait_dma2 semaphore(%run_scoped3A : memref<!tpu.dma_semaphore, #tpu.memory_space<semaphore_mem>>) src(%arg13 : memref<32x128xf32, #tpu.memory_space<vmem>>) dst(%dma_wait3A_127 : memref<32x128xf32, #tpu.memory_space<vmem_shared>>)
      tpu.yield
    }) : () -> ()
    %mul3A_22 = arith.constant 632 : i32
    %mul3A_23 = arith.muli %arg1, %mul3A_22 : i32
    %add3A_24 = arith.constant 96 : i32
    %add3A_25 = arith.addi %mul3A_23, %add3A_24 : i32
    "tpu.region"() ({
      %run_scoped3A = tpu.sem_alloc : memref<!tpu.dma_semaphore, #tpu.memory_space<semaphore_mem>>
      %dma_start3A_120 = arith.constant 0 : i32
      %dma_start3A_121 = tpu.memref_slice %arg14[%add3A_25, %dma_start3A_120] : memref<10112x128xf32, #tpu.memory_space<vmem_shared>> -> memref<32x128xf32, #tpu.memory_space<vmem_shared>>
      %dma_start3A_122 = arith.constant 0 : i32
      %dma_start3A_123 = tpu.memref_slice %arg14[%add3A_25, %dma_start3A_122] : memref<10112x128xf32, #tpu.memory_space<vmem_shared>> -> memref<32x128xf32, #tpu.memory_space<vmem_shared>>
      tpu.enqueue_dma source(%arg13 : memref<32x128xf32, #tpu.memory_space<vmem>>) target(%dma_start3A_123 : memref<32x128xf32, #tpu.memory_space<vmem_shared>>) target_semaphore(%run_scoped3A : memref<!tpu.dma_semaphore, #tpu.memory_space<semaphore_mem>>)
      %dma_wait3A_124 = arith.constant 0 : i32
      %dma_wait3A_125 = tpu.memref_slice %arg14[%add3A_25, %dma_wait3A_124] : memref<10112x128xf32, #tpu.memory_space<vmem_shared>> -> memref<32x128xf32, #tpu.memory_space<vmem_shared>>
      %dma_wait3A_126 = arith.constant 0 : i32
      %dma_wait3A_127 = tpu.memref_slice %arg14[%add3A_25, %dma_wait3A_126] : memref<10112x128xf32, #tpu.memory_space<vmem_shared>> -> memref<32x128xf32, #tpu.memory_space<vmem_shared>>
      tpu.wait_dma2 semaphore(%run_scoped3A : memref<!tpu.dma_semaphore, #tpu.memory_space<semaphore_mem>>) src(%arg13 : memref<32x128xf32, #tpu.memory_space<vmem>>) dst(%dma_wait3A_127 : memref<32x128xf32, #tpu.memory_space<vmem_shared>>)
      tpu.yield
    }) : () -> ()
    %mul3A_26 = arith.constant 632 : i32
    %mul3A_27 = arith.muli %arg1, %mul3A_26 : i32
    %add3A_28 = arith.constant 128 : i32
    %add3A_29 = arith.addi %mul3A_27, %add3A_28 : i32
    "tpu.region"() ({
      %run_scoped3A = tpu.sem_alloc : memref<!tpu.dma_semaphore, #tpu.memory_space<semaphore_mem>>
      %dma_start3A_120 = arith.constant 0 : i32
      %dma_start3A_121 = tpu.memref_slice %arg14[%add3A_29, %dma_start3A_120] : memref<10112x128xf32, #tpu.memory_space<vmem_shared>> -> memref<32x128xf32, #tpu.memory_space<vmem_shared>>
      %dma_start3A_122 = arith.constant 0 : i32
      %dma_start3A_123 = tpu.memref_slice %arg14[%add3A_29, %dma_start3A_122] : memref<10112x128xf32, #tpu.memory_space<vmem_shared>> -> memref<32x128xf32, #tpu.memory_space<vmem_shared>>
      tpu.enqueue_dma source(%arg13 : memref<32x128xf32, #tpu.memory_space<vmem>>) target(%dma_start3A_123 : memref<32x128xf32, #tpu.memory_space<vmem_shared>>) target_semaphore(%run_scoped3A : memref<!tpu.dma_semaphore, #tpu.memory_space<semaphore_mem>>)
      %dma_wait3A_124 = arith.constant 0 : i32
      %dma_wait3A_125 = tpu.memref_slice %arg14[%add3A_29, %dma_wait3A_124] : memref<10112x128xf32, #tpu.memory_space<vmem_shared>> -> memref<32x128xf32, #tpu.memory_space<vmem_shared>>
      %dma_wait3A_126 = arith.constant 0 : i32
      %dma_wait3A_127 = tpu.memref_slice %arg14[%add3A_29, %dma_wait3A_126] : memref<10112x128xf32, #tpu.memory_space<vmem_shared>> -> memref<32x128xf32, #tpu.memory_space<vmem_shared>>
      tpu.wait_dma2 semaphore(%run_scoped3A : memref<!tpu.dma_semaphore, #tpu.memory_space<semaphore_mem>>) src(%arg13 : memref<32x128xf32, #tpu.memory_space<vmem>>) dst(%dma_wait3A_127 : memref<32x128xf32, #tpu.memory_space<vmem_shared>>)
      tpu.yield
    }) : () -> ()
    %mul3A_30 = arith.constant 632 : i32
    %mul3A_31 = arith.muli %arg1, %mul3A_30 : i32
    %add3A_32 = arith.constant 160 : i32
    %add3A_33 = arith.addi %mul3A_31, %add3A_32 : i32
    "tpu.region"() ({
      %run_scoped3A = tpu.sem_alloc : memref<!tpu.dma_semaphore, #tpu.memory_space<semaphore_mem>>
      %dma_start3A_120 = arith.constant 0 : i32
      %dma_start3A_121 = tpu.memref_slice %arg14[%add3A_33, %dma_start3A_120] : memref<10112x128xf32, #tpu.memory_space<vmem_shared>> -> memref<32x128xf32, #tpu.memory_space<vmem_shared>>
      %dma_start3A_122 = arith.constant 0 : i32
      %dma_start3A_123 = tpu.memref_slice %arg14[%add3A_33, %dma_start3A_122] : memref<10112x128xf32, #tpu.memory_space<vmem_shared>> -> memref<32x128xf32, #tpu.memory_space<vmem_shared>>
      tpu.enqueue_dma source(%arg13 : memref<32x128xf32, #tpu.memory_space<vmem>>) target(%dma_start3A_123 : memref<32x128xf32, #tpu.memory_space<vmem_shared>>) target_semaphore(%run_scoped3A : memref<!tpu.dma_semaphore, #tpu.memory_space<semaphore_mem>>)
      %dma_wait3A_124 = arith.constant 0 : i32
      %dma_wait3A_125 = tpu.memref_slice %arg14[%add3A_33, %dma_wait3A_124] : memref<10112x128xf32, #tpu.memory_space<vmem_shared>> -> memref<32x128xf32, #tpu.memory_space<vmem_shared>>
      %dma_wait3A_126 = arith.constant 0 : i32
      %dma_wait3A_127 = tpu.memref_slice %arg14[%add3A_33, %dma_wait3A_126] : memref<10112x128xf32, #tpu.memory_space<vmem_shared>> -> memref<32x128xf32, #tpu.memory_space<vmem_shared>>
      tpu.wait_dma2 semaphore(%run_scoped3A : memref<!tpu.dma_semaphore, #tpu.memory_space<semaphore_mem>>) src(%arg13 : memref<32x128xf32, #tpu.memory_space<vmem>>) dst(%dma_wait3A_127 : memref<32x128xf32, #tpu.memory_space<vmem_shared>>)
      tpu.yield
    }) : () -> ()
    %mul3A_34 = arith.constant 632 : i32
    %mul3A_35 = arith.muli %arg1, %mul3A_34 : i32
    %add3A_36 = arith.constant 192 : i32
    %add3A_37 = arith.addi %mul3A_35, %add3A_36 : i32
    "tpu.region"() ({
      %run_scoped3A = tpu.sem_alloc : memref<!tpu.dma_semaphore, #tpu.memory_space<semaphore_mem>>
      %dma_start3A_120 = arith.constant 0 : i32
      %dma_start3A_121 = tpu.memref_slice %arg14[%add3A_37, %dma_start3A_120] : memref<10112x128xf32, #tpu.memory_space<vmem_shared>> -> memref<32x128xf32, #tpu.memory_space<vmem_shared>>
      %dma_start3A_122 = arith.constant 0 : i32
      %dma_start3A_123 = tpu.memref_slice %arg14[%add3A_37, %dma_start3A_122] : memref<10112x128xf32, #tpu.memory_space<vmem_shared>> -> memref<32x128xf32, #tpu.memory_space<vmem_shared>>
      tpu.enqueue_dma source(%arg13 : memref<32x128xf32, #tpu.memory_space<vmem>>) target(%dma_start3A_123 : memref<32x128xf32, #tpu.memory_space<vmem_shared>>) target_semaphore(%run_scoped3A : memref<!tpu.dma_semaphore, #tpu.memory_space<semaphore_mem>>)
      %dma_wait3A_124 = arith.constant 0 : i32
      %dma_wait3A_125 = tpu.memref_slice %arg14[%add3A_37, %dma_wait3A_124] : memref<10112x128xf32, #tpu.memory_space<vmem_shared>> -> memref<32x128xf32, #tpu.memory_space<vmem_shared>>
      %dma_wait3A_126 = arith.constant 0 : i32
      %dma_wait3A_127 = tpu.memref_slice %arg14[%add3A_37, %dma_wait3A_126] : memref<10112x128xf32, #tpu.memory_space<vmem_shared>> -> memref<32x128xf32, #tpu.memory_space<vmem_shared>>
      tpu.wait_dma2 semaphore(%run_scoped3A : memref<!tpu.dma_semaphore, #tpu.memory_space<semaphore_mem>>) src(%arg13 : memref<32x128xf32, #tpu.memory_space<vmem>>) dst(%dma_wait3A_127 : memref<32x128xf32, #tpu.memory_space<vmem_shared>>)
      tpu.yield
    }) : () -> ()
    %mul3A_38 = arith.constant 632 : i32
    %mul3A_39 = arith.muli %arg1, %mul3A_38 : i32
    %add3A_40 = arith.constant 224 : i32
    %add3A_41 = arith.addi %mul3A_39, %add3A_40 : i32
    "tpu.region"() ({
      %run_scoped3A = tpu.sem_alloc : memref<!tpu.dma_semaphore, #tpu.memory_space<semaphore_mem>>
      %dma_start3A_120 = arith.constant 0 : i32
      %dma_start3A_121 = tpu.memref_slice %arg14[%add3A_41, %dma_start3A_120] : memref<10112x128xf32, #tpu.memory_space<vmem_shared>> -> memref<32x128xf32, #tpu.memory_space<vmem_shared>>
      %dma_start3A_122 = arith.constant 0 : i32
      %dma_start3A_123 = tpu.memref_slice %arg14[%add3A_41, %dma_start3A_122] : memref<10112x128xf32, #tpu.memory_space<vmem_shared>> -> memref<32x128xf32, #tpu.memory_space<vmem_shared>>
      tpu.enqueue_dma source(%arg13 : memref<32x128xf32, #tpu.memory_space<vmem>>) target(%dma_start3A_123 : memref<32x128xf32, #tpu.memory_space<vmem_shared>>) target_semaphore(%run_scoped3A : memref<!tpu.dma_semaphore, #tpu.memory_space<semaphore_mem>>)
      %dma_wait3A_124 = arith.constant 0 : i32
      %dma_wait3A_125 = tpu.memref_slice %arg14[%add3A_41, %dma_wait3A_124] : memref<10112x128xf32, #tpu.memory_space<vmem_shared>> -> memref<32x128xf32, #tpu.memory_space<vmem_shared>>
      %dma_wait3A_126 = arith.constant 0 : i32
      %dma_wait3A_127 = tpu.memref_slice %arg14[%add3A_41, %dma_wait3A_126] : memref<10112x128xf32, #tpu.memory_space<vmem_shared>> -> memref<32x128xf32, #tpu.memory_space<vmem_shared>>
      tpu.wait_dma2 semaphore(%run_scoped3A : memref<!tpu.dma_semaphore, #tpu.memory_space<semaphore_mem>>) src(%arg13 : memref<32x128xf32, #tpu.memory_space<vmem>>) dst(%dma_wait3A_127 : memref<32x128xf32, #tpu.memory_space<vmem_shared>>)
      tpu.yield
    }) : () -> ()
    %mul3A_42 = arith.constant 632 : i32
    %mul3A_43 = arith.muli %arg1, %mul3A_42 : i32
    %add3A_44 = arith.constant 256 : i32
    %add3A_45 = arith.addi %mul3A_43, %add3A_44 : i32
    "tpu.region"() ({
      %run_scoped3A = tpu.sem_alloc : memref<!tpu.dma_semaphore, #tpu.memory_space<semaphore_mem>>
      %dma_start3A_120 = arith.constant 0 : i32
      %dma_start3A_121 = tpu.memref_slice %arg14[%add3A_45, %dma_start3A_120] : memref<10112x128xf32, #tpu.memory_space<vmem_shared>> -> memref<32x128xf32, #tpu.memory_space<vmem_shared>>
      %dma_start3A_122 = arith.constant 0 : i32
      %dma_start3A_123 = tpu.memref_slice %arg14[%add3A_45, %dma_start3A_122] : memref<10112x128xf32, #tpu.memory_space<vmem_shared>> -> memref<32x128xf32, #tpu.memory_space<vmem_shared>>
      tpu.enqueue_dma source(%arg13 : memref<32x128xf32, #tpu.memory_space<vmem>>) target(%dma_start3A_123 : memref<32x128xf32, #tpu.memory_space<vmem_shared>>) target_semaphore(%run_scoped3A : memref<!tpu.dma_semaphore, #tpu.memory_space<semaphore_mem>>)
      %dma_wait3A_124 = arith.constant 0 : i32
      %dma_wait3A_125 = tpu.memref_slice %arg14[%add3A_45, %dma_wait3A_124] : memref<10112x128xf32, #tpu.memory_space<vmem_shared>> -> memref<32x128xf32, #tpu.memory_space<vmem_shared>>
      %dma_wait3A_126 = arith.constant 0 : i32
      %dma_wait3A_127 = tpu.memref_slice %arg14[%add3A_45, %dma_wait3A_126] : memref<10112x128xf32, #tpu.memory_space<vmem_shared>> -> memref<32x128xf32, #tpu.memory_space<vmem_shared>>
      tpu.wait_dma2 semaphore(%run_scoped3A : memref<!tpu.dma_semaphore, #tpu.memory_space<semaphore_mem>>) src(%arg13 : memref<32x128xf32, #tpu.memory_space<vmem>>) dst(%dma_wait3A_127 : memref<32x128xf32, #tpu.memory_space<vmem_shared>>)
      tpu.yield
    }) : () -> ()
    %mul3A_46 = arith.constant 632 : i32
    %mul3A_47 = arith.muli %arg1, %mul3A_46 : i32
    %add3A_48 = arith.constant 288 : i32
    %add3A_49 = arith.addi %mul3A_47, %add3A_48 : i32
    "tpu.region"() ({
      %run_scoped3A = tpu.sem_alloc : memref<!tpu.dma_semaphore, #tpu.memory_space<semaphore_mem>>
      %dma_start3A_120 = arith.constant 0 : i32
      %dma_start3A_121 = tpu.memref_slice %arg14[%add3A_49, %dma_start3A_120] : memref<10112x128xf32, #tpu.memory_space<vmem_shared>> -> memref<32x128xf32, #tpu.memory_space<vmem_shared>>
      %dma_start3A_122 = arith.constant 0 : i32
      %dma_start3A_123 = tpu.memref_slice %arg14[%add3A_49, %dma_start3A_122] : memref<10112x128xf32, #tpu.memory_space<vmem_shared>> -> memref<32x128xf32, #tpu.memory_space<vmem_shared>>
      tpu.enqueue_dma source(%arg13 : memref<32x128xf32, #tpu.memory_space<vmem>>) target(%dma_start3A_123 : memref<32x128xf32, #tpu.memory_space<vmem_shared>>) target_semaphore(%run_scoped3A : memref<!tpu.dma_semaphore, #tpu.memory_space<semaphore_mem>>)
      %dma_wait3A_124 = arith.constant 0 : i32
      %dma_wait3A_125 = tpu.memref_slice %arg14[%add3A_49, %dma_wait3A_124] : memref<10112x128xf32, #tpu.memory_space<vmem_shared>> -> memref<32x128xf32, #tpu.memory_space<vmem_shared>>
      %dma_wait3A_126 = arith.constant 0 : i32
      %dma_wait3A_127 = tpu.memref_slice %arg14[%add3A_49, %dma_wait3A_126] : memref<10112x128xf32, #tpu.memory_space<vmem_shared>> -> memref<32x128xf32, #tpu.memory_space<vmem_shared>>
      tpu.wait_dma2 semaphore(%run_scoped3A : memref<!tpu.dma_semaphore, #tpu.memory_space<semaphore_mem>>) src(%arg13 : memref<32x128xf32, #tpu.memory_space<vmem>>) dst(%dma_wait3A_127 : memref<32x128xf32, #tpu.memory_space<vmem_shared>>)
      tpu.yield
    }) : () -> ()
    %mul3A_50 = arith.constant 632 : i32
    %mul3A_51 = arith.muli %arg1, %mul3A_50 : i32
    %add3A_52 = arith.constant 320 : i32
    %add3A_53 = arith.addi %mul3A_51, %add3A_52 : i32
    "tpu.region"() ({
      %run_scoped3A = tpu.sem_alloc : memref<!tpu.dma_semaphore, #tpu.memory_space<semaphore_mem>>
      %dma_start3A_120 = arith.constant 0 : i32
      %dma_start3A_121 = tpu.memref_slice %arg14[%add3A_53, %dma_start3A_120] : memref<10112x128xf32, #tpu.memory_space<vmem_shared>> -> memref<32x128xf32, #tpu.memory_space<vmem_shared>>
      %dma_start3A_122 = arith.constant 0 : i32
      %dma_start3A_123 = tpu.memref_slice %arg14[%add3A_53, %dma_start3A_122] : memref<10112x128xf32, #tpu.memory_space<vmem_shared>> -> memref<32x128xf32, #tpu.memory_space<vmem_shared>>
      tpu.enqueue_dma source(%arg13 : memref<32x128xf32, #tpu.memory_space<vmem>>) target(%dma_start3A_123 : memref<32x128xf32, #tpu.memory_space<vmem_shared>>) target_semaphore(%run_scoped3A : memref<!tpu.dma_semaphore, #tpu.memory_space<semaphore_mem>>)
      %dma_wait3A_124 = arith.constant 0 : i32
      %dma_wait3A_125 = tpu.memref_slice %arg14[%add3A_53, %dma_wait3A_124] : memref<10112x128xf32, #tpu.memory_space<vmem_shared>> -> memref<32x128xf32, #tpu.memory_space<vmem_shared>>
      %dma_wait3A_126 = arith.constant 0 : i32
      %dma_wait3A_127 = tpu.memref_slice %arg14[%add3A_53, %dma_wait3A_126] : memref<10112x128xf32, #tpu.memory_space<vmem_shared>> -> memref<32x128xf32, #tpu.memory_space<vmem_shared>>
      tpu.wait_dma2 semaphore(%run_scoped3A : memref<!tpu.dma_semaphore, #tpu.memory_space<semaphore_mem>>) src(%arg13 : memref<32x128xf32, #tpu.memory_space<vmem>>) dst(%dma_wait3A_127 : memref<32x128xf32, #tpu.memory_space<vmem_shared>>)
      tpu.yield
    }) : () -> ()
    %mul3A_54 = arith.constant 632 : i32
    %mul3A_55 = arith.muli %arg1, %mul3A_54 : i32
    %add3A_56 = arith.constant 352 : i32
    %add3A_57 = arith.addi %mul3A_55, %add3A_56 : i32
    "tpu.region"() ({
      %run_scoped3A = tpu.sem_alloc : memref<!tpu.dma_semaphore, #tpu.memory_space<semaphore_mem>>
      %dma_start3A_120 = arith.constant 0 : i32
      %dma_start3A_121 = tpu.memref_slice %arg14[%add3A_57, %dma_start3A_120] : memref<10112x128xf32, #tpu.memory_space<vmem_shared>> -> memref<32x128xf32, #tpu.memory_space<vmem_shared>>
      %dma_start3A_122 = arith.constant 0 : i32
      %dma_start3A_123 = tpu.memref_slice %arg14[%add3A_57, %dma_start3A_122] : memref<10112x128xf32, #tpu.memory_space<vmem_shared>> -> memref<32x128xf32, #tpu.memory_space<vmem_shared>>
      tpu.enqueue_dma source(%arg13 : memref<32x128xf32, #tpu.memory_space<vmem>>) target(%dma_start3A_123 : memref<32x128xf32, #tpu.memory_space<vmem_shared>>) target_semaphore(%run_scoped3A : memref<!tpu.dma_semaphore, #tpu.memory_space<semaphore_mem>>)
      %dma_wait3A_124 = arith.constant 0 : i32
      %dma_wait3A_125 = tpu.memref_slice %arg14[%add3A_57, %dma_wait3A_124] : memref<10112x128xf32, #tpu.memory_space<vmem_shared>> -> memref<32x128xf32, #tpu.memory_space<vmem_shared>>
      %dma_wait3A_126 = arith.constant 0 : i32
      %dma_wait3A_127 = tpu.memref_slice %arg14[%add3A_57, %dma_wait3A_126] : memref<10112x128xf32, #tpu.memory_space<vmem_shared>> -> memref<32x128xf32, #tpu.memory_space<vmem_shared>>
      tpu.wait_dma2 semaphore(%run_scoped3A : memref<!tpu.dma_semaphore, #tpu.memory_space<semaphore_mem>>) src(%arg13 : memref<32x128xf32, #tpu.memory_space<vmem>>) dst(%dma_wait3A_127 : memref<32x128xf32, #tpu.memory_space<vmem_shared>>)
      tpu.yield
    }) : () -> ()
    %mul3A_58 = arith.constant 632 : i32
    %mul3A_59 = arith.muli %arg1, %mul3A_58 : i32
    %add3A_60 = arith.constant 384 : i32
    %add3A_61 = arith.addi %mul3A_59, %add3A_60 : i32
    "tpu.region"() ({
      %run_scoped3A = tpu.sem_alloc : memref<!tpu.dma_semaphore, #tpu.memory_space<semaphore_mem>>
      %dma_start3A_120 = arith.constant 0 : i32
      %dma_start3A_121 = tpu.memref_slice %arg14[%add3A_61, %dma_start3A_120] : memref<10112x128xf32, #tpu.memory_space<vmem_shared>> -> memref<32x128xf32, #tpu.memory_space<vmem_shared>>
      %dma_start3A_122 = arith.constant 0 : i32
      %dma_start3A_123 = tpu.memref_slice %arg14[%add3A_61, %dma_start3A_122] : memref<10112x128xf32, #tpu.memory_space<vmem_shared>> -> memref<32x128xf32, #tpu.memory_space<vmem_shared>>
      tpu.enqueue_dma source(%arg13 : memref<32x128xf32, #tpu.memory_space<vmem>>) target(%dma_start3A_123 : memref<32x128xf32, #tpu.memory_space<vmem_shared>>) target_semaphore(%run_scoped3A : memref<!tpu.dma_semaphore, #tpu.memory_space<semaphore_mem>>)
      %dma_wait3A_124 = arith.constant 0 : i32
      %dma_wait3A_125 = tpu.memref_slice %arg14[%add3A_61, %dma_wait3A_124] : memref<10112x128xf32, #tpu.memory_space<vmem_shared>> -> memref<32x128xf32, #tpu.memory_space<vmem_shared>>
      %dma_wait3A_126 = arith.constant 0 : i32
      %dma_wait3A_127 = tpu.memref_slice %arg14[%add3A_61, %dma_wait3A_126] : memref<10112x128xf32, #tpu.memory_space<vmem_shared>> -> memref<32x128xf32, #tpu.memory_space<vmem_shared>>
      tpu.wait_dma2 semaphore(%run_scoped3A : memref<!tpu.dma_semaphore, #tpu.memory_space<semaphore_mem>>) src(%arg13 : memref<32x128xf32, #tpu.memory_space<vmem>>) dst(%dma_wait3A_127 : memref<32x128xf32, #tpu.memory_space<vmem_shared>>)
      tpu.yield
    }) : () -> ()
    %mul3A_62 = arith.constant 632 : i32
    %mul3A_63 = arith.muli %arg1, %mul3A_62 : i32
    %add3A_64 = arith.constant 416 : i32
    %add3A_65 = arith.addi %mul3A_63, %add3A_64 : i32
    "tpu.region"() ({
      %run_scoped3A = tpu.sem_alloc : memref<!tpu.dma_semaphore, #tpu.memory_space<semaphore_mem>>
      %dma_start3A_120 = arith.constant 0 : i32
      %dma_start3A_121 = tpu.memref_slice %arg14[%add3A_65, %dma_start3A_120] : memref<10112x128xf32, #tpu.memory_space<vmem_shared>> -> memref<32x128xf32, #tpu.memory_space<vmem_shared>>
      %dma_start3A_122 = arith.constant 0 : i32
      %dma_start3A_123 = tpu.memref_slice %arg14[%add3A_65, %dma_start3A_122] : memref<10112x128xf32, #tpu.memory_space<vmem_shared>> -> memref<32x128xf32, #tpu.memory_space<vmem_shared>>
      tpu.enqueue_dma source(%arg13 : memref<32x128xf32, #tpu.memory_space<vmem>>) target(%dma_start3A_123 : memref<32x128xf32, #tpu.memory_space<vmem_shared>>) target_semaphore(%run_scoped3A : memref<!tpu.dma_semaphore, #tpu.memory_space<semaphore_mem>>)
      %dma_wait3A_124 = arith.constant 0 : i32
      %dma_wait3A_125 = tpu.memref_slice %arg14[%add3A_65, %dma_wait3A_124] : memref<10112x128xf32, #tpu.memory_space<vmem_shared>> -> memref<32x128xf32, #tpu.memory_space<vmem_shared>>
      %dma_wait3A_126 = arith.constant 0 : i32
      %dma_wait3A_127 = tpu.memref_slice %arg14[%add3A_65, %dma_wait3A_126] : memref<10112x128xf32, #tpu.memory_space<vmem_shared>> -> memref<32x128xf32, #tpu.memory_space<vmem_shared>>
      tpu.wait_dma2 semaphore(%run_scoped3A : memref<!tpu.dma_semaphore, #tpu.memory_space<semaphore_mem>>) src(%arg13 : memref<32x128xf32, #tpu.memory_space<vmem>>) dst(%dma_wait3A_127 : memref<32x128xf32, #tpu.memory_space<vmem_shared>>)
      tpu.yield
    }) : () -> ()
    %mul3A_66 = arith.constant 632 : i32
    %mul3A_67 = arith.muli %arg1, %mul3A_66 : i32
    %add3A_68 = arith.constant 448 : i32
    %add3A_69 = arith.addi %mul3A_67, %add3A_68 : i32
    "tpu.region"() ({
      %run_scoped3A = tpu.sem_alloc : memref<!tpu.dma_semaphore, #tpu.memory_space<semaphore_mem>>
      %dma_start3A_120 = arith.constant 0 : i32
      %dma_start3A_121 = tpu.memref_slice %arg14[%add3A_69, %dma_start3A_120] : memref<10112x128xf32, #tpu.memory_space<vmem_shared>> -> memref<32x128xf32, #tpu.memory_space<vmem_shared>>
      %dma_start3A_122 = arith.constant 0 : i32
      %dma_start3A_123 = tpu.memref_slice %arg14[%add3A_69, %dma_start3A_122] : memref<10112x128xf32, #tpu.memory_space<vmem_shared>> -> memref<32x128xf32, #tpu.memory_space<vmem_shared>>
      tpu.enqueue_dma source(%arg13 : memref<32x128xf32, #tpu.memory_space<vmem>>) target(%dma_start3A_123 : memref<32x128xf32, #tpu.memory_space<vmem_shared>>) target_semaphore(%run_scoped3A : memref<!tpu.dma_semaphore, #tpu.memory_space<semaphore_mem>>)
      %dma_wait3A_124 = arith.constant 0 : i32
      %dma_wait3A_125 = tpu.memref_slice %arg14[%add3A_69, %dma_wait3A_124] : memref<10112x128xf32, #tpu.memory_space<vmem_shared>> -> memref<32x128xf32, #tpu.memory_space<vmem_shared>>
      %dma_wait3A_126 = arith.constant 0 : i32
      %dma_wait3A_127 = tpu.memref_slice %arg14[%add3A_69, %dma_wait3A_126] : memref<10112x128xf32, #tpu.memory_space<vmem_shared>> -> memref<32x128xf32, #tpu.memory_space<vmem_shared>>
      tpu.wait_dma2 semaphore(%run_scoped3A : memref<!tpu.dma_semaphore, #tpu.memory_space<semaphore_mem>>) src(%arg13 : memref<32x128xf32, #tpu.memory_space<vmem>>) dst(%dma_wait3A_127 : memref<32x128xf32, #tpu.memory_space<vmem_shared>>)
      tpu.yield
    }) : () -> ()
    %mul3A_70 = arith.constant 632 : i32
    %mul3A_71 = arith.muli %arg1, %mul3A_70 : i32
    %add3A_72 = arith.constant 480 : i32
    %add3A_73 = arith.addi %mul3A_71, %add3A_72 : i32
    "tpu.region"() ({
      %run_scoped3A = tpu.sem_alloc : memref<!tpu.dma_semaphore, #tpu.memory_space<semaphore_mem>>
      %dma_start3A_120 = arith.constant 0 : i32
      %dma_start3A_121 = tpu.memref_slice %arg14[%add3A_73, %dma_start3A_120] : memref<10112x128xf32, #tpu.memory_space<vmem_shared>> -> memref<32x128xf32, #tpu.memory_space<vmem_shared>>
      %dma_start3A_122 = arith.constant 0 : i32
      %dma_start3A_123 = tpu.memref_slice %arg14[%add3A_73, %dma_start3A_122] : memref<10112x128xf32, #tpu.memory_space<vmem_shared>> -> memref<32x128xf32, #tpu.memory_space<vmem_shared>>
      tpu.enqueue_dma source(%arg13 : memref<32x128xf32, #tpu.memory_space<vmem>>) target(%dma_start3A_123 : memref<32x128xf32, #tpu.memory_space<vmem_shared>>) target_semaphore(%run_scoped3A : memref<!tpu.dma_semaphore, #tpu.memory_space<semaphore_mem>>)
      %dma_wait3A_124 = arith.constant 0 : i32
      %dma_wait3A_125 = tpu.memref_slice %arg14[%add3A_73, %dma_wait3A_124] : memref<10112x128xf32, #tpu.memory_space<vmem_shared>> -> memref<32x128xf32, #tpu.memory_space<vmem_shared>>
      %dma_wait3A_126 = arith.constant 0 : i32
      %dma_wait3A_127 = tpu.memref_slice %arg14[%add3A_73, %dma_wait3A_126] : memref<10112x128xf32, #tpu.memory_space<vmem_shared>> -> memref<32x128xf32, #tpu.memory_space<vmem_shared>>
      tpu.wait_dma2 semaphore(%run_scoped3A : memref<!tpu.dma_semaphore, #tpu.memory_space<semaphore_mem>>) src(%arg13 : memref<32x128xf32, #tpu.memory_space<vmem>>) dst(%dma_wait3A_127 : memref<32x128xf32, #tpu.memory_space<vmem_shared>>)
      tpu.yield
    }) : () -> ()
    %mul3A_74 = arith.constant 632 : i32
    %mul3A_75 = arith.muli %arg1, %mul3A_74 : i32
    %add3A_76 = arith.constant 512 : i32
    %add3A_77 = arith.addi %mul3A_75, %add3A_76 : i32
    "tpu.region"() ({
      %run_scoped3A = tpu.sem_alloc : memref<!tpu.dma_semaphore, #tpu.memory_space<semaphore_mem>>
      %dma_start3A_120 = arith.constant 0 : i32
      %dma_start3A_121 = tpu.memref_slice %arg14[%add3A_77, %dma_start3A_120] : memref<10112x128xf32, #tpu.memory_space<vmem_shared>> -> memref<32x128xf32, #tpu.memory_space<vmem_shared>>
      %dma_start3A_122 = arith.constant 0 : i32
      %dma_start3A_123 = tpu.memref_slice %arg14[%add3A_77, %dma_start3A_122] : memref<10112x128xf32, #tpu.memory_space<vmem_shared>> -> memref<32x128xf32, #tpu.memory_space<vmem_shared>>
      tpu.enqueue_dma source(%arg13 : memref<32x128xf32, #tpu.memory_space<vmem>>) target(%dma_start3A_123 : memref<32x128xf32, #tpu.memory_space<vmem_shared>>) target_semaphore(%run_scoped3A : memref<!tpu.dma_semaphore, #tpu.memory_space<semaphore_mem>>)
      %dma_wait3A_124 = arith.constant 0 : i32
      %dma_wait3A_125 = tpu.memref_slice %arg14[%add3A_77, %dma_wait3A_124] : memref<10112x128xf32, #tpu.memory_space<vmem_shared>> -> memref<32x128xf32, #tpu.memory_space<vmem_shared>>
      %dma_wait3A_126 = arith.constant 0 : i32
      %dma_wait3A_127 = tpu.memref_slice %arg14[%add3A_77, %dma_wait3A_126] : memref<10112x128xf32, #tpu.memory_space<vmem_shared>> -> memref<32x128xf32, #tpu.memory_space<vmem_shared>>
      tpu.wait_dma2 semaphore(%run_scoped3A : memref<!tpu.dma_semaphore, #tpu.memory_space<semaphore_mem>>) src(%arg13 : memref<32x128xf32, #tpu.memory_space<vmem>>) dst(%dma_wait3A_127 : memref<32x128xf32, #tpu.memory_space<vmem_shared>>)
      tpu.yield
    }) : () -> ()
    %mul3A_78 = arith.constant 632 : i32
    %mul3A_79 = arith.muli %arg1, %mul3A_78 : i32
    %add3A_80 = arith.constant 544 : i32
    %add3A_81 = arith.addi %mul3A_79, %add3A_80 : i32
    "tpu.region"() ({
      %run_scoped3A = tpu.sem_alloc : memref<!tpu.dma_semaphore, #tpu.memory_space<semaphore_mem>>
      %dma_start3A_120 = arith.constant 0 : i32
      %dma_start3A_121 = tpu.memref_slice %arg14[%add3A_81, %dma_start3A_120] : memref<10112x128xf32, #tpu.memory_space<vmem_shared>> -> memref<32x128xf32, #tpu.memory_space<vmem_shared>>
      %dma_start3A_122 = arith.constant 0 : i32
      %dma_start3A_123 = tpu.memref_slice %arg14[%add3A_81, %dma_start3A_122] : memref<10112x128xf32, #tpu.memory_space<vmem_shared>> -> memref<32x128xf32, #tpu.memory_space<vmem_shared>>
      tpu.enqueue_dma source(%arg13 : memref<32x128xf32, #tpu.memory_space<vmem>>) target(%dma_start3A_123 : memref<32x128xf32, #tpu.memory_space<vmem_shared>>) target_semaphore(%run_scoped3A : memref<!tpu.dma_semaphore, #tpu.memory_space<semaphore_mem>>)
      %dma_wait3A_124 = arith.constant 0 : i32
      %dma_wait3A_125 = tpu.memref_slice %arg14[%add3A_81, %dma_wait3A_124] : memref<10112x128xf32, #tpu.memory_space<vmem_shared>> -> memref<32x128xf32, #tpu.memory_space<vmem_shared>>
      %dma_wait3A_126 = arith.constant 0 : i32
      %dma_wait3A_127 = tpu.memref_slice %arg14[%add3A_81, %dma_wait3A_126] : memref<10112x128xf32, #tpu.memory_space<vmem_shared>> -> memref<32x128xf32, #tpu.memory_space<vmem_shared>>
      tpu.wait_dma2 semaphore(%run_scoped3A : memref<!tpu.dma_semaphore, #tpu.memory_space<semaphore_mem>>) src(%arg13 : memref<32x128xf32, #tpu.memory_space<vmem>>) dst(%dma_wait3A_127 : memref<32x128xf32, #tpu.memory_space<vmem_shared>>)
      tpu.yield
    }) : () -> ()
    %mul3A_82 = arith.constant 632 : i32
    %mul3A_83 = arith.muli %arg1, %mul3A_82 : i32
    %add3A_84 = arith.constant 576 : i32
    %add3A_85 = arith.addi %mul3A_83, %add3A_84 : i32
    "tpu.region"() ({
      %run_scoped3A = tpu.sem_alloc : memref<!tpu.dma_semaphore, #tpu.memory_space<semaphore_mem>>
      %dma_start3A_120 = arith.constant 0 : i32
      %dma_start3A_121 = tpu.memref_slice %arg14[%add3A_85, %dma_start3A_120] : memref<10112x128xf32, #tpu.memory_space<vmem_shared>> -> memref<32x128xf32, #tpu.memory_space<vmem_shared>>
      %dma_start3A_122 = arith.constant 0 : i32
      %dma_start3A_123 = tpu.memref_slice %arg14[%add3A_85, %dma_start3A_122] : memref<10112x128xf32, #tpu.memory_space<vmem_shared>> -> memref<32x128xf32, #tpu.memory_space<vmem_shared>>
      tpu.enqueue_dma source(%arg13 : memref<32x128xf32, #tpu.memory_space<vmem>>) target(%dma_start3A_123 : memref<32x128xf32, #tpu.memory_space<vmem_shared>>) target_semaphore(%run_scoped3A : memref<!tpu.dma_semaphore, #tpu.memory_space<semaphore_mem>>)
      %dma_wait3A_124 = arith.constant 0 : i32
      %dma_wait3A_125 = tpu.memref_slice %arg14[%add3A_85, %dma_wait3A_124] : memref<10112x128xf32, #tpu.memory_space<vmem_shared>> -> memref<32x128xf32, #tpu.memory_space<vmem_shared>>
      %dma_wait3A_126 = arith.constant 0 : i32
      %dma_wait3A_127 = tpu.memref_slice %arg14[%add3A_85, %dma_wait3A_126] : memref<10112x128xf32, #tpu.memory_space<vmem_shared>> -> memref<32x128xf32, #tpu.memory_space<vmem_shared>>
      tpu.wait_dma2 semaphore(%run_scoped3A : memref<!tpu.dma_semaphore, #tpu.memory_space<semaphore_mem>>) src(%arg13 : memref<32x128xf32, #tpu.memory_space<vmem>>) dst(%dma_wait3A_127 : memref<32x128xf32, #tpu.memory_space<vmem_shared>>)
      tpu.yield
    }) : () -> ()
    %mul3A_86 = arith.constant 632 : i32
    %mul3A_87 = arith.muli %arg1, %mul3A_86 : i32
    %add3A_88 = arith.constant 608 : i32
    %add3A_89 = arith.addi %mul3A_87, %add3A_88 : i32
    "tpu.region"() ({
      %run_scoped3A = tpu.sem_alloc : memref<!tpu.dma_semaphore, #tpu.memory_space<semaphore_mem>>
      %dma_start3A_120 = arith.constant 0 : i32
      %dma_start3A_121 = arith.constant 0 : i32
      %dma_start3A_122 = tpu.memref_slice %arg13[%dma_start3A_120, %dma_start3A_121] : memref<32x128xf32, #tpu.memory_space<vmem>> -> memref<24x128xf32, #tpu.memory_space<vmem>>
      %dma_start3A_123 = arith.constant 0 : i32
      %dma_start3A_124 = tpu.memref_slice %arg14[%add3A_89, %dma_start3A_123] : memref<10112x128xf32, #tpu.memory_space<vmem_shared>> -> memref<24x128xf32, #tpu.memory_space<vmem_shared>>
      %dma_start3A_125 = arith.constant 0 : i32
      %dma_start3A_126 = tpu.memref_slice %arg14[%add3A_89, %dma_start3A_125] : memref<10112x128xf32, #tpu.memory_space<vmem_shared>> -> memref<24x128xf32, #tpu.memory_space<vmem_shared>>
      %dma_start3A_127 = arith.constant 0 : i32
      %dma_start3A_128 = arith.constant 0 : i32
      %dma_start3A_129 = tpu.memref_slice %arg13[%dma_start3A_127, %dma_start3A_128] : memref<32x128xf32, #tpu.memory_space<vmem>> -> memref<24x128xf32, #tpu.memory_space<vmem>>
      tpu.enqueue_dma source(%dma_start3A_129 : memref<24x128xf32, #tpu.memory_space<vmem>>) target(%dma_start3A_126 : memref<24x128xf32, #tpu.memory_space<vmem_shared>>) target_semaphore(%run_scoped3A : memref<!tpu.dma_semaphore, #tpu.memory_space<semaphore_mem>>)
      %dma_wait3A_130 = arith.constant 0 : i32
      %dma_wait3A_131 = arith.constant 0 : i32
      %dma_wait3A_132 = tpu.memref_slice %arg13[%dma_wait3A_130, %dma_wait3A_131] : memref<32x128xf32, #tpu.memory_space<vmem>> -> memref<24x128xf32, #tpu.memory_space<vmem>>
      %dma_wait3A_133 = arith.constant 0 : i32
      %dma_wait3A_134 = tpu.memref_slice %arg14[%add3A_89, %dma_wait3A_133] : memref<10112x128xf32, #tpu.memory_space<vmem_shared>> -> memref<24x128xf32, #tpu.memory_space<vmem_shared>>
      %dma_wait3A_135 = arith.constant 0 : i32
      %dma_wait3A_136 = tpu.memref_slice %arg14[%add3A_89, %dma_wait3A_135] : memref<10112x128xf32, #tpu.memory_space<vmem_shared>> -> memref<24x128xf32, #tpu.memory_space<vmem_shared>>
      %dma_wait3A_137 = arith.constant 0 : i32
      %dma_wait3A_138 = arith.constant 0 : i32
      %dma_wait3A_139 = tpu.memref_slice %arg13[%dma_wait3A_137, %dma_wait3A_138] : memref<32x128xf32, #tpu.memory_space<vmem>> -> memref<24x128xf32, #tpu.memory_space<vmem>>
      tpu.wait_dma2 semaphore(%run_scoped3A : memref<!tpu.dma_semaphore, #tpu.memory_space<semaphore_mem>>) src(%dma_wait3A_139 : memref<24x128xf32, #tpu.memory_space<vmem>>) dst(%dma_wait3A_136 : memref<24x128xf32, #tpu.memory_space<vmem_shared>>)
      tpu.yield
    }) : () -> ()
    %barrier3A = arith.constant 0 : index
    tpu.barrier barrier_id(%barrier3A)
    %dma_start3A = tpu.memref_slice %arg3[%mul3A_3] : memref<327680xi32, #tpu.memory_space<hbm>> -> memref<128xi32, #tpu.memory_space<hbm>>
    %dma_start3A_90 = tpu.memref_slice %arg3[%mul3A_3] : memref<327680xi32, #tpu.memory_space<hbm>> -> memref<128xi32, #tpu.memory_space<hbm>>
    tpu.enqueue_dma source(%dma_start3A_90 : memref<128xi32, #tpu.memory_space<hbm>>) target(%arg7 : memref<128xi32, #tpu.memory_space<vmem>>) target_semaphore(%arg15 : memref<!tpu.dma_semaphore, #tpu.memory_space<semaphore_mem>>)
    %dma_start3A_91 = tpu.memref_slice %arg4[%mul3A_3] : memref<327680xi32, #tpu.memory_space<hbm>> -> memref<128xi32, #tpu.memory_space<hbm>>
    %dma_start3A_92 = tpu.memref_slice %arg4[%mul3A_3] : memref<327680xi32, #tpu.memory_space<hbm>> -> memref<128xi32, #tpu.memory_space<hbm>>
    tpu.enqueue_dma source(%dma_start3A_92 : memref<128xi32, #tpu.memory_space<hbm>>) target(%arg8 : memref<128xi32, #tpu.memory_space<vmem>>) target_semaphore(%arg15 : memref<!tpu.dma_semaphore, #tpu.memory_space<semaphore_mem>>)
    %dma_wait3A = tpu.memref_slice %arg3[%mul3A_3] : memref<327680xi32, #tpu.memory_space<hbm>> -> memref<128xi32, #tpu.memory_space<hbm>>
    %dma_wait3A_93 = tpu.memref_slice %arg3[%mul3A_3] : memref<327680xi32, #tpu.memory_space<hbm>> -> memref<128xi32, #tpu.memory_space<hbm>>
    tpu.wait_dma2 semaphore(%arg15 : memref<!tpu.dma_semaphore, #tpu.memory_space<semaphore_mem>>) src(%dma_wait3A_93 : memref<128xi32, #tpu.memory_space<hbm>>) dst(%arg7 : memref<128xi32, #tpu.memory_space<vmem>>)
    %dma_wait3A_94 = tpu.memref_slice %arg4[%mul3A_3] : memref<327680xi32, #tpu.memory_space<hbm>> -> memref<128xi32, #tpu.memory_space<hbm>>
    %dma_wait3A_95 = tpu.memref_slice %arg4[%mul3A_3] : memref<327680xi32, #tpu.memory_space<hbm>> -> memref<128xi32, #tpu.memory_space<hbm>>
    tpu.wait_dma2 semaphore(%arg15 : memref<!tpu.dma_semaphore, #tpu.memory_space<semaphore_mem>>) src(%dma_wait3A_95 : memref<128xi32, #tpu.memory_space<hbm>>) dst(%arg8 : memref<128xi32, #tpu.memory_space<vmem>>)
    %dma_start3A_96 = arith.constant 0 : i32
    %dma_start3A_97 = arith.constant 0 : i32
    %dma_start3A_98 = tpu.memref_slice %arg2[%dma_start3A_96, %dma_start3A_97] : memref<10000x128xf32, #tpu.memory_space<hbm>> -> memref<10000x128xf32, #tpu.memory_space<hbm>>
    tpu.enqueue_indirect_dma source(%dma_start3A_98 : memref<10000x128xf32, #tpu.memory_space<hbm>>) target(%arg11 : memref<128x128xf32, #tpu.memory_space<vmem>>) offsets(%arg7 : memref<128xi32, #tpu.memory_space<vmem>>) semaphore(%arg17 : memref<!tpu.dma_semaphore, #tpu.memory_space<semaphore_mem>>)
    %add3A_99 = arith.constant 128 : i32
    %add3A_100 = arith.addi %mul3A_3, %add3A_99 : i32
    %dma_start3A_101 = tpu.memref_slice %arg3[%add3A_100] : memref<327680xi32, #tpu.memory_space<hbm>> -> memref<128xi32, #tpu.memory_space<hbm>>
    %dma_start3A_102 = tpu.memref_slice %arg3[%add3A_100] : memref<327680xi32, #tpu.memory_space<hbm>> -> memref<128xi32, #tpu.memory_space<hbm>>
    tpu.enqueue_dma source(%dma_start3A_102 : memref<128xi32, #tpu.memory_space<hbm>>) target(%arg9 : memref<128xi32, #tpu.memory_space<vmem>>) target_semaphore(%arg16 : memref<!tpu.dma_semaphore, #tpu.memory_space<semaphore_mem>>)
    %dma_start3A_103 = tpu.memref_slice %arg4[%add3A_100] : memref<327680xi32, #tpu.memory_space<hbm>> -> memref<128xi32, #tpu.memory_space<hbm>>
    %dma_start3A_104 = tpu.memref_slice %arg4[%add3A_100] : memref<327680xi32, #tpu.memory_space<hbm>> -> memref<128xi32, #tpu.memory_space<hbm>>
    tpu.enqueue_dma source(%dma_start3A_104 : memref<128xi32, #tpu.memory_space<hbm>>) target(%arg10 : memref<128xi32, #tpu.memory_space<vmem>>) target_semaphore(%arg16 : memref<!tpu.dma_semaphore, #tpu.memory_space<semaphore_mem>>)
    %scan3A_105 = arith.constant 0 : i32
    %scan3A_106 = arith.constant 0 : i32
    %scan3A_107 = arith.constant 40 : i32
    %scan3A_108 = arith.addi %scan3A_106, %scan3A_107 : i32
    %scan3A_109 = arith.constant 1 : i32
    %scan3A_110 = scf.for %scan3A_120 = %scan3A_106 to %scan3A_108 step %scan3A_109 iter_args(%scan3A_121 = %scan3A_105) -> (i32)  : i32 {
      %mul3A_122 = arith.constant 2 : i32
      %mul3A_123 = arith.muli %mul3A_122, %scan3A_120 : i32
      %mul3A_124 = arith.constant 128 : i32
      %mul3A_125 = arith.muli %mul3A_123, %mul3A_124 : i32
      %add3A_126 = arith.addi %mul3A_3, %mul3A_125 : i32
      %add3A_127 = arith.constant 128 : i32
      %add3A_128 = arith.addi %add3A_126, %add3A_127 : i32
      %lt3A = arith.constant 39 : i32
      %lt3A_129 = arith.cmpi slt, %scan3A_120, %lt3A : i32
      %dma_wait3A_130 = tpu.memref_slice %arg3[%add3A_128] : memref<327680xi32, #tpu.memory_space<hbm>> -> memref<128xi32, #tpu.memory_space<hbm>>
      %dma_wait3A_131 = tpu.memref_slice %arg3[%add3A_128] : memref<327680xi32, #tpu.memory_space<hbm>> -> memref<128xi32, #tpu.memory_space<hbm>>
      tpu.wait_dma2 semaphore(%arg16 : memref<!tpu.dma_semaphore, #tpu.memory_space<semaphore_mem>>) src(%dma_wait3A_131 : memref<128xi32, #tpu.memory_space<hbm>>) dst(%arg9 : memref<128xi32, #tpu.memory_space<vmem>>)
      %dma_wait3A_132 = tpu.memref_slice %arg4[%add3A_128] : memref<327680xi32, #tpu.memory_space<hbm>> -> memref<128xi32, #tpu.memory_space<hbm>>
      %dma_wait3A_133 = tpu.memref_slice %arg4[%add3A_128] : memref<327680xi32, #tpu.memory_space<hbm>> -> memref<128xi32, #tpu.memory_space<hbm>>
      tpu.wait_dma2 semaphore(%arg16 : memref<!tpu.dma_semaphore, #tpu.memory_space<semaphore_mem>>) src(%dma_wait3A_133 : memref<128xi32, #tpu.memory_space<hbm>>) dst(%arg10 : memref<128xi32, #tpu.memory_space<vmem>>)
      %dma_start3A_134 = arith.constant 0 : i32
      %dma_start3A_135 = arith.constant 0 : i32
      %dma_start3A_136 = tpu.memref_slice %arg2[%dma_start3A_134, %dma_start3A_135] : memref<10000x128xf32, #tpu.memory_space<hbm>> -> memref<10000x128xf32, #tpu.memory_space<hbm>>
      tpu.enqueue_indirect_dma source(%dma_start3A_136 : memref<10000x128xf32, #tpu.memory_space<hbm>>) target(%arg12 : memref<128x128xf32, #tpu.memory_space<vmem>>) offsets(%arg9 : memref<128xi32, #tpu.memory_space<vmem>>) semaphore(%arg18 : memref<!tpu.dma_semaphore, #tpu.memory_space<semaphore_mem>>)
      %dma_wait3A_137 = arith.constant 0 : i32
      %dma_wait3A_138 = arith.constant 0 : i32
      %dma_wait3A_139 = tpu.memref_slice %arg2[%dma_wait3A_137, %dma_wait3A_138] : memref<10000x128xf32, #tpu.memory_space<hbm>> -> memref<10000x128xf32, #tpu.memory_space<hbm>>
      tpu.wait_indirect_dma semaphore(%arg17 : memref<!tpu.dma_semaphore, #tpu.memory_space<semaphore_mem>>) src(%dma_wait3A_139 : memref<10000x128xf32, #tpu.memory_space<hbm>>) dst(%arg11 : memref<128x128xf32, #tpu.memory_space<vmem>>)
      "tpu.region"() ({
        %run_scoped3A = tpu.sem_alloc : memref<!tpu.dma_semaphore, #tpu.memory_space<semaphore_mem>>
        %dma_start3A_153 = arith.constant 0 : i32
        %dma_start3A_154 = arith.constant 0 : i32
        %dma_start3A_155 = tpu.memref_slice %arg14[%dma_start3A_153, %dma_start3A_154] : memref<10112x128xf32, #tpu.memory_space<vmem_shared>> -> memref<10112x128xf32, #tpu.memory_space<vmem_shared>>
        tpu.enqueue_indirect_dma source(%arg11 : memref<128x128xf32, #tpu.memory_space<vmem>>) target(%dma_start3A_155 : memref<10112x128xf32, #tpu.memory_space<vmem_shared>>) offsets(%arg8 : memref<128xi32, #tpu.memory_space<vmem>>) semaphore(%run_scoped3A : memref<!tpu.dma_semaphore, #tpu.memory_space<semaphore_mem>>) {add = true}
        %dma_wait3A_156 = arith.constant 0 : i32
        %dma_wait3A_157 = arith.constant 0 : i32
        %dma_wait3A_158 = tpu.memref_slice %arg14[%dma_wait3A_156, %dma_wait3A_157] : memref<10112x128xf32, #tpu.memory_space<vmem_shared>> -> memref<10112x128xf32, #tpu.memory_space<vmem_shared>>
        tpu.wait_indirect_dma semaphore(%run_scoped3A : memref<!tpu.dma_semaphore, #tpu.memory_space<semaphore_mem>>) src(%arg11 : memref<128x128xf32, #tpu.memory_space<vmem>>) dst(%dma_wait3A_158 : memref<10112x128xf32, #tpu.memory_space<vmem_shared>>)
        tpu.yield
      }) : () -> ()
      %convert_element_type3A_140 = arith.extui %lt3A_129 : i1 to i32
      %cond3A_141 = arith.constant 0 : i32
      %cond3A_142 = arith.cmpi ne, %convert_element_type3A_140, %cond3A_141 : i32
      scf.if %cond3A_142 {
        %add3A_153 = arith.constant 128 : i32
        %add3A_154 = arith.addi %add3A_128, %add3A_153 : i32
        %dma_start3A_155 = tpu.memref_slice %arg3[%add3A_154] : memref<327680xi32, #tpu.memory_space<hbm>> -> memref<128xi32, #tpu.memory_space<hbm>>
        %dma_start3A_156 = tpu.memref_slice %arg3[%add3A_154] : memref<327680xi32, #tpu.memory_space<hbm>> -> memref<128xi32, #tpu.memory_space<hbm>>
        tpu.enqueue_dma source(%dma_start3A_156 : memref<128xi32, #tpu.memory_space<hbm>>) target(%arg7 : memref<128xi32, #tpu.memory_space<vmem>>) target_semaphore(%arg15 : memref<!tpu.dma_semaphore, #tpu.memory_space<semaphore_mem>>)
        %dma_start3A_157 = tpu.memref_slice %arg4[%add3A_154] : memref<327680xi32, #tpu.memory_space<hbm>> -> memref<128xi32, #tpu.memory_space<hbm>>
        %dma_start3A_158 = tpu.memref_slice %arg4[%add3A_154] : memref<327680xi32, #tpu.memory_space<hbm>> -> memref<128xi32, #tpu.memory_space<hbm>>
        tpu.enqueue_dma source(%dma_start3A_158 : memref<128xi32, #tpu.memory_space<hbm>>) target(%arg8 : memref<128xi32, #tpu.memory_space<vmem>>) target_semaphore(%arg15 : memref<!tpu.dma_semaphore, #tpu.memory_space<semaphore_mem>>)
      } else {
      }
      %dma_wait3A_143 = arith.constant 0 : i32
      %dma_wait3A_144 = arith.constant 0 : i32
      %dma_wait3A_145 = tpu.memref_slice %arg2[%dma_wait3A_143, %dma_wait3A_144] : memref<10000x128xf32, #tpu.memory_space<hbm>> -> memref<10000x128xf32, #tpu.memory_space<hbm>>
      tpu.wait_indirect_dma semaphore(%arg18 : memref<!tpu.dma_semaphore, #tpu.memory_space<semaphore_mem>>) src(%dma_wait3A_145 : memref<10000x128xf32, #tpu.memory_space<hbm>>) dst(%arg12 : memref<128x128xf32, #tpu.memory_space<vmem>>)
      %convert_element_type3A_146 = arith.extui %lt3A_129 : i1 to i32
      %cond3A_147 = arith.constant 0 : i32
      %cond3A_148 = arith.cmpi ne, %convert_element_type3A_146, %cond3A_147 : i32
      scf.if %cond3A_148 {
        %add3A_153 = arith.constant 128 : i32
        %add3A_154 = arith.addi %add3A_128, %add3A_153 : i32
        %dma_wait3A_155 = tpu.memref_slice %arg3[%add3A_154] : memref<327680xi32, #tpu.memory_space<hbm>> -> memref<128xi32, #tpu.memory_space<hbm>>
        %dma_wait3A_156 = tpu.memref_slice %arg3[%add3A_154] : memref<327680xi32, #tpu.memory_space<hbm>> -> memref<128xi32, #tpu.memory_space<hbm>>
        tpu.wait_dma2 semaphore(%arg15 : memref<!tpu.dma_semaphore, #tpu.memory_space<semaphore_mem>>) src(%dma_wait3A_156 : memref<128xi32, #tpu.memory_space<hbm>>) dst(%arg7 : memref<128xi32, #tpu.memory_space<vmem>>)
        %dma_wait3A_157 = tpu.memref_slice %arg4[%add3A_154] : memref<327680xi32, #tpu.memory_space<hbm>> -> memref<128xi32, #tpu.memory_space<hbm>>
        %dma_wait3A_158 = tpu.memref_slice %arg4[%add3A_154] : memref<327680xi32, #tpu.memory_space<hbm>> -> memref<128xi32, #tpu.memory_space<hbm>>
        tpu.wait_dma2 semaphore(%arg15 : memref<!tpu.dma_semaphore, #tpu.memory_space<semaphore_mem>>) src(%dma_wait3A_158 : memref<128xi32, #tpu.memory_space<hbm>>) dst(%arg8 : memref<128xi32, #tpu.memory_space<vmem>>)
        %dma_start3A_159 = arith.constant 0 : i32
        %dma_start3A_160 = arith.constant 0 : i32
        %dma_start3A_161 = tpu.memref_slice %arg2[%dma_start3A_159, %dma_start3A_160] : memref<10000x128xf32, #tpu.memory_space<hbm>> -> memref<10000x128xf32, #tpu.memory_space<hbm>>
        tpu.enqueue_indirect_dma source(%dma_start3A_161 : memref<10000x128xf32, #tpu.memory_space<hbm>>) target(%arg11 : memref<128x128xf32, #tpu.memory_space<vmem>>) offsets(%arg7 : memref<128xi32, #tpu.memory_space<vmem>>) semaphore(%arg17 : memref<!tpu.dma_semaphore, #tpu.memory_space<semaphore_mem>>)
      } else {
      }
      "tpu.region"() ({
        %run_scoped3A = tpu.sem_alloc : memref<!tpu.dma_semaphore, #tpu.memory_space<semaphore_mem>>
        %dma_start3A_153 = arith.constant 0 : i32
        %dma_start3A_154 = arith.constant 0 : i32
        %dma_start3A_155 = tpu.memref_slice %arg14[%dma_start3A_153, %dma_start3A_154] : memref<10112x128xf32, #tpu.memory_space<vmem_shared>> -> memref<10112x128xf32, #tpu.memory_space<vmem_shared>>
        tpu.enqueue_indirect_dma source(%arg12 : memref<128x128xf32, #tpu.memory_space<vmem>>) target(%dma_start3A_155 : memref<10112x128xf32, #tpu.memory_space<vmem_shared>>) offsets(%arg10 : memref<128xi32, #tpu.memory_space<vmem>>) semaphore(%run_scoped3A : memref<!tpu.dma_semaphore, #tpu.memory_space<semaphore_mem>>) {add = true}
        %dma_wait3A_156 = arith.constant 0 : i32
        %dma_wait3A_157 = arith.constant 0 : i32
        %dma_wait3A_158 = tpu.memref_slice %arg14[%dma_wait3A_156, %dma_wait3A_157] : memref<10112x128xf32, #tpu.memory_space<vmem_shared>> -> memref<10112x128xf32, #tpu.memory_space<vmem_shared>>
        tpu.wait_indirect_dma semaphore(%run_scoped3A : memref<!tpu.dma_semaphore, #tpu.memory_space<semaphore_mem>>) src(%arg12 : memref<128x128xf32, #tpu.memory_space<vmem>>) dst(%dma_wait3A_158 : memref<10112x128xf32, #tpu.memory_space<vmem_shared>>)
        tpu.yield
      }) : () -> ()
      %convert_element_type3A_149 = arith.extui %lt3A_129 : i1 to i32
      %cond3A_150 = arith.constant 0 : i32
      %cond3A_151 = arith.cmpi ne, %convert_element_type3A_149, %cond3A_150 : i32
      scf.if %cond3A_151 {
        %add3A_153 = arith.constant 256 : i32
        %add3A_154 = arith.addi %add3A_128, %add3A_153 : i32
        %dma_start3A_155 = tpu.memref_slice %arg3[%add3A_154] : memref<327680xi32, #tpu.memory_space<hbm>> -> memref<128xi32, #tpu.memory_space<hbm>>
        %dma_start3A_156 = tpu.memref_slice %arg3[%add3A_154] : memref<327680xi32, #tpu.memory_space<hbm>> -> memref<128xi32, #tpu.memory_space<hbm>>
        tpu.enqueue_dma source(%dma_start3A_156 : memref<128xi32, #tpu.memory_space<hbm>>) target(%arg9 : memref<128xi32, #tpu.memory_space<vmem>>) target_semaphore(%arg16 : memref<!tpu.dma_semaphore, #tpu.memory_space<semaphore_mem>>)
        %dma_start3A_157 = tpu.memref_slice %arg4[%add3A_154] : memref<327680xi32, #tpu.memory_space<hbm>> -> memref<128xi32, #tpu.memory_space<hbm>>
        %dma_start3A_158 = tpu.memref_slice %arg4[%add3A_154] : memref<327680xi32, #tpu.memory_space<hbm>> -> memref<128xi32, #tpu.memory_space<hbm>>
        tpu.enqueue_dma source(%dma_start3A_158 : memref<128xi32, #tpu.memory_space<hbm>>) target(%arg10 : memref<128xi32, #tpu.memory_space<vmem>>) target_semaphore(%arg16 : memref<!tpu.dma_semaphore, #tpu.memory_space<semaphore_mem>>)
      } else {
      }
      %scan3A_152 = arith.constant 0 : i32
      scf.yield %scan3A_152 : i32
    }
    %scan3A_111 = arith.constant 40 : i32
    %barrier3A_112 = arith.constant 0 : index
    tpu.barrier barrier_id(%barrier3A_112)
    %eq3A = arith.constant 0 : i32
    %eq3A_113 = arith.cmpi eq, %arg0, %eq3A : i32
    %convert_element_type3A = arith.extui %eq3A_113 : i1 to i32
    %cond3A = arith.constant 0 : i32
    %cond3A_114 = arith.cmpi ne, %convert_element_type3A, %cond3A : i32
    scf.if %cond3A_114 {
      %mul3A_120 = arith.constant 632 : i32
      %mul3A_121 = arith.muli %arg1, %mul3A_120 : i32
      %mul3A_122 = arith.constant 632 : i32
      %mul3A_123 = arith.muli %arg1, %mul3A_122 : i32
      "tpu.region"() ({
        %run_scoped3A = tpu.sem_alloc : memref<!tpu.dma_semaphore, #tpu.memory_space<semaphore_mem>>
        %dma_start3A_124 = arith.constant 0 : i32
        %dma_start3A_125 = tpu.memref_slice %arg5[%mul3A_123, %dma_start3A_124] : memref<10112x128xf32, #tpu.memory_space<hbm>> -> memref<632x128xf32, #tpu.memory_space<hbm>>
        %dma_start3A_126 = arith.constant 0 : i32
        %dma_start3A_127 = tpu.memref_slice %arg14[%mul3A_121, %dma_start3A_126] : memref<10112x128xf32, #tpu.memory_space<vmem_shared>> -> memref<632x128xf32, #tpu.memory_space<vmem_shared>>
        tpu.enqueue_dma source(%dma_start3A_127 : memref<632x128xf32, #tpu.memory_space<vmem_shared>>) target(%dma_start3A_125 : memref<632x128xf32, #tpu.memory_space<hbm>>) target_semaphore(%run_scoped3A : memref<!tpu.dma_semaphore, #tpu.memory_space<semaphore_mem>>)
        %dma_wait3A_128 = arith.constant 0 : i32
        %dma_wait3A_129 = tpu.memref_slice %arg5[%mul3A_123, %dma_wait3A_128] : memref<10112x128xf32, #tpu.memory_space<hbm>> -> memref<632x128xf32, #tpu.memory_space<hbm>>
        %dma_wait3A_130 = arith.constant 0 : i32
        %dma_wait3A_131 = tpu.memref_slice %arg14[%mul3A_121, %dma_wait3A_130] : memref<10112x128xf32, #tpu.memory_space<vmem_shared>> -> memref<632x128xf32, #tpu.memory_space<vmem_shared>>
        tpu.wait_dma2 semaphore(%run_scoped3A : memref<!tpu.dma_semaphore, #tpu.memory_space<semaphore_mem>>) src(%dma_wait3A_131 : memref<632x128xf32, #tpu.memory_space<vmem_shared>>) dst(%dma_wait3A_129 : memref<632x128xf32, #tpu.memory_space<hbm>>)
        tpu.yield
      }) : () -> ()
    } else {
    }
    %eq3A_115 = arith.constant 1 : i32
    %eq3A_116 = arith.cmpi eq, %arg0, %eq3A_115 : i32
    %convert_element_type3A_117 = arith.extui %eq3A_116 : i1 to i32
    %cond3A_118 = arith.constant 0 : i32
    %cond3A_119 = arith.cmpi ne, %convert_element_type3A_117, %cond3A_118 : i32
    scf.if %cond3A_119 {
      %mul3A_120 = arith.constant 632 : i32
      %mul3A_121 = arith.muli %arg1, %mul3A_120 : i32
      %mul3A_122 = arith.constant 632 : i32
      %mul3A_123 = arith.muli %arg1, %mul3A_122 : i32
      "tpu.region"() ({
        %run_scoped3A = tpu.sem_alloc : memref<!tpu.dma_semaphore, #tpu.memory_space<semaphore_mem>>
        %dma_start3A_124 = arith.constant 0 : i32
        %dma_start3A_125 = tpu.memref_slice %arg6[%mul3A_123, %dma_start3A_124] : memref<10112x128xf32, #tpu.memory_space<hbm>> -> memref<632x128xf32, #tpu.memory_space<hbm>>
        %dma_start3A_126 = arith.constant 0 : i32
        %dma_start3A_127 = tpu.memref_slice %arg14[%mul3A_121, %dma_start3A_126] : memref<10112x128xf32, #tpu.memory_space<vmem_shared>> -> memref<632x128xf32, #tpu.memory_space<vmem_shared>>
        tpu.enqueue_dma source(%dma_start3A_127 : memref<632x128xf32, #tpu.memory_space<vmem_shared>>) target(%dma_start3A_125 : memref<632x128xf32, #tpu.memory_space<hbm>>) target_semaphore(%run_scoped3A : memref<!tpu.dma_semaphore, #tpu.memory_space<semaphore_mem>>)
        %dma_wait3A_128 = arith.constant 0 : i32
        %dma_wait3A_129 = tpu.memref_slice %arg6[%mul3A_123, %dma_wait3A_128] : memref<10112x128xf32, #tpu.memory_space<hbm>> -> memref<632x128xf32, #tpu.memory_space<hbm>>
        %dma_wait3A_130 = arith.constant 0 : i32
        %dma_wait3A_131 = tpu.memref_slice %arg14[%mul3A_121, %dma_wait3A_130] : memref<10112x128xf32, #tpu.memory_space<vmem_shared>> -> memref<632x128xf32, #tpu.memory_space<vmem_shared>>
        tpu.wait_dma2 semaphore(%run_scoped3A : memref<!tpu.dma_semaphore, #tpu.memory_space<semaphore_mem>>) src(%dma_wait3A_131 : memref<632x128xf32, #tpu.memory_space<vmem_shared>>) dst(%dma_wait3A_129 : memref<632x128xf32, #tpu.memory_space<hbm>>)
        tpu.yield
      }) : () -> ()
    } else {
    }
    return
  }
}

module attributes {stable_mosaic.version = 14 : i64} {
  func.func @_dense_body(%arg0: i32, %arg1: memref<1xf32, #tpu.memory_space<smem>>, %arg2: memref<5000x128xf32, #tpu.memory_space<vmem>>, %arg3: memref<5000x128xf32, #tpu.memory_space<vmem>>, %arg4: memref<5000x128xf32, #tpu.memory_space<vmem>>, %arg5: memref<128x128xf32, #tpu.memory_space<vmem>>, %arg6: memref<1x128xf32, #tpu.memory_space<vmem>>, %arg7: memref<128x128xf32, #tpu.memory_space<vmem>>, %arg8: memref<1x128xf32, #tpu.memory_space<vmem>>, %arg9: memref<1x128xf32, #tpu.memory_space<vmem>>, %arg10: memref<1x128xf32, #tpu.memory_space<vmem>>, %arg11: memref<5000x128xf32, #tpu.memory_space<vmem>>) attributes {dimension_semantics = [#tpu.dimension_semantics<arbitrary>], iteration_bounds = array<i64: 2>, scalar_prefetch = 0 : i64, scratch_operands = 0 : i64, tpu.core_type = #tpu.core_type<tc>, window_params = [{transform_indices = @transform_0, window_bounds = array<i64: 1>}, {transform_indices = @transform_1, window_bounds = array<i64: 5000, 128>}, {transform_indices = @transform_2, window_bounds = array<i64: 5000, 128>}, {transform_indices = @transform_3, window_bounds = array<i64: 5000, 128>}, {pipeline_mode = #tpu.pipeline_mode<synchronous>, transform_indices = @transform_4, window_bounds = array<i64: 128, 128>}, {pipeline_mode = #tpu.pipeline_mode<synchronous>, transform_indices = @transform_5, window_bounds = array<i64: 1, 128>}, {pipeline_mode = #tpu.pipeline_mode<synchronous>, transform_indices = @transform_6, window_bounds = array<i64: 128, 128>}, {pipeline_mode = #tpu.pipeline_mode<synchronous>, transform_indices = @transform_7, window_bounds = array<i64: 1, 128>}, {pipeline_mode = #tpu.pipeline_mode<synchronous>, transform_indices = @transform_8, window_bounds = array<i64: 1, 128>}, {pipeline_mode = #tpu.pipeline_mode<synchronous>, transform_indices = @transform_9, window_bounds = array<i64: 1, 128>}, {transform_indices = @transform_10, window_bounds = array<i64: 5000, 128>}]} {
    %get3A = arith.constant 0 : index
    %get3A_0 = arith.constant 0 : index
    %get3A_1 = vector.load %arg2[%get3A, %get3A_0] : memref<5000x128xf32, #tpu.memory_space<vmem>>, vector<5000x128xf32>
    %get3A_2 = arith.constant 0 : index
    %get3A_3 = memref.load %arg1[%get3A_2] : memref<1xf32, #tpu.memory_space<smem>>
    %mul3A = vector.broadcast %get3A_3 : f32 to vector<5000x128xf32>
    %mul3A_4 = arith.mulf %get3A_1, %mul3A : vector<5000x128xf32>
    %get3A_5 = arith.constant 0 : index
    %get3A_6 = arith.constant 0 : index
    %get3A_7 = vector.load %arg3[%get3A_5, %get3A_6] : memref<5000x128xf32, #tpu.memory_space<vmem>>, vector<5000x128xf32>
    %add3A = arith.addf %mul3A_4, %get3A_7 : vector<5000x128xf32>
    %get3A_8 = arith.constant 0 : index
    %get3A_9 = arith.constant 0 : index
    %get3A_10 = vector.load %arg4[%get3A_8, %get3A_9] : memref<5000x128xf32, #tpu.memory_space<vmem>>, vector<5000x128xf32>
    %add3A_11 = arith.addf %add3A, %get3A_10 : vector<5000x128xf32>
    %get3A_12 = arith.constant 0 : index
    %get3A_13 = arith.constant 0 : index
    %get3A_14 = vector.load %arg5[%get3A_12, %get3A_13] : memref<128x128xf32, #tpu.memory_space<vmem>>, vector<128x128xf32>
    %dot_general3A = arith.constant dense<0.000000e+00> : vector<5000x128xf32>
    %dot_general3A_15 = tpu.matmul %add3A_11, %get3A_14, %dot_general3A {dimension_numbers = #tpu.dot_dimension_numbers<[1], [0], [0], [1], [0, 0, 1, 1], [], []>, transpose_lhs_hint = false} : vector<5000x128xf32>, vector<128x128xf32>, vector<5000x128xf32> -> vector<5000x128xf32>
    %get3A_16 = arith.constant 0 : index
    %get3A_17 = arith.constant 0 : index
    %get3A_18 = vector.load %arg6[%get3A_16, %get3A_17] : memref<1x128xf32, #tpu.memory_space<vmem>>, vector<1x128xf32>
    %add3A_19 = vector.broadcast %get3A_18 : vector<1x128xf32> to vector<5000x128xf32>
    %add3A_20 = arith.addf %dot_general3A_15, %add3A_19 : vector<5000x128xf32>
    %max3A = arith.constant 0.000000e+00 : f32
    %max3A_21 = vector.broadcast %max3A : f32 to vector<5000x128xf32>
    %max3A_22 = arith.maximumf %add3A_20, %max3A_21 : vector<5000x128xf32>
    %get3A_23 = arith.constant 0 : index
    %get3A_24 = arith.constant 0 : index
    %get3A_25 = vector.load %arg7[%get3A_23, %get3A_24] : memref<128x128xf32, #tpu.memory_space<vmem>>, vector<128x128xf32>
    %dot_general3A_26 = arith.constant dense<0.000000e+00> : vector<5000x128xf32>
    %dot_general3A_27 = tpu.matmul %max3A_22, %get3A_25, %dot_general3A_26 {dimension_numbers = #tpu.dot_dimension_numbers<[1], [0], [0], [1], [0, 0, 1, 1], [], []>, transpose_lhs_hint = false} : vector<5000x128xf32>, vector<128x128xf32>, vector<5000x128xf32> -> vector<5000x128xf32>
    %get3A_28 = arith.constant 0 : index
    %get3A_29 = arith.constant 0 : index
    %get3A_30 = vector.load %arg8[%get3A_28, %get3A_29] : memref<1x128xf32, #tpu.memory_space<vmem>>, vector<1x128xf32>
    %add3A_31 = vector.broadcast %get3A_30 : vector<1x128xf32> to vector<5000x128xf32>
    %add3A_32 = arith.addf %dot_general3A_27, %add3A_31 : vector<5000x128xf32>
    %max3A_33 = arith.constant 0.000000e+00 : f32
    %max3A_34 = vector.broadcast %max3A_33 : f32 to vector<5000x128xf32>
    %max3A_35 = arith.maximumf %add3A_32, %max3A_34 : vector<5000x128xf32>
    %get3A_36 = arith.constant 0 : index
    %get3A_37 = arith.constant 0 : index
    %get3A_38 = vector.load %arg9[%get3A_36, %get3A_37] : memref<1x128xf32, #tpu.memory_space<vmem>>, vector<1x128xf32>
    %mul3A_39 = arith.constant 0.999994993 : f32
    %mul3A_40 = vector.broadcast %mul3A_39 : f32 to vector<1x128xf32>
    %mul3A_41 = arith.mulf %get3A_38, %mul3A_40 : vector<1x128xf32>
    %mul3A_42 = vector.broadcast %mul3A_41 : vector<1x128xf32> to vector<5000x128xf32>
    %mul3A_43 = arith.mulf %max3A_35, %mul3A_42 : vector<5000x128xf32>
    %get3A_44 = arith.constant 0 : index
    %get3A_45 = arith.constant 0 : index
    %get3A_46 = vector.load %arg10[%get3A_44, %get3A_45] : memref<1x128xf32, #tpu.memory_space<vmem>>, vector<1x128xf32>
    %add3A_47 = vector.broadcast %get3A_46 : vector<1x128xf32> to vector<5000x128xf32>
    %add3A_48 = arith.addf %mul3A_43, %add3A_47 : vector<5000x128xf32>
    %swap3A = arith.constant 0 : index
    %swap3A_49 = arith.constant 0 : index
    %swap3A_50 = vector.load %arg11[%swap3A, %swap3A_49] : memref<5000x128xf32, #tpu.memory_space<vmem>>, vector<5000x128xf32>
    tpu.vector_store %arg11[%swap3A, %swap3A_49], %add3A_48 {strides = array<i32>} : memref<5000x128xf32, #tpu.memory_space<vmem>>, vector<5000x128xf32>,
    return
  }
  func.func @transform_0(%arg0: i32) -> i32 {
    %c0_i32 = arith.constant 0 : i32
    %c0_i32_0 = arith.constant 0 : i32
    return %c0_i32 : i32
  }
  func.func @transform_1(%arg0: i32) -> (i32, i32) {
    %c0_i32 = arith.constant 0 : i32
    %c0_i32_0 = arith.constant 0 : i32
    return %arg0, %c0_i32 : i32, i32
  }
  func.func @transform_2(%arg0: i32) -> (i32, i32) {
    %c0_i32 = arith.constant 0 : i32
    %c0_i32_0 = arith.constant 0 : i32
    return %arg0, %c0_i32 : i32, i32
  }
  func.func @transform_3(%arg0: i32) -> (i32, i32) {
    %c0_i32 = arith.constant 0 : i32
    %c0_i32_0 = arith.constant 0 : i32
    return %arg0, %c0_i32 : i32, i32
  }
  func.func @transform_4(%arg0: i32) -> (i32, i32) {
    %c0_i32 = arith.constant 0 : i32
    %c0_i32_0 = arith.constant 0 : i32
    %c0_i32_1 = arith.constant 0 : i32
    return %c0_i32, %c0_i32_0 : i32, i32
  }
  func.func @transform_5(%arg0: i32) -> (i32, i32) {
    %c0_i32 = arith.constant 0 : i32
    %c0_i32_0 = arith.constant 0 : i32
    %c0_i32_1 = arith.constant 0 : i32
    return %c0_i32, %c0_i32_0 : i32, i32
  }
  func.func @transform_6(%arg0: i32) -> (i32, i32) {
    %c0_i32 = arith.constant 0 : i32
    %c0_i32_0 = arith.constant 0 : i32
    %c0_i32_1 = arith.constant 0 : i32
    return %c0_i32, %c0_i32_0 : i32, i32
  }
  func.func @transform_7(%arg0: i32) -> (i32, i32) {
    %c0_i32 = arith.constant 0 : i32
    %c0_i32_0 = arith.constant 0 : i32
    %c0_i32_1 = arith.constant 0 : i32
    return %c0_i32, %c0_i32_0 : i32, i32
  }
  func.func @transform_8(%arg0: i32) -> (i32, i32) {
    %c0_i32 = arith.constant 0 : i32
    %c0_i32_0 = arith.constant 0 : i32
    %c0_i32_1 = arith.constant 0 : i32
    return %c0_i32, %c0_i32_0 : i32, i32
  }
  func.func @transform_9(%arg0: i32) -> (i32, i32) {
    %c0_i32 = arith.constant 0 : i32
    %c0_i32_0 = arith.constant 0 : i32
    %c0_i32_1 = arith.constant 0 : i32
    return %c0_i32, %c0_i32_0 : i32, i32
  }
  func.func @transform_10(%arg0: i32) -> (i32, i32) {
    %c0_i32 = arith.constant 0 : i32
    %c0_i32_0 = arith.constant 0 : i32
    return %arg0, %c0_i32 : i32, i32
  }
}

module attributes {stable_mosaic.version = 14 : i64} {
  func.func @_pool_body(%arg0: i32, %arg1: memref<1xf32, #tpu.memory_space<smem>>, %arg2: memref<5000x128xf32, #tpu.memory_space<vmem>>, %arg3: memref<5000x128xf32, #tpu.memory_space<vmem>>, %arg4: memref<5000x128xf32, #tpu.memory_space<vmem>>, %arg5: memref<128x128xf32, #tpu.memory_space<vmem>>, %arg6: memref<1x128xf32, #tpu.memory_space<vmem>>, %arg7: memref<128x128xf32, #tpu.memory_space<vmem>>, %arg8: memref<1x128xf32, #tpu.memory_space<vmem>>, %arg9: memref<1x128xf32, #tpu.memory_space<vmem>>, %arg10: memref<1x128xf32, #tpu.memory_space<vmem>>, %arg11: memref<1x1x5000xi32, #tpu.memory_space<vmem>>, %arg12: memref<128x128xf32, #tpu.memory_space<vmem>>, %arg13: memref<1x128xf32, #tpu.memory_space<vmem>>, %arg14: memref<128x16xf32, #tpu.memory_space<vmem>>, %arg15: memref<1x16xf32, #tpu.memory_space<vmem>>, %arg16: memref<64x16xf32, #tpu.memory_space<vmem>>, %arg17: memref<64x128xf32, #tpu.memory_space<vmem>>, %arg18: memref<64x128xf32, #tpu.memory_space<vmem>>) attributes {dimension_semantics = [#tpu.dimension_semantics<arbitrary>], iteration_bounds = array<i64: 2>, scalar_prefetch = 0 : i64, scratch_operands = 2 : i64, tpu.core_type = #tpu.core_type<tc>, window_params = [{transform_indices = @transform_0, window_bounds = array<i64: 1>}, {transform_indices = @transform_1, window_bounds = array<i64: 5000, 128>}, {transform_indices = @transform_2, window_bounds = array<i64: 5000, 128>}, {transform_indices = @transform_3, window_bounds = array<i64: 5000, 128>}, {pipeline_mode = #tpu.pipeline_mode<synchronous>, transform_indices = @transform_4, window_bounds = array<i64: 128, 128>}, {pipeline_mode = #tpu.pipeline_mode<synchronous>, transform_indices = @transform_5, window_bounds = array<i64: 1, 128>}, {pipeline_mode = #tpu.pipeline_mode<synchronous>, transform_indices = @transform_6, window_bounds = array<i64: 128, 128>}, {pipeline_mode = #tpu.pipeline_mode<synchronous>, transform_indices = @transform_7, window_bounds = array<i64: 1, 128>}, {pipeline_mode = #tpu.pipeline_mode<synchronous>, transform_indices = @transform_8, window_bounds = array<i64: 1, 128>}, {pipeline_mode = #tpu.pipeline_mode<synchronous>, transform_indices = @transform_9, window_bounds = array<i64: 1, 128>}, {transform_indices = @transform_10, window_bounds = array<i64: 1, 1, 5000>}, {pipeline_mode = #tpu.pipeline_mode<synchronous>, transform_indices = @transform_11, window_bounds = array<i64: 128, 128>}, {pipeline_mode = #tpu.pipeline_mode<synchronous>, transform_indices = @transform_12, window_bounds = array<i64: 1, 128>}, {pipeline_mode = #tpu.pipeline_mode<synchronous>, transform_indices = @transform_13, window_bounds = array<i64: 128, 16>}, {pipeline_mode = #tpu.pipeline_mode<synchronous>, transform_indices = @transform_14, window_bounds = array<i64: 1, 16>}, {pipeline_mode = #tpu.pipeline_mode<synchronous>, transform_indices = @transform_15, window_bounds = array<i64: 64, 16>}]} {
    %eq3A = arith.constant 0 : i32
    %eq3A_0 = arith.cmpi eq, %arg0, %eq3A : i32
    %convert_element_type3A = arith.extui %eq3A_0 : i1 to i32
    %cond3A = arith.constant 0 : i32
    %cond3A_1 = arith.cmpi ne, %convert_element_type3A, %cond3A : i32
    scf.if %cond3A_1 {
      %broadcast_in_dim3A_84 = arith.constant 0.000000e+00 : f32
      %broadcast_in_dim3A_85 = vector.broadcast %broadcast_in_dim3A_84 : f32 to vector<64x128xf32>
      %swap3A_86 = arith.constant 0 : index
      %swap3A_87 = arith.constant 0 : index
      %swap3A_88 = vector.load %arg17[%swap3A_86, %swap3A_87] : memref<64x128xf32, #tpu.memory_space<vmem>>, vector<64x128xf32>
      tpu.vector_store %arg17[%swap3A_86, %swap3A_87], %broadcast_in_dim3A_85 {strides = array<i32>} : memref<64x128xf32, #tpu.memory_space<vmem>>, vector<64x128xf32>,
      %broadcast_in_dim3A_89 = arith.constant 0.000000e+00 : f32
      %broadcast_in_dim3A_90 = vector.broadcast %broadcast_in_dim3A_89 : f32 to vector<64x128xf32>
      %swap3A_91 = arith.constant 0 : index
      %swap3A_92 = arith.constant 0 : index
      %swap3A_93 = vector.load %arg18[%swap3A_91, %swap3A_92] : memref<64x128xf32, #tpu.memory_space<vmem>>, vector<64x128xf32>
      tpu.vector_store %arg18[%swap3A_91, %swap3A_92], %broadcast_in_dim3A_90 {strides = array<i32>} : memref<64x128xf32, #tpu.memory_space<vmem>>, vector<64x128xf32>,
    } else {
    }
    %get3A = arith.constant 0 : index
    %get3A_2 = arith.constant 0 : index
    %get3A_3 = vector.load %arg2[%get3A, %get3A_2] : memref<5000x128xf32, #tpu.memory_space<vmem>>, vector<5000x128xf32>
    %get3A_4 = arith.constant 0 : index
    %get3A_5 = memref.load %arg1[%get3A_4] : memref<1xf32, #tpu.memory_space<smem>>
    %mul3A = vector.broadcast %get3A_5 : f32 to vector<5000x128xf32>
    %mul3A_6 = arith.mulf %get3A_3, %mul3A : vector<5000x128xf32>
    %get3A_7 = arith.constant 0 : index
    %get3A_8 = arith.constant 0 : index
    %get3A_9 = vector.load %arg3[%get3A_7, %get3A_8] : memref<5000x128xf32, #tpu.memory_space<vmem>>, vector<5000x128xf32>
    %add3A = arith.addf %mul3A_6, %get3A_9 : vector<5000x128xf32>
    %get3A_10 = arith.constant 0 : index
    %get3A_11 = arith.constant 0 : index
    %get3A_12 = vector.load %arg4[%get3A_10, %get3A_11] : memref<5000x128xf32, #tpu.memory_space<vmem>>, vector<5000x128xf32>
    %add3A_13 = arith.addf %add3A, %get3A_12 : vector<5000x128xf32>
    %get3A_14 = arith.constant 0 : index
    %get3A_15 = arith.constant 0 : index
    %get3A_16 = vector.load %arg5[%get3A_14, %get3A_15] : memref<128x128xf32, #tpu.memory_space<vmem>>, vector<128x128xf32>
    %dot_general3A = arith.constant dense<0.000000e+00> : vector<5000x128xf32>
    %dot_general3A_17 = tpu.matmul %add3A_13, %get3A_16, %dot_general3A {dimension_numbers = #tpu.dot_dimension_numbers<[1], [0], [0], [1], [0, 0, 1, 1], [], []>, transpose_lhs_hint = false} : vector<5000x128xf32>, vector<128x128xf32>, vector<5000x128xf32> -> vector<5000x128xf32>
    %get3A_18 = arith.constant 0 : index
    %get3A_19 = arith.constant 0 : index
    %get3A_20 = vector.load %arg6[%get3A_18, %get3A_19] : memref<1x128xf32, #tpu.memory_space<vmem>>, vector<1x128xf32>
    %add3A_21 = vector.broadcast %get3A_20 : vector<1x128xf32> to vector<5000x128xf32>
    %add3A_22 = arith.addf %dot_general3A_17, %add3A_21 : vector<5000x128xf32>
    %max3A = arith.constant 0.000000e+00 : f32
    %max3A_23 = vector.broadcast %max3A : f32 to vector<5000x128xf32>
    %max3A_24 = arith.maximumf %add3A_22, %max3A_23 : vector<5000x128xf32>
    %get3A_25 = arith.constant 0 : index
    %get3A_26 = arith.constant 0 : index
    %get3A_27 = vector.load %arg7[%get3A_25, %get3A_26] : memref<128x128xf32, #tpu.memory_space<vmem>>, vector<128x128xf32>
    %dot_general3A_28 = arith.constant dense<0.000000e+00> : vector<5000x128xf32>
    %dot_general3A_29 = tpu.matmul %max3A_24, %get3A_27, %dot_general3A_28 {dimension_numbers = #tpu.dot_dimension_numbers<[1], [0], [0], [1], [0, 0, 1, 1], [], []>, transpose_lhs_hint = false} : vector<5000x128xf32>, vector<128x128xf32>, vector<5000x128xf32> -> vector<5000x128xf32>
    %get3A_30 = arith.constant 0 : index
    %get3A_31 = arith.constant 0 : index
    %get3A_32 = vector.load %arg8[%get3A_30, %get3A_31] : memref<1x128xf32, #tpu.memory_space<vmem>>, vector<1x128xf32>
    %add3A_33 = vector.broadcast %get3A_32 : vector<1x128xf32> to vector<5000x128xf32>
    %add3A_34 = arith.addf %dot_general3A_29, %add3A_33 : vector<5000x128xf32>
    %max3A_35 = arith.constant 0.000000e+00 : f32
    %max3A_36 = vector.broadcast %max3A_35 : f32 to vector<5000x128xf32>
    %max3A_37 = arith.maximumf %add3A_34, %max3A_36 : vector<5000x128xf32>
    %get3A_38 = arith.constant 0 : index
    %get3A_39 = arith.constant 0 : index
    %get3A_40 = vector.load %arg9[%get3A_38, %get3A_39] : memref<1x128xf32, #tpu.memory_space<vmem>>, vector<1x128xf32>
    %mul3A_41 = arith.constant 0.999994993 : f32
    %mul3A_42 = vector.broadcast %mul3A_41 : f32 to vector<1x128xf32>
    %mul3A_43 = arith.mulf %get3A_40, %mul3A_42 : vector<1x128xf32>
    %mul3A_44 = vector.broadcast %mul3A_43 : vector<1x128xf32> to vector<5000x128xf32>
    %mul3A_45 = arith.mulf %max3A_37, %mul3A_44 : vector<5000x128xf32>
    %get3A_46 = arith.constant 0 : index
    %get3A_47 = arith.constant 0 : index
    %get3A_48 = vector.load %arg10[%get3A_46, %get3A_47] : memref<1x128xf32, #tpu.memory_space<vmem>>, vector<1x128xf32>
    %add3A_49 = vector.broadcast %get3A_48 : vector<1x128xf32> to vector<5000x128xf32>
    %add3A_50 = arith.addf %mul3A_45, %add3A_49 : vector<5000x128xf32>
    %get3A_51 = arith.constant 0 : index
    %get3A_52 = arith.constant 0 : index
    %get3A_53 = arith.constant 0 : index
    %get3A_54 = vector.load %arg11[%get3A_51, %get3A_52, %get3A_53] : memref<1x1x5000xi32, #tpu.memory_space<vmem>>, vector<1x1x5000xi32>
    %get3A_55 = vector.shape_cast %get3A_54 : vector<1x1x5000xi32> to vector<5000xi32>
    %broadcast_in_dim3A = vector.shape_cast %get3A_55 : vector<5000xi32> to vector<5000x1xi32>
    %iota3A = tpu.iota {dimensions = array<i32: 1>} : vector<5000x64xi32>
    %eq3A_56 = vector.broadcast %broadcast_in_dim3A : vector<5000x1xi32> to vector<5000x64xi32>
    %eq3A_57 = arith.cmpi eq, %eq3A_56, %iota3A : vector<5000x64xi32>
    %convert_element_type3A_58 = arith.extui %eq3A_57 : vector<5000x64xi1> to vector<5000x64xi32>
    %convert_element_type3A_59 = arith.sitofp %convert_element_type3A_58 : vector<5000x64xi32> to vector<5000x64xf32>
    %get3A_60 = arith.constant 0 : index
    %get3A_61 = arith.constant 0 : index
    %get3A_62 = vector.load %arg17[%get3A_60, %get3A_61] : memref<64x128xf32, #tpu.memory_space<vmem>>, vector<64x128xf32>
    %dot_general3A_63 = arith.constant dense<0.000000e+00> : vector<64x128xf32>
    %dot_general3A_64 = tpu.matmul %convert_element_type3A_59, %add3A_50, %dot_general3A_63 {dimension_numbers = #tpu.dot_dimension_numbers<[0], [0], [1], [1], [0, 1, 1, 1], [], []>, transpose_lhs_hint = false} : vector<5000x64xf32>, vector<5000x128xf32>, vector<64x128xf32> -> vector<64x128xf32>
    %add3A_65 = arith.addf %get3A_62, %dot_general3A_64 : vector<64x128xf32>
    %swap3A = arith.constant 0 : index
    %swap3A_66 = arith.constant 0 : index
    %swap3A_67 = vector.load %arg17[%swap3A, %swap3A_66] : memref<64x128xf32, #tpu.memory_space<vmem>>, vector<64x128xf32>
    tpu.vector_store %arg17[%swap3A, %swap3A_66], %add3A_65 {strides = array<i32>} : memref<64x128xf32, #tpu.memory_space<vmem>>, vector<64x128xf32>,
    %get3A_68 = arith.constant 0 : index
    %get3A_69 = arith.constant 0 : index
    %get3A_70 = vector.load %arg18[%get3A_68, %get3A_69] : memref<64x128xf32, #tpu.memory_space<vmem>>, vector<64x128xf32>
    %broadcast_in_dim3A_71 = arith.constant 1.000000e+00 : f32
    %broadcast_in_dim3A_72 = vector.broadcast %broadcast_in_dim3A_71 : f32 to vector<5000x128xf32>
    %dot_general3A_73 = arith.constant dense<0.000000e+00> : vector<64x128xf32>
    %dot_general3A_74 = tpu.matmul %convert_element_type3A_59, %broadcast_in_dim3A_72, %dot_general3A_73 {dimension_numbers = #tpu.dot_dimension_numbers<[0], [0], [1], [1], [0, 1, 1, 1], [], []>, transpose_lhs_hint = false} : vector<5000x64xf32>, vector<5000x128xf32>, vector<64x128xf32> -> vector<64x128xf32>
    %add3A_75 = arith.addf %get3A_70, %dot_general3A_74 : vector<64x128xf32>
    %swap3A_76 = arith.constant 0 : index
    %swap3A_77 = arith.constant 0 : index
    %swap3A_78 = vector.load %arg18[%swap3A_76, %swap3A_77] : memref<64x128xf32, #tpu.memory_space<vmem>>, vector<64x128xf32>
    tpu.vector_store %arg18[%swap3A_76, %swap3A_77], %add3A_75 {strides = array<i32>} : memref<64x128xf32, #tpu.memory_space<vmem>>, vector<64x128xf32>,
    %eq3A_79 = arith.constant 1 : i32
    %eq3A_80 = arith.cmpi eq, %arg0, %eq3A_79 : i32
    %convert_element_type3A_81 = arith.extui %eq3A_80 : i1 to i32
    %cond3A_82 = arith.constant 0 : i32
    %cond3A_83 = arith.cmpi ne, %convert_element_type3A_81, %cond3A_82 : i32
    scf.if %cond3A_83 {
      %get3A_84 = arith.constant 0 : index
      %get3A_85 = arith.constant 0 : index
      %get3A_86 = vector.load %arg17[%get3A_84, %get3A_85] : memref<64x128xf32, #tpu.memory_space<vmem>>, vector<64x128xf32>
      %get3A_87 = arith.constant 0 : index
      %get3A_88 = arith.constant 0 : index
      %get3A_89 = vector.load %arg18[%get3A_87, %get3A_88] : memref<64x128xf32, #tpu.memory_space<vmem>>, vector<64x128xf32>
      %max3A_90 = arith.constant 1.000000e+00 : f32
      %max3A_91 = vector.broadcast %max3A_90 : f32 to vector<64x128xf32>
      %max3A_92 = arith.maximumf %get3A_89, %max3A_91 : vector<64x128xf32>
      %div3A = arith.divf %get3A_86, %max3A_92 : vector<64x128xf32>
      %get3A_93 = arith.constant 0 : index
      %get3A_94 = arith.constant 0 : index
      %get3A_95 = vector.load %arg12[%get3A_93, %get3A_94] : memref<128x128xf32, #tpu.memory_space<vmem>>, vector<128x128xf32>
      %dot_general3A_96 = arith.constant dense<0.000000e+00> : vector<64x128xf32>
      %dot_general3A_97 = tpu.matmul %div3A, %get3A_95, %dot_general3A_96 {dimension_numbers = #tpu.dot_dimension_numbers<[1], [0], [0], [1], [0, 0, 1, 1], [], []>, transpose_lhs_hint = false} : vector<64x128xf32>, vector<128x128xf32>, vector<64x128xf32> -> vector<64x128xf32>
      %get3A_98 = arith.constant 0 : index
      %get3A_99 = arith.constant 0 : index
      %get3A_100 = vector.load %arg13[%get3A_98, %get3A_99] : memref<1x128xf32, #tpu.memory_space<vmem>>, vector<1x128xf32>
      %add3A_101 = vector.broadcast %get3A_100 : vector<1x128xf32> to vector<64x128xf32>
      %add3A_102 = arith.addf %dot_general3A_97, %add3A_101 : vector<64x128xf32>
      %max3A_103 = arith.constant 0.000000e+00 : f32
      %max3A_104 = vector.broadcast %max3A_103 : f32 to vector<64x128xf32>
      %max3A_105 = arith.maximumf %add3A_102, %max3A_104 : vector<64x128xf32>
      %get3A_106 = arith.constant 0 : index
      %get3A_107 = arith.constant 0 : index
      %get3A_108 = vector.load %arg14[%get3A_106, %get3A_107] : memref<128x16xf32, #tpu.memory_space<vmem>>, vector<128x16xf32>
      %dot_general3A_109 = arith.constant dense<0.000000e+00> : vector<64x16xf32>
      %dot_general3A_110 = tpu.matmul %max3A_105, %get3A_108, %dot_general3A_109 {dimension_numbers = #tpu.dot_dimension_numbers<[1], [0], [0], [1], [0, 0, 1, 1], [], []>, transpose_lhs_hint = false} : vector<64x128xf32>, vector<128x16xf32>, vector<64x16xf32> -> vector<64x16xf32>
      %get3A_111 = arith.constant 0 : index
      %get3A_112 = arith.constant 0 : index
      %get3A_113 = vector.load %arg15[%get3A_111, %get3A_112] : memref<1x16xf32, #tpu.memory_space<vmem>>, vector<1x16xf32>
      %add3A_114 = vector.broadcast %get3A_113 : vector<1x16xf32> to vector<64x16xf32>
      %add3A_115 = arith.addf %dot_general3A_110, %add3A_114 : vector<64x16xf32>
      %reduce_max3A = arith.constant dense<0xFF800000> : vector<64xf32>
      %reduce_max3A_116 = vector.multi_reduction <maximumf>, %add3A_115, %reduce_max3A [1] : vector<64x16xf32> to vector<64xf32>
      %broadcast_in_dim3A_117 = vector.shape_cast %reduce_max3A_116 : vector<64xf32> to vector<64x1xf32>
      %sub3A = vector.broadcast %broadcast_in_dim3A_117 : vector<64x1xf32> to vector<64x16xf32>
      %sub3A_118 = arith.subf %add3A_115, %sub3A : vector<64x16xf32>
      %exp3A = math.exp %sub3A_118 : vector<64x16xf32>
      %reduce_sum3A = arith.constant dense<0.000000e+00> : vector<64xf32>
      %reduce_sum3A_119 = vector.multi_reduction <add>, %exp3A, %reduce_sum3A [1] : vector<64x16xf32> to vector<64xf32>
      %broadcast_in_dim3A_120 = vector.shape_cast %reduce_sum3A_119 : vector<64xf32> to vector<64x1xf32>
      %log3A = math.log %broadcast_in_dim3A_120 : vector<64x1xf32>
      %sub3A_121 = vector.broadcast %broadcast_in_dim3A_117 : vector<64x1xf32> to vector<64x16xf32>
      %sub3A_122 = arith.subf %add3A_115, %sub3A_121 : vector<64x16xf32>
      %sub3A_123 = vector.broadcast %log3A : vector<64x1xf32> to vector<64x16xf32>
      %sub3A_124 = arith.subf %sub3A_122, %sub3A_123 : vector<64x16xf32>
      %swap3A_125 = arith.constant 0 : index
      %swap3A_126 = arith.constant 0 : index
      %swap3A_127 = vector.load %arg16[%swap3A_125, %swap3A_126] : memref<64x16xf32, #tpu.memory_space<vmem>>, vector<64x16xf32>
      tpu.vector_store %arg16[%swap3A_125, %swap3A_126], %sub3A_124 {strides = array<i32>} : memref<64x16xf32, #tpu.memory_space<vmem>>, vector<64x16xf32>,
    } else {
    }
    return
  }
  func.func @transform_0(%arg0: i32) -> i32 {
    %c0_i32 = arith.constant 0 : i32
    %c0_i32_0 = arith.constant 0 : i32
    return %c0_i32 : i32
  }
  func.func @transform_1(%arg0: i32) -> (i32, i32) {
    %c0_i32 = arith.constant 0 : i32
    %c0_i32_0 = arith.constant 0 : i32
    return %arg0, %c0_i32 : i32, i32
  }
  func.func @transform_2(%arg0: i32) -> (i32, i32) {
    %c0_i32 = arith.constant 0 : i32
    %c0_i32_0 = arith.constant 0 : i32
    return %arg0, %c0_i32 : i32, i32
  }
  func.func @transform_3(%arg0: i32) -> (i32, i32) {
    %c0_i32 = arith.constant 0 : i32
    %c0_i32_0 = arith.constant 0 : i32
    return %arg0, %c0_i32 : i32, i32
  }
  func.func @transform_4(%arg0: i32) -> (i32, i32) {
    %c0_i32 = arith.constant 0 : i32
    %c0_i32_0 = arith.constant 0 : i32
    %c0_i32_1 = arith.constant 0 : i32
    return %c0_i32, %c0_i32_0 : i32, i32
  }
  func.func @transform_5(%arg0: i32) -> (i32, i32) {
    %c0_i32 = arith.constant 0 : i32
    %c0_i32_0 = arith.constant 0 : i32
    %c0_i32_1 = arith.constant 0 : i32
    return %c0_i32, %c0_i32_0 : i32, i32
  }
  func.func @transform_6(%arg0: i32) -> (i32, i32) {
    %c0_i32 = arith.constant 0 : i32
    %c0_i32_0 = arith.constant 0 : i32
    %c0_i32_1 = arith.constant 0 : i32
    return %c0_i32, %c0_i32_0 : i32, i32
  }
  func.func @transform_7(%arg0: i32) -> (i32, i32) {
    %c0_i32 = arith.constant 0 : i32
    %c0_i32_0 = arith.constant 0 : i32
    %c0_i32_1 = arith.constant 0 : i32
    return %c0_i32, %c0_i32_0 : i32, i32
  }
  func.func @transform_8(%arg0: i32) -> (i32, i32) {
    %c0_i32 = arith.constant 0 : i32
    %c0_i32_0 = arith.constant 0 : i32
    %c0_i32_1 = arith.constant 0 : i32
    return %c0_i32, %c0_i32_0 : i32, i32
  }
  func.func @transform_9(%arg0: i32) -> (i32, i32) {
    %c0_i32 = arith.constant 0 : i32
    %c0_i32_0 = arith.constant 0 : i32
    %c0_i32_1 = arith.constant 0 : i32
    return %c0_i32, %c0_i32_0 : i32, i32
  }
  func.func @transform_10(%arg0: i32) -> (i32, i32, i32) {
    %c0_i32 = arith.constant 0 : i32
    %c0_i32_0 = arith.constant 0 : i32
    %c0_i32_1 = arith.constant 0 : i32
    return %arg0, %c0_i32, %c0_i32_0 : i32, i32, i32
  }
  func.func @transform_11(%arg0: i32) -> (i32, i32) {
    %c0_i32 = arith.constant 0 : i32
    %c0_i32_0 = arith.constant 0 : i32
    %c0_i32_1 = arith.constant 0 : i32
    return %c0_i32, %c0_i32_0 : i32, i32
  }
  func.func @transform_12(%arg0: i32) -> (i32, i32) {
    %c0_i32 = arith.constant 0 : i32
    %c0_i32_0 = arith.constant 0 : i32
    %c0_i32_1 = arith.constant 0 : i32
    return %c0_i32, %c0_i32_0 : i32, i32
  }
  func.func @transform_13(%arg0: i32) -> (i32, i32) {
    %c0_i32 = arith.constant 0 : i32
    %c0_i32_0 = arith.constant 0 : i32
    %c0_i32_1 = arith.constant 0 : i32
    return %c0_i32, %c0_i32_0 : i32, i32
  }
  func.func @transform_14(%arg0: i32) -> (i32, i32) {
    %c0_i32 = arith.constant 0 : i32
    %c0_i32_0 = arith.constant 0 : i32
    %c0_i32_1 = arith.constant 0 : i32
    return %c0_i32, %c0_i32_0 : i32, i32
  }
  func.func @transform_15(%arg0: i32) -> (i32, i32) {
    %c0_i32 = arith.constant 0 : i32
    %c0_i32_0 = arith.constant 0 : i32
    %c0_i32_1 = arith.constant 0 : i32
    return %c0_i32, %c0_i32_0 : i32, i32
  }
}

</mosaic_0001>

<sc_bundles>
// kernel: kernel.11.cloned.1.call-start
scs
__scs_entry_jumppad:
0x0: {  	(pc) =	sbr.rel $0x88, $3  }
0x1: {  	(tag) =	ssettag $0x0;
	lr =	simm.s32 $0x1  }
0x2: {  	[smem:$0x3F93] =	sst lr;
	_ =	strace $0xD0000000  }
0x3: {  	_ = 	snop  }
0x4: {  	_ = 	snop  }
0x5: {  	_ = 	snop  }
0x6: {  	_ = 	snop  }
0x7: {  	_ = 	snop  }
__scs_overlays_trampoline_lowered:
0x8: {  	[smem:$0x3FA2] =	sst s0  }
0x9: {  	[smem:$0x3FA3] =	sst s1  }
0xa: {  	[smem:$0x3FA4] =	sst s2  }
0xb: {  	[smem:$0x3FA5] =	sst s3  }
0xc: {  	[smem:$0x3FA6] =	sst s4  }
0xd: {  	[smem:$0x3FA7] =	sst s5  }
0xe: {  	[smem:$0x3FA8] =	sst s6  }
0xf: {  	[smem:$0x3FA9] =	sst s7  }
0x10: {  	[smem:$0x3FAA] =	sst s8  }
0x11: {  	[smem:$0x3FAB] =	sst s9;
	s0 =	simm.s32 @!p0 $0x0  }
0x12: {  	s1 =	sld [smem:$0x3F91];
	s0 =	simm.s32 @p0 $0x1  }
0x13: {  	[smem:$0x3FAC] =	sst s0;
	s0 =	simm.s32 @!p1 $0x0  }
0x14: {  	s2 =	sld [smem:$0x3F90];
	s0 =	simm.s32 @p1 $0x1  }
0x15: {  	[smem:$0x3FAD] =	sst s0;
	s0 =	simm.s32 @!p2 $0x0  }
0x16: {  	s3 =	sld [smem:$0x3FDB];
	s0 =	simm.s32 @p2 $0x1  }
0x17: {  	s4 =	simm.s32 $0x1BF5;
	[smem:$0x3FAF] =	sst s0  }
0x18: {  	s0 =	sld [smem:$0x3F92];
	_ =	swait.ge [sflag:s4], $0x0  }
0x19: {  	s7 =	sld [smem:$0x3F93]  }
0x1a: {  	s8 =	sadd.s32 $0xFFFFE003, lr  }
0x1b: {  	s9 =	sadd.s32 $0xFFFFFEF7, lr;
	s5 =	simm.s32 $0xFFFFFFFF;
	p2 =	slt.u32 s8, $0xFFFFF086  }
0x1c: {  	p1 =	slt.u32 s9, $0xF7A;
	s5 =	simm.s32 @!p2 $0x0  }
0x1d: {  	s5 =	simm.s32 @p1 $0x1;
	p0 =	seq.s32 s7, s2  }
0x1e: {  	s7 =	smul.u32 @!p0 $0xF7A, s2;
	p2 =	seq.s32 @!p0 s5, $0x0  }
0x1f: {  	s9 =	smul.u32 $0xF7A, s1;
	s8 =	simm.s32 @!p0 $0x1BF5;
	p2 =	por !p2, p0  }
0x20: {  	[sflag:s8] =	ssyncset.s32 @!p0 $0xFFFFF086;
	s6 =	sadd.s32 @!p0 s3, s7;
	s7 =	simm.s32 @!p0 $0x108  }
0x21: {  	s3 =	sadd.s32 s3, s9;
	s6 =	sadd.s32 @!p0 $0x88, s6;
	s7 =	simm.s32 @p2 $0x1082  }
0x22: {  	[simem:s7], [sflag:s8] =	dma.local @!p0 [hbm:s6], $0xF7A  }
0x23: {  	s9 =	sor.u32 $0xD0000000, s2;
	s6 =	simm.s32 $0x108;
	_ =	swait.ge @!p0 [sflag:s8], $0x0  }
0x24: {  	s3 =	sadd.s32 $0x88, s3;
	s6 =	simm.s32 @!p1 $0x1082;
	[sflag:s4] =	ssyncset.s32 $0xFFFFF086  }
0x25: {  	[simem:s6], [sflag:s4] =	dma.local [hbm:s3], $0xF7A  }
0x26: {  	[smem:$0x3F93] =	sst s1;
	(tag) =	ssettag s2;
	_ =	strace s9  }
0x27: {  	s1 =	sld [smem:$0x3FA3]  }
0x28: {  	s2 =	sld [smem:$0x3FA4]  }
0x29: {  	s4 =	sld [smem:$0x3FA6]  }
0x2a: {  	p0 =	seq.s32 s5, $0x0;
	s5 =	sld [smem:$0x3FA7]  }
0x2b: {  	s6 =	sld [smem:$0x3FA8]  }
0x2c: {  	s7 =	sld [smem:$0x3FA9]  }
0x2d: {  	s3 =	simm.s32 $0x108;
	s8 =	sld [smem:$0x3FAA]  }
0x2e: {  	s3 =	simm.s32 @!p0 $0x1082;
	s9 =	sld [smem:$0x3FAB]  }
0x2f: {  	lr =	sadd.s32 s0, s3;
	s0 =	sld [smem:$0x3FA2]  }
0x30: {  	s3 =	sld [smem:$0x3FA5]  }
0x31: {  	[smem:$0x3FAE] =	sst s10  }
0x32: {  	s10 =	sld [smem:$0x3FAC];
	_ =	sdelay $0x3  }
0x33: {  	p0 =	seq.s32 s10, $0x1;
	s10 =	sld [smem:$0x3FAE];
	_ =	sdelay $0x3  }
0x34: {  	[smem:$0x3FAE] =	sst s10  }
0x35: {  	s10 =	sld [smem:$0x3FAD];
	_ =	sdelay $0x3  }
0x36: {  	p1 =	seq.s32 s10, $0x1;
	s10 =	sld [smem:$0x3FAE];
	_ =	sdelay $0x3  }
0x37: {  	[smem:$0x3FAE] =	sst s10  }
0x38: {  	s10 =	sld [smem:$0x3FAF]  }
0x39: {  	_ = 	snop;
	(pc) =	sbr.ind lr, $3  }
0x3a: {  	_ = 	snop  }
0x3b: {  	_ = 	snop  }
0x3c: {  	p2 =	seq.s32 s10, $0x1;
	s10 =	sld [smem:$0x3FAE]  }
0x3d: {  	_ =	shalt  }
0x3e: {  	_ =	shalt  }
0x3f: {  	_ =	shalt  }
0x40: {  	_ =	shalt  }
0x41: {  	_ =	shalt  }
0x42: {  	_ =	shalt  }
0x43: {  	_ =	shalt  }
0x44: {  	_ =	shalt  }
0x45: {  	_ =	shalt  }
0x46: {  	_ =	shalt  }
0x47: {  	_ =	shalt  }
0x48: {  	_ =	shalt  }
0x49: {  	_ =	shalt  }
0x4a: {  	_ =	shalt  }
0x4b: {  	_ =	shalt  }
0x4c: {  	_ =	shalt  }
0x4d: {  	_ =	shalt  }
0x4e: {  	_ =	shalt  }
0x4f: {  	_ =	shalt  }
0x50: {  	_ =	shalt  }
0x51: {  	_ =	shalt  }
0x52: {  	_ =	shalt  }
0x53: {  	_ =	shalt  }
0x54: {  	_ =	shalt  }
0x55: {  	_ =	shalt  }
0x56: {  	_ =	shalt  }
0x57: {  	_ =	shalt  }
0x58: {  	_ =	shalt  }
0x59: {  	_ =	shalt  }
0x5a: {  	_ =	shalt  }
0x5b: {  	_ =	shalt  }
0x5c: {  	_ =	shalt  }
0x5d: {  	_ =	shalt  }
0x5e: {  	_ =	shalt  }
0x5f: {  	_ =	shalt  }
0x60: {  	_ =	shalt  }
0x61: {  	_ =	shalt  }
0x62: {  	_ =	shalt  }
0x63: {  	_ =	shalt  }
0x64: {  	_ =	shalt  }
0x65: {  	_ =	shalt  }
0x66: {  	_ =	shalt  }
0x67: {  	_ =	shalt  }
0x68: {  	_ =	shalt  }
0x69: {  	_ =	shalt  }
0x6a: {  	_ =	shalt  }
0x6b: {  	_ =	shalt  }
0x6c: {  	_ =	shalt  }
0x6d: {  	_ =	shalt  }
0x6e: {  	_ =	shalt  }
0x6f: {  	_ =	shalt  }
0x70: {  	_ =	shalt  }
0x71: {  	_ =	shalt  }
0x72: {  	_ =	shalt  }
0x73: {  	_ =	shalt  }
0x74: {  	_ =	shalt  }
0x75: {  	_ =	shalt  }
0x76: {  	_ =	shalt  }
0x77: {  	_ =	shalt  }
0x78: {  	_ =	shalt  }
0x79: {  	_ =	shalt  }
0x7a: {  	_ =	shalt  }
0x7b: {  	_ =	shalt  }
0x7c: {  	_ =	shalt  }
0x7d: {  	_ =	shalt  }
0x7e: {  	_ =	shalt  }
0x7f: {  	_ =	shalt  }
0x80: {  	_ =	shalt  }
0x81: {  	_ =	shalt  }
0x82: {  	_ =	shalt  }
0x83: {  	_ =	shalt  }
0x84: {  	_ =	shalt  }
0x85: {  	_ =	shalt  }
0x86: {  	_ =	shalt  }
0x87: {  	_ =	shalt  }
.Lfunc_end0:
.L_simem_size_0:
called_computation.1_lowered:
.L_overlay_start_0:
0x88: {  	s2 =	sld [smem:$0x3FD9]  }
0x89: {  	s3 =	sld [smem:$0x3FFE];
	_ =	sdelay $0x1  }
0x8a: {  	s1 =	srdreg.scid  }
0x8b: {  	s0 =	sand.u32 $0x1, s1  }
0x8c: {  	s16 =	sshll.u32 s0, $0xA;
	s2 =	sadd.s32 s3, s2  }
0x8d: {  	s2 =	sadd.s32 s2, s16  }
0x8e: {  	[smem:$0x3FBA] =	sst s2  }
0x8f: {  	_ = 	snop  }
0x90: {  	(tm) =	ssettm $0x1  }
0x91: {  	s17 =	sld [smem:$0x3FFB];
	_ =	sdelay $0x3  }
0x92: {  	_ =	strace s17  }
0x93: {  	s2 =	sld [smem:$0x3FFC];
	_ =	sdelay $0x3  }
0x94: {  	_ =	strace s2  }
0x95: {  	s2 =	sld [smem:$0x3FFD];
	_ =	sdelay $0x3  }
0x96: {  	_ =	strace s2  }
0x97: {  	_ =	strace $0x8FFFFFFF  }
0x98: {  	s18 =	sld [smem:$0x3FDB];
	_ =	sdelay $0x1  }
0x99: {  	s19 =	simm.s32 $_scs_section_size  }
0x9a: {  	s4 =	simm.s32 $_size__tile_overlayer_lowered;
	s5 =	simm.s32 $_tile_overlayer_lowered  }
0x9b: {  	s22 =	simm.s32 $0x1BFF;
	s21 =	sshll.u32 s5, $0x1;
	s2 =	sadd.s32 s19, s18  }
0x9c: {  	s6 =	simm.s32 $0x0;
	s20 =	sshll.u32 s4, $0x1;
	s4 =	sadd.s32 s21, s2  }
0x9d: {  	[timem:s6], [sflag:s22] =	dma.local [hbm:s4], s20  }
0x9e: {  	_ =	swait.ge [sflag:s22], s20  }
0x9f: {  	s3 =	ssub.s32 $0x0, s20;
	[sflag:s22] =	ssyncset.done $0x0  }
0xa0: {  	[sflag:s22] =	ssyncadd.s32 s3;
	_ =	sdelay $0x1  }
0xa1: {  	s23 =	simm.s32 $0x1B8B  }
0xa2: {  	_ =	swait.ge [sflag:s23], $0x1  }
0xa3: {  	[sflag:s23] =	ssyncset.done $0x0  }
0xa4: {  	s25 =	simm.s32 $0x1B8E;
	s24 =	sld [smem:$0x3FFE];
	[sflag:s23] =	ssyncadd.s32 $0xFFFFFFFF  }
0xa5: {  	s26 =	simm.s32 $execute0_lowered;
	[smem:$0x3FD2] =	sst s25  }
0xa6: {  	s4 =	sshll.u32 s26, $0x1;
	_ =	strace $0x80000049;
	[dreg:$0x1] =	wrdreg $0xFFFFFFFF  }
0xa7: {  	s28 =	simm.s32 $_size_execute0_lowered;
	s2 =	sadd.s32 s2, s4;
	[dreg:$0x0] =	wrdreg $0x0  }
0xa8: {  	s4 =	sshll.u32 s28, $0x1;
	[dreg:$0x2] =	wrdreg s2  }
0xa9: {  	[dreg:$0x3] =	wrdreg s4  }
0xaa: {  	[dreg:$0x4] =	wrdreg $0xC0  }
0xab: {  	_ =	task [dreg:s6], $0x5FFFF  }
0xac: {  	[dreg:$0x1] =	wrdreg $0xFFFFFFFF  }
0xad: {  	[dreg:$0x0] =	wrdreg $0x60  }
0xae: {  	[dreg:$0x2] =	wrdreg s24  }
0xaf: {  	[dreg:$0x3] =	wrdreg $0x92000  }
0xb0: {  	[dreg:$0x4] =	wrdreg $0x9  }
0xb1: {  	_ =	task.clear_ibuf [dreg:s6], $0x5FFFF;
	_ =	strace $0x90000049  }
0xb2: {  	s29 =	simm.s32 $0x9;
	_ =	strace $0x8000004B  }
0xb3: {  	_ =	swait.ge [sflag:s29], $0x1  }
0xb4: {  	[sflag:s29] =	ssyncadd.s32 $0xFFFFFFFF  }
0xb5: {  	_ =	strace $0x9000004B  }
0xb6: {  	_ =	sfence  }
0xb7: {  	s30 =	sld [smem:$0x0];
	_ =	sdelay $0x2  }
0xb8: {  	s31 =	sshll.u32 s1, $0xD;
	s1 =	sshrl.u32 s1, $0x2  }
0xb9: {  	s3 =	sand.u32 $0x4000, s31;
	s1 =	sadd.s32 s1, s30  }
0xba: {  	s0 =	sor.u32 s3, s0;
	s1 =	sshll.u32 s1, $0x11  }
0xbb: {  	s0 =	sor.u32 s1, s0  }
0xbc: {  	s0 =	sadd.s32 $0x8F2B, s0  }
0xbd: {  	[sflag:s0] =	ssyncadd.remote.s32 $0x1  }
0xbe: {  	_ =	sfence.sel $0xFFFF  }
0xbf: {  	[dreg:$0x0] =	wrdreg $0xFFFFFFFF;
	(pc) =	sbr.abs _section_cstart, $3  }
0xc0: {  	[dreg:$0x1] =	wrdreg $0xFFFFFFFF  }
0xc1: {  	_ =	task.clear_ibuf [dreg:s6], $0x2FFFF;
	_ =	strace $0x9FFFFFFF  }
0xc2: {  	(tm) =	ssettm $0x7FFFFFFF  }
0xc3: {  	_ =	shalt  }
tec
execute0_lowered:
.L_overlay_start_1:
0x0: {  	(tag) =	ssettag $0x1  }
0x1: {  	s0 =	rddreg [dreg:$0x0]  }
0x2: {  	s1 =	rddreg [dreg:$0x1]  }
0x3: {  	s3 =	simm.s32 $0x0;
	s12 =	stileid.u32;
	s2 =	srdreg.scid  }
0x4: {  	[smem:$0x7FF] =	sst s3;
	s4 =	sadd.s32 $0x18E00, s0;
	s5 =	smul.u32 $0x4F000, s12  }
0x5: {  	s6 =	sadd.s32 $0x4E00, s0;
	s7 =	sadd.s32 $0xEE00, s0;
	s19 =	smul.u32 $0x2800, s12  }
0x6: {  	s2 =	sand.u32 $0x1, s2;
	s20 =	smul.u32 $0x2780, s12;
	s5 =	sshrl.u32 s5, $0x2  }
0x7: {  	_ =	strace $0x8000004A;
	s8 =	ssub.s32 $0x2, s2;
	s5 =	sadd.s32 s5, s1  }
0x8: {  	s9 =	sshll.u32 s2, $0x4;
	p0 =	seq.s32 s2, $0x1;
	s22 =	sadd.s32 $0x1000, s5  }
0x9: {  	s10 =	sshrl.u32 s8, $0x1;
	s23 =	sadd.s32 $0x2000, s5;
	[dreg:$0x3] =	wrdreg s22  }
0xa: {  	s9 =	sor.u32 s12, s9;
	s24 =	sadd.s32 $0x3000, s5;
	[dreg:$0x4] =	wrdreg s23  }
0xb: {  	s12 =	simm.s32 $0x200;
	s25 =	sadd.s32 $0x4000, s5;
	[dreg:$0x5] =	wrdreg s24  }
0xc: {  	s8 =	ssub.s32 s8, s10;
	s26 =	sadd.s32 $0x5000, s5;
	[dreg:$0x6] =	wrdreg s25  }
0xd: {  	s9 =	smul.u32 $0x2800, s9;
	s11 =	sadd.s32 $0x6000, s5;
	[dreg:$0x7] =	wrdreg s26  }
0xe: {  	s13 =	sadd.s32 $0x7000, s5;
	s14 =	sadd.s32 $0x8000, s5;
	[dreg:$0x8] =	wrdreg s11  }
0xf: {  	s15 =	sadd.s32 $0x9000, s5;
	s28 =	sadd.s32 $0xC000, s5;
	[dreg:$0x9] =	wrdreg s13  }
0x10: {  	s29 =	sadd.s32 $0xD000, s5;
	s30 =	sadd.s32 $0xE000, s5;
	[dreg:$0xa] =	wrdreg s14  }
0x11: {  	s31 =	sadd.s32 $0xF000, s5;
	[dreg:$0xb] =	wrdreg s15;
	s9 =	sshrl.u32 s9, $0x3  }
0x12: {  	s11 =	smul.u32 $0x28000, s2;
	s2 =	simm.s32 $0x68200;
	s24 =	sadd.s32 $0xA000, s5  }
0x13: {  	s25 =	smax.u32 s8, $0x1;
	s26 =	sadd.s32 $0xB000, s5;
	[dreg:$0x11] =	wrdreg s24  }
0x14: {  	s8 =	simm.s32 $0x8200;
	s13 =	simm.s32 $0x100;
	[dreg:$0x12] =	wrdreg s25  }
0x15: {  	s14 =	simm.s32 $0x180;
	s16 =	sadd.s32 s6, s9;
	[dreg:$0x13] =	wrdreg s26  }
0x16: {  	s17 =	sor.u32 $0x10, s9;
	s9 =	sadd.s32 s7, s9;
	[dreg:$0xc] =	wrdreg s16  }
0x17: {  	s15 =	simm.s32 $0x2;
	s2 =	simm.s32 @!p0 $0x40000;
	[dreg:$0xd] =	wrdreg s9  }
0x18: {  	s18 =	sadd.s32 s6, s17;
	s10 =	sadd.s32 s7, s17;
	s9 =	sadd.s32 s19, s11  }
0x19: {  	s0 =	sadd.s32 s2, s0;
	s2 =	sadd.s32 $0x11000, s5;
	s11 =	simm.s32 $0x1  }
0x1a: {  	s16 =	simm.s32 $0x4200;
	s17 =	simm.s32 $0x3;
	[dreg:$0xe] =	wrdreg s18  }
0x1b: {  	s19 =	simm.s32 $0x0;
	[dreg:$0xf] =	wrdreg s10;
	s21 =	sor.u32 $0x180, s9  }
0x1c: {  	s9 =	sor.u32 $0x100, s9;
	s0 =	sadd.s32 s0, s20;
	s10 =	simm.s32 $0x80  }
0x1d: {  	s18 =	simm.s32 $0x4;
	[dreg:$0x10] =	wrdreg s0;
	s22 =	sshrl.u32 s21, $0x3  }
0x1e: {  	s23 =	sshrl.u32 s9, $0x3;
	s0 =	sadd.s32 $0x10000, s5;
	s9 =	simm.s32 $0x5  }
0x1f: {  	s20 =	sadd.s32 s22, s7;
	s21 =	sadd.s32 s22, s6;
	s22 =	sadd.s32 s23, s7  }
0x20: {  	v0 =	vimm.f32 $0.0e+00;
	s23 =	sadd.s32 s23, s6;
	s6 =	sadd.s32 $0x12000, s5;
	s7 =	sadd.s32 $0x13000, s5  }
.LBB2_1:
0x21: {  	s24 =	simm.s32 $0x0;
	s25 =	simm.s32 $0x200  }
.LBB2_2:
0x22: {  	p0 =	sne.s32 s25, $0x3E00;
	[tilespmem:s24+$0x8270] =	vst v0  }
0x23: {  	[tilespmem:s24+$0x8200] =	vst v0  }
0x24: {  	[tilespmem:s24+$0x8210] =	vst v0  }
.Ltmp0:
0x25: {  	[tilespmem:s24+$0x8220] =	vst v0;
	(pc) =	sbr.rel @p0 .LBB2_2-.Ltmp0, $4  }
0x26: {  	[tilespmem:s24+$0x8230] =	vst v0  }
0x27: {  	[tilespmem:s24+$0x8240] =	vst v0  }
0x28: {  	[tilespmem:s24+$0x8250] =	vst v0  }
0x29: {  	[tilespmem:s24+$0x8260] =	vst v0;
	s24 =	sshra.s32 s25, $0x2;
	s25 =	sadd.s32 $0x200, s25  }
0x2a: {  	[tilespmem:s24+$0x8270] =	vst v0  }
0x2b: {  	[tilespmem:s24+$0x8200] =	vst v0  }
0x2c: {  	[tilespmem:s24+$0x8210] =	vst v0  }
0x2d: {  	[tilespmem:s24+$0x8220] =	vst v0  }
0x2e: {  	[tilespmem:s24+$0x8230] =	vst v0  }
0x2f: {  	[tilespmem:s24+$0x8240] =	vst v0  }
0x30: {  	[tilespmem:s24+$0x8250] =	vst v0  }
0x31: {  	[tilespmem:s24+$0x8260] =	vst v0  }
0x32: {  	[spmem:s5] =	stream.linear.scatter [tilespmem:s8], [sflag:$0x5], $0x1000, $0x38;
	[tilespmem:$0x1CE00] =	vst v63  }
0x33: {  	_ =	swait.ge [sflag:s9], $0x1000  }
0x34: {  	[sflag:s9] =	ssyncset.done $0x0  }
0x35: {  	s25 =	rddreg [dreg:$0x3];
	[sflag:s9] =	ssyncadd.s32 $0xFFFFF000  }
0x36: {  	[spmem:s25] =	stream.linear.scatter [tilespmem:s8], [sflag:$0x5], $0x1000, $0x38;
	[tilespmem:$0x1CE00] =	vst v63  }
0x37: {  	_ =	swait.ge [sflag:s9], $0x1000  }
0x38: {  	[sflag:s9] =	ssyncset.done $0x0  }
0x39: {  	s26 =	rddreg [dreg:$0x4];
	[sflag:s9] =	ssyncadd.s32 $0xFFFFF000  }
0x3a: {  	[spmem:s26] =	stream.linear.scatter [tilespmem:s8], [sflag:$0x5], $0x1000, $0x38;
	[tilespmem:$0x1CE00] =	vst v63  }
0x3b: {  	_ =	swait.ge [sflag:s9], $0x1000  }
0x3c: {  	[sflag:s9] =	ssyncset.done $0x0  }
0x3d: {  	s25 =	rddreg [dreg:$0x5];
	[sflag:s9] =	ssyncadd.s32 $0xFFFFF000  }
0x3e: {  	[spmem:s25] =	stream.linear.scatter [tilespmem:s8], [sflag:$0x5], $0x1000, $0x38;
	[tilespmem:$0x1CE00] =	vst v63  }
0x3f: {  	_ =	swait.ge [sflag:s9], $0x1000  }
0x40: {  	[sflag:s9] =	ssyncset.done $0x0  }
0x41: {  	s26 =	rddreg [dreg:$0x6];
	[sflag:s9] =	ssyncadd.s32 $0xFFFFF000  }
0x42: {  	[spmem:s26] =	stream.linear.scatter [tilespmem:s8], [sflag:$0x5], $0x1000, $0x38;
	[tilespmem:$0x1CE00] =	vst v63  }
0x43: {  	_ =	swait.ge [sflag:s9], $0x1000  }
0x44: {  	[sflag:s9] =	ssyncset.done $0x0  }
0x45: {  	s25 =	rddreg [dreg:$0x7];
	[sflag:s9] =	ssyncadd.s32 $0xFFFFF000  }
0x46: {  	[spmem:s25] =	stream.linear.scatter [tilespmem:s8], [sflag:$0x5], $0x1000, $0x38;
	[tilespmem:$0x1CE00] =	vst v63  }
0x47: {  	_ =	swait.ge [sflag:s9], $0x1000  }
0x48: {  	[sflag:s9] =	ssyncset.done $0x0  }
0x49: {  	s26 =	rddreg [dreg:$0x8];
	[sflag:s9] =	ssyncadd.s32 $0xFFFFF000  }
0x4a: {  	[spmem:s26] =	stream.linear.scatter [tilespmem:s8], [sflag:$0x5], $0x1000, $0x38;
	[tilespmem:$0x1CE00] =	vst v63  }
0x4b: {  	_ =	swait.ge [sflag:s9], $0x1000  }
0x4c: {  	[sflag:s9] =	ssyncset.done $0x0  }
0x4d: {  	s25 =	rddreg [dreg:$0x9];
	[sflag:s9] =	ssyncadd.s32 $0xFFFFF000  }
0x4e: {  	[spmem:s25] =	stream.linear.scatter [tilespmem:s8], [sflag:$0x5], $0x1000, $0x38;
	[tilespmem:$0x1CE00] =	vst v63  }
0x4f: {  	_ =	swait.ge [sflag:s9], $0x1000  }
0x50: {  	[sflag:s9] =	ssyncset.done $0x0  }
0x51: {  	s26 =	rddreg [dreg:$0xa];
	[sflag:s9] =	ssyncadd.s32 $0xFFFFF000  }
0x52: {  	[spmem:s26] =	stream.linear.scatter [tilespmem:s8], [sflag:$0x5], $0x1000, $0x38;
	[tilespmem:$0x1CE00] =	vst v63  }
0x53: {  	_ =	swait.ge [sflag:s9], $0x1000  }
0x54: {  	[sflag:s9] =	ssyncset.done $0x0  }
0x55: {  	s25 =	rddreg [dreg:$0xb];
	[sflag:s9] =	ssyncadd.s32 $0xFFFFF000  }
0x56: {  	[spmem:s25] =	stream.linear.scatter [tilespmem:s8], [sflag:$0x5], $0x1000, $0x38;
	[tilespmem:$0x1CE00] =	vst v63  }
0x57: {  	_ =	swait.ge [sflag:s9], $0x1000  }
0x58: {  	[sflag:s9] =	ssyncset.done $0x0  }
0x59: {  	s26 =	rddreg [dreg:$0x11];
	[sflag:s9] =	ssyncadd.s32 $0xFFFFF000  }
0x5a: {  	[spmem:s26] =	stream.linear.scatter [tilespmem:s8], [sflag:$0x5], $0x1000, $0x38;
	[tilespmem:$0x1CE00] =	vst v63  }
0x5b: {  	_ =	swait.ge [sflag:s9], $0x1000  }
0x5c: {  	[sflag:s9] =	ssyncset.done $0x0  }
0x5d: {  	s25 =	rddreg [dreg:$0x13];
	[sflag:s9] =	ssyncadd.s32 $0xFFFFF000  }
0x5e: {  	[spmem:s25] =	stream.linear.scatter [tilespmem:s8], [sflag:$0x5], $0x1000, $0x38;
	[tilespmem:$0x1CE00] =	vst v63  }
0x5f: {  	_ =	swait.ge [sflag:s9], $0x1000  }
0x60: {  	[sflag:s9] =	ssyncset.done $0x0  }
0x61: {  	[sflag:s9] =	ssyncadd.s32 $0xFFFFF000  }
0x62: {  	[spmem:s28] =	stream.linear.scatter [tilespmem:s8], [sflag:$0x5], $0x1000, $0x38;
	[tilespmem:$0x1CE00] =	vst v63  }
0x63: {  	_ =	swait.ge [sflag:s9], $0x1000  }
0x64: {  	[sflag:s9] =	ssyncset.done $0x0  }
0x65: {  	[sflag:s9] =	ssyncadd.s32 $0xFFFFF000  }
0x66: {  	[spmem:s29] =	stream.linear.scatter [tilespmem:s8], [sflag:$0x5], $0x1000, $0x38;
	[tilespmem:$0x1CE00] =	vst v63  }
0x67: {  	_ =	swait.ge [sflag:s9], $0x1000  }
0x68: {  	[sflag:s9] =	ssyncset.done $0x0  }
0x69: {  	[sflag:s9] =	ssyncadd.s32 $0xFFFFF000  }
0x6a: {  	[spmem:s30] =	stream.linear.scatter [tilespmem:s8], [sflag:$0x5], $0x1000, $0x38;
	[tilespmem:$0x1CE00] =	vst v63  }
0x6b: {  	_ =	swait.ge [sflag:s9], $0x1000  }
0x6c: {  	[sflag:s9] =	ssyncset.done $0x0  }
0x6d: {  	[sflag:s9] =	ssyncadd.s32 $0xFFFFF000  }
0x6e: {  	[spmem:s31] =	stream.linear.scatter [tilespmem:s8], [sflag:$0x5], $0x1000, $0x38;
	[tilespmem:$0x1CE00] =	vst v63  }
0x6f: {  	_ =	swait.ge [sflag:s9], $0x1000  }
0x70: {  	[sflag:s9] =	ssyncset.done $0x0  }
0x71: {  	[sflag:s9] =	ssyncadd.s32 $0xFFFFF000  }
0x72: {  	[spmem:s0] =	stream.linear.scatter [tilespmem:s8], [sflag:$0x5], $0x1000, $0x38;
	[tilespmem:$0x1CE00] =	vst v63  }
0x73: {  	_ =	swait.ge [sflag:s9], $0x1000  }
0x74: {  	[sflag:s9] =	ssyncset.done $0x0  }
0x75: {  	[sflag:s9] =	ssyncadd.s32 $0xFFFFF000  }
0x76: {  	[spmem:s2] =	stream.linear.scatter [tilespmem:s8], [sflag:$0x5], $0x1000, $0x38;
	[tilespmem:$0x1CE00] =	vst v63  }
0x77: {  	_ =	swait.ge [sflag:s9], $0x1000  }
0x78: {  	[sflag:s9] =	ssyncset.done $0x0  }
0x79: {  	[sflag:s9] =	ssyncadd.s32 $0xFFFFF000  }
0x7a: {  	[spmem:s6] =	stream.linear.scatter [tilespmem:s8], [sflag:$0x5], $0x1000, $0x38;
	[tilespmem:$0x1CE00] =	vst v63  }
0x7b: {  	_ =	swait.ge [sflag:s9], $0x1000  }
0x7c: {  	[sflag:s9] =	ssyncset.done $0x0  }
0x7d: {  	[sflag:s9] =	ssyncadd.s32 $0xFFFFF000  }
0x7e: {  	[spmem:s7] =	stream.linear.scatter [tilespmem:s8], [sflag:$0x5], $0xC00, $0x38;
	[tilespmem:$0x1CE00] =	vst v63  }
0x7f: {  	_ =	swait.ge [sflag:s9], $0xC00  }
0x80: {  	[sflag:s9] =	ssyncset.done $0x0  }
0x81: {  	[sflag:s9] =	ssyncadd.s32 $0xFFFFF400  }
0x82: {  	[bflag:$0x0] =	sbarrier.arrive $0xFFFF  }
0x83: {  	s24 =	simm.s32 $0x0;
	s25 =	rddreg [dreg:$0xc]  }
0x84: {  	[tilespmem:s24], [sflag:$0x1] =	stream.linear.gather [hbm4b:s25+s24], $0x80, $0x38;
	[tilespmem:$0x1CE00] =	vst v63  }
0x85: {  	s26 =	rddreg [dreg:$0xd]  }
0x86: {  	[tilespmem:s10], [sflag:$0x1] =	stream.linear.gather [hbm4b:s26+s24], $0x80, $0x38;
	[tilespmem:$0x1CE00] =	vst v63  }
0x87: {  	_ =	swait.ge [sflag:s11], $0x80  }
0x88: {  	[sflag:s11] =	ssyncset.done $0x0  }
0x89: {  	[sflag:s11] =	ssyncadd.s32 $0xFFFFFF80  }
0x8a: {  	_ =	swait.ge [sflag:s11], $0x80  }
0x8b: {  	[sflag:s11] =	ssyncset.done $0x0  }
0x8c: {  	[sflag:s11] =	ssyncadd.s32 $0xFFFFFF80  }
0x8d: {  	[tilespmem:s12], [sflag:$0x3] =	stream.indirect.gather [hbm4b:s4+s10], $0x80, s24, s10, $0xb8;
	[tilespmem:$0x1CE00] =	vst v63  }
0x8e: {  	s26 =	rddreg [dreg:$0xe]  }
0x8f: {  	[tilespmem:s13], [sflag:$0x2] =	stream.linear.gather [hbm4b:s26+s24], $0x80, $0x38;
	[tilespmem:$0x1CE00] =	vst v63  }
0x90: {  	s26 =	rddreg [dreg:$0xf]  }
0x91: {  	[tilespmem:s14], [sflag:$0x2] =	stream.linear.gather [hbm4b:s26+s24], $0x80, $0x38;
	[tilespmem:$0x1CE00] =	vst v63  }
0x92: {  	_ =	swait.ge [sflag:s15], $0x80  }
0x93: {  	[sflag:s15] =	ssyncset.done $0x0  }
0x94: {  	[sflag:s15] =	ssyncadd.s32 $0xFFFFFF80  }
0x95: {  	_ =	swait.ge [sflag:s15], $0x80  }
0x96: {  	[sflag:s15] =	ssyncset.done $0x0  }
0x97: {  	[sflag:s15] =	ssyncadd.s32 $0xFFFFFF80  }
0x98: {  	[tilespmem:s16], [sflag:$0x4] =	stream.indirect.gather [hbm4b:s4+s10], $0x80, s13, s10, $0xb8;
	[tilespmem:$0x1CE00] =	vst v63  }
0x99: {  	_ =	swait.ge [sflag:s17], $0x4000  }
0x9a: {  	[sflag:s17] =	ssyncset.done $0x0  }
0x9b: {  	[sflag:s17] =	ssyncadd.s32 $0xFFFFC000  }
0x9c: {  	[spmem:s1] =	stream.indirect.scatter.add.f32 [tilespmem:s12], [sflag:$0x5], $0x80, s10, s10, $0xb8;
	[tilespmem:$0x1CE00] =	vst v63  }
0x9d: {  	_ =	swait.ge [sflag:s9], $0x4000  }
0x9e: {  	[sflag:s9] =	ssyncset.done $0x0  }
0x9f: {  	s26 =	sadd.s32 $0x0, s23;
	[sflag:s9] =	ssyncadd.s32 $0xFFFFC000  }
0xa0: {  	[tilespmem:s3], [sflag:$0x1] =	stream.linear.gather [hbm4b:s26+s3], $0x80, $0x38;
	[tilespmem:$0x1CE00] =	vst v63  }
0xa1: {  	s25 =	sadd.s32 $0x0, s22  }
0xa2: {  	[tilespmem:s10], [sflag:$0x1] =	stream.linear.gather [hbm4b:s25+s3], $0x80, $0x38;
	[tilespmem:$0x1CE00] =	vst v63  }
0xa3: {  	_ =	swait.ge [sflag:s18], $0x4000  }
0xa4: {  	[sflag:s18] =	ssyncset.done $0x0  }
0xa5: {  	[sflag:s18] =	ssyncadd.s32 $0xFFFFC000  }
0xa6: {  	_ =	swait.ge [sflag:s11], $0x80  }
0xa7: {  	[sflag:s11] =	ssyncset.done $0x0  }
0xa8: {  	[sflag:s11] =	ssyncadd.s32 $0xFFFFFF80  }
0xa9: {  	_ =	swait.ge [sflag:s11], $0x80  }
0xaa: {  	[sflag:s11] =	ssyncset.done $0x0  }
0xab: {  	[sflag:s11] =	ssyncadd.s32 $0xFFFFFF80  }
0xac: {  	[tilespmem:s12], [sflag:$0x3] =	stream.indirect.gather [hbm4b:s4+s10], $0x80, s3, s10, $0xb8;
	[tilespmem:$0x1CE00] =	vst v63  }
0xad: {  	_ = 	snop  }
0xae: {  	[spmem:s1] =	stream.indirect.scatter.add.f32 [tilespmem:s16], [sflag:$0x5], $0x80, s14, s10, $0xb8;
	[tilespmem:$0x1CE00] =	vst v63  }
0xaf: {  	_ =	swait.ge [sflag:s9], $0x4000  }
0xb0: {  	s24 =	simm.s32 $0x20;
	[sflag:s9] =	ssyncset.done $0x0  }
0xb1: {  	s26 =	sadd.s32 $0x0, s21;
	s25 =	sadd.s32 $0x0, s20;
	[sflag:s9] =	ssyncadd.s32 $0xFFFFC000  }
0xb2: {  	[tilespmem:s13], [sflag:$0x2] =	stream.linear.gather [hbm4b:s26+s3], $0x80, $0x38;
	[tilespmem:$0x1CE00] =	vst v63  }
.LBB2_4:
0xb3: {  	[tilespmem:s14], [sflag:$0x2] =	stream.linear.gather [hbm4b:s25+s3], $0x80, $0x38;
	[tilespmem:$0x1CE00] =	vst v63  }
0xb4: {  	s25 =	smov.u32 s24  }
0xb5: {  	p0 =	sne.s32 s24, $0x4C0;
	s24 =	sadd.s32 $0x20, s24;
	_ =	swait.ge [sflag:s15], $0x80  }
0xb6: {  	[sflag:s15] =	ssyncset.done $0x0  }
0xb7: {  	[sflag:s15] =	ssyncadd.s32 $0xFFFFFF80  }
0xb8: {  	_ =	swait.ge [sflag:s15], $0x80  }
0xb9: {  	[sflag:s15] =	ssyncset.done $0x0  }
0xba: {  	[sflag:s15] =	ssyncadd.s32 $0xFFFFFF80  }
0xbb: {  	[tilespmem:s16], [sflag:$0x4] =	stream.indirect.gather [hbm4b:s4+s10], $0x80, s13, s10, $0xb8;
	[tilespmem:$0x1CE00] =	vst v63  }
0xbc: {  	_ =	swait.ge [sflag:s17], $0x4000  }
0xbd: {  	[sflag:s17] =	ssyncset.done $0x0  }
0xbe: {  	[sflag:s17] =	ssyncadd.s32 $0xFFFFC000  }
0xbf: {  	[spmem:s1] =	stream.indirect.scatter.add.f32 [tilespmem:s12], [sflag:$0x5], $0x80, s10, s10, $0xb8;
	[tilespmem:$0x1CE00] =	vst v63  }
0xc0: {  	_ =	swait.ge [sflag:s9], $0x4000  }
0xc1: {  	[sflag:s9] =	ssyncset.done $0x0  }
0xc2: {  	s26 =	sadd.s32 s25, s23;
	[sflag:s9] =	ssyncadd.s32 $0xFFFFC000  }
0xc3: {  	[tilespmem:s3], [sflag:$0x1] =	stream.linear.gather [hbm4b:s26+s3], $0x80, $0x38;
	[tilespmem:$0x1CE00] =	vst v63  }
0xc4: {  	s26 =	sadd.s32 s25, s22  }
0xc5: {  	[tilespmem:s10], [sflag:$0x1] =	stream.linear.gather [hbm4b:s26+s3], $0x80, $0x38;
	[tilespmem:$0x1CE00] =	vst v63  }
0xc6: {  	_ =	swait.ge [sflag:s18], $0x4000  }
0xc7: {  	[sflag:s18] =	ssyncset.done $0x0  }
0xc8: {  	[sflag:s18] =	ssyncadd.s32 $0xFFFFC000  }
0xc9: {  	_ =	swait.ge [sflag:s11], $0x80  }
0xca: {  	[sflag:s11] =	ssyncset.done $0x0  }
0xcb: {  	[sflag:s11] =	ssyncadd.s32 $0xFFFFFF80  }
0xcc: {  	_ =	swait.ge [sflag:s11], $0x80  }
0xcd: {  	[sflag:s11] =	ssyncset.done $0x0  }
0xce: {  	[sflag:s11] =	ssyncadd.s32 $0xFFFFFF80  }
0xcf: {  	[tilespmem:s12], [sflag:$0x3] =	stream.indirect.gather [hbm4b:s4+s10], $0x80, s3, s10, $0xb8;
	[tilespmem:$0x1CE00] =	vst v63  }
0xd0: {  	_ = 	snop  }
0xd1: {  	[spmem:s1] =	stream.indirect.scatter.add.f32 [tilespmem:s16], [sflag:$0x5], $0x80, s14, s10, $0xb8;
	[tilespmem:$0x1CE00] =	vst v63  }
.Ltmp1:
0xd2: {  	_ =	swait.ge [sflag:s9], $0x4000;
	(pc) =	sbr.rel @p0 .LBB2_4-.Ltmp1, $4  }
0xd3: {  	[sflag:s9] =	ssyncset.done $0x0  }
0xd4: {  	s26 =	sadd.s32 s25, s21;
	[sflag:s9] =	ssyncadd.s32 $0xFFFFC000  }
0xd5: {  	[tilespmem:s13], [sflag:$0x2] =	stream.linear.gather [hbm4b:s26+s3], $0x80, $0x38;
	[tilespmem:$0x1CE00] =	vst v63  }
0xd6: {  	s25 =	sadd.s32 s25, s20  }
0xd7: {  	[tilespmem:s14], [sflag:$0x2] =	stream.linear.gather [hbm4b:s25+s3], $0x80, $0x38;
	[tilespmem:$0x1CE00] =	vst v63  }
0xd8: {  	_ =	swait.ge [sflag:s15], $0x80  }
0xd9: {  	[sflag:s15] =	ssyncset.done $0x0  }
0xda: {  	[sflag:s15] =	ssyncadd.s32 $0xFFFFFF80  }
0xdb: {  	_ =	swait.ge [sflag:s15], $0x80  }
0xdc: {  	[sflag:s15] =	ssyncset.done $0x0  }
0xdd: {  	[sflag:s15] =	ssyncadd.s32 $0xFFFFFF80  }
0xde: {  	[tilespmem:s16], [sflag:$0x4] =	stream.indirect.gather [hbm4b:s4+s10], $0x80, s13, s10, $0xb8;
	[tilespmem:$0x1CE00] =	vst v63  }
0xdf: {  	_ =	swait.ge [sflag:s17], $0x4000  }
0xe0: {  	[sflag:s17] =	ssyncset.done $0x0  }
0xe1: {  	[sflag:s17] =	ssyncadd.s32 $0xFFFFC000  }
0xe2: {  	[spmem:s1] =	stream.indirect.scatter.add.f32 [tilespmem:s12], [sflag:$0x5], $0x80, s10, s10, $0xb8;
	[tilespmem:$0x1CE00] =	vst v63  }
0xe3: {  	_ =	swait.ge [sflag:s9], $0x4000  }
0xe4: {  	[sflag:s9] =	ssyncset.done $0x0  }
0xe5: {  	[sflag:s9] =	ssyncadd.s32 $0xFFFFC000  }
0xe6: {  	_ =	swait.ge [sflag:s18], $0x4000  }
0xe7: {  	[sflag:s18] =	ssyncset.done $0x0  }
0xe8: {  	[sflag:s18] =	ssyncadd.s32 $0xFFFFC000  }
0xe9: {  	[spmem:s1] =	stream.indirect.scatter.add.f32 [tilespmem:s16], [sflag:$0x5], $0x80, s14, s10, $0xb8;
	[tilespmem:$0x1CE00] =	vst v63  }
0xea: {  	_ =	swait.ge [sflag:s9], $0x4000  }
0xeb: {  	[sflag:s9] =	ssyncset.done $0x0  }
0xec: {  	s24 =	stileid.u32;
	[sflag:s9] =	ssyncadd.s32 $0xFFFFC000  }
0xed: {  	s24 =	sshll.u32 s24, $0x6;
	[bflag:$0x0] =	sbarrier.arrive $0xFFFF  }
0xee: {  	s25 =	sshrl.u32 s5, $0x3;
	s24 =	sor.u32 $0x1C05, s24;
	s26 =	rddreg [dreg:$0x10]  }
0xef: {  	[hbm:s26], [sflag:s24] =	dma.local [spmem:s25], $0x2780  }
0xf0: {  	_ =	swait.ge [sflag:s9], $0x2780  }
0xf1: {  	s19 =	sadd.s32 $0x1, s19;
	s26 =	rddreg [dreg:$0x12]  }
0xf2: {  	p0 =	sne.s32 s19, s26  }
.Ltmp2:
0xf3: {  	_ = 	snop;
	(pc) =	sbr.rel @p0 .LBB2_1-.Ltmp2, $3  }
0xf4: {  	_ =	sdelay $0x1  }
0xf5: {  	[sflag:s9] =	ssyncset.done $0x0  }
0xf6: {  	[sflag:s9] =	ssyncadd.s32 $0xFFFFD880  }
0xf7: {  	_ =	sfence.sel $0x180000  }
0xf8: {  	[bflag:$0x0] =	sbarrier.arrive $0xFFFF  }
0xf9: {  	_ =	strace $0x9000004A  }
0xfa: {  	s0 =	stileid.u32;
	[bflag:$0x2] =	sbarrier.arrive $0xFFFF  }
0xfb: {  	p0 =	sne.s32 s0, $0x0;
	s0 =	rddreg [dreg:$0x2]  }
0xfc: {  	s0 =	sadd.s32 @!p0 $0x100000, s0  }
0xfd: {  	[sflag:s0] =	ssyncadd.tile.s32 @!p0 $0x1;
	_ =	shalt  }
.Lfunc_end2:
_tile_overlayer_lowered:
.L_overlay_start_2:
0xfe: {  	(tag) =	ssettag $0x2  }
0xff: {  	s0 =	rddreg [dreg:$0x0];
	s2 =	stileid.u32  }
0x100: {  	s1 =	rddreg [dreg:$0x1];
	p0 =	sne.s32 s2, $0x0  }
0x101: {  	s3 =	rddreg [dreg:$0x2];
	[bflag:$0x3] =	sbarrier.arrive $0xFFFF;
	s2 =	simm.s32 @!p0 $0x1C05  }
0x102: {  	[timem:s3], [sflag:s2] =	dma.local @!p0 [hbm:s0], s1  }
0x103: {  	s0 =	simm.s32 @!p0 $0x5  }
0x104: {  	_ =	swait.ge @!p0 [sflag:s0], s1  }
0x105: {  	s1 =	ssub.s32 @!p0 $0x0, s1;
	[sflag:s0] =	ssyncset.done @!p0 $0x0  }
0x106: {  	[sflag:s0] =	ssyncadd.s32 @!p0 s1  }
0x107: {  	[bflag:$0x3] =	sbarrier.arrive $0xFFFF  }
0x108: {  	_ =	shalt  }

// kernel: kernel.14.cloned.1.call-start
scs
__scs_entry_jumppad:
0x0: {  	(pc) =	sbr.rel $0x88, $3  }
0x1: {  	(tag) =	ssettag $0x0;
	lr =	simm.s32 $0x1  }
0x2: {  	[smem:$0x3F93] =	sst lr;
	_ =	strace $0xD0000000  }
0x3: {  	_ = 	snop  }
0x4: {  	_ = 	snop  }
0x5: {  	_ = 	snop  }
0x6: {  	_ = 	snop  }
0x7: {  	_ = 	snop  }
__scs_overlays_trampoline_lowered:
0x8: {  	[smem:$0x3FA2] =	sst s0  }
0x9: {  	[smem:$0x3FA3] =	sst s1  }
0xa: {  	[smem:$0x3FA4] =	sst s2  }
0xb: {  	[smem:$0x3FA5] =	sst s3  }
0xc: {  	[smem:$0x3FA6] =	sst s4  }
0xd: {  	[smem:$0x3FA7] =	sst s5  }
0xe: {  	[smem:$0x3FA8] =	sst s6  }
0xf: {  	[smem:$0x3FA9] =	sst s7  }
0x10: {  	[smem:$0x3FAA] =	sst s8  }
0x11: {  	[smem:$0x3FAB] =	sst s9;
	s0 =	simm.s32 @!p0 $0x0  }
0x12: {  	s1 =	sld [smem:$0x3F91];
	s0 =	simm.s32 @p0 $0x1  }
0x13: {  	[smem:$0x3FAC] =	sst s0;
	s0 =	simm.s32 @!p1 $0x0  }
0x14: {  	s2 =	sld [smem:$0x3F90];
	s0 =	simm.s32 @p1 $0x1  }
0x15: {  	[smem:$0x3FAD] =	sst s0;
	s0 =	simm.s32 @!p2 $0x0  }
0x16: {  	s3 =	sld [smem:$0x3FDB];
	s0 =	simm.s32 @p2 $0x1  }
0x17: {  	s4 =	simm.s32 $0x1BF5;
	[smem:$0x3FAF] =	sst s0  }
0x18: {  	s0 =	sld [smem:$0x3F92];
	_ =	swait.ge [sflag:s4], $0x0  }
0x19: {  	s7 =	sld [smem:$0x3F93]  }
0x1a: {  	s8 =	sadd.s32 $0xFFFFE003, lr  }
0x1b: {  	s9 =	sadd.s32 $0xFFFFFEF7, lr;
	s5 =	simm.s32 $0xFFFFFFFF;
	p2 =	slt.u32 s8, $0xFFFFF086  }
0x1c: {  	p1 =	slt.u32 s9, $0xF7A;
	s5 =	simm.s32 @!p2 $0x0  }
0x1d: {  	s5 =	simm.s32 @p1 $0x1;
	p0 =	seq.s32 s7, s2  }
0x1e: {  	s7 =	smul.u32 @!p0 $0xF7A, s2;
	p2 =	seq.s32 @!p0 s5, $0x0  }
0x1f: {  	s9 =	smul.u32 $0xF7A, s1;
	s8 =	simm.s32 @!p0 $0x1BF5;
	p2 =	por !p2, p0  }
0x20: {  	[sflag:s8] =	ssyncset.s32 @!p0 $0xFFFFF086;
	s6 =	sadd.s32 @!p0 s3, s7;
	s7 =	simm.s32 @!p0 $0x108  }
0x21: {  	s3 =	sadd.s32 s3, s9;
	s6 =	sadd.s32 @!p0 $0x88, s6;
	s7 =	simm.s32 @p2 $0x1082  }
0x22: {  	[simem:s7], [sflag:s8] =	dma.local @!p0 [hbm:s6], $0xF7A  }
0x23: {  	s9 =	sor.u32 $0xD0000000, s2;
	s6 =	simm.s32 $0x108;
	_ =	swait.ge @!p0 [sflag:s8], $0x0  }
0x24: {  	s3 =	sadd.s32 $0x88, s3;
	s6 =	simm.s32 @!p1 $0x1082;
	[sflag:s4] =	ssyncset.s32 $0xFFFFF086  }
0x25: {  	[simem:s6], [sflag:s4] =	dma.local [hbm:s3], $0xF7A  }
0x26: {  	[smem:$0x3F93] =	sst s1;
	(tag) =	ssettag s2;
	_ =	strace s9  }
0x27: {  	s1 =	sld [smem:$0x3FA3]  }
0x28: {  	s2 =	sld [smem:$0x3FA4]  }
0x29: {  	s4 =	sld [smem:$0x3FA6]  }
0x2a: {  	p0 =	seq.s32 s5, $0x0;
	s5 =	sld [smem:$0x3FA7]  }
0x2b: {  	s6 =	sld [smem:$0x3FA8]  }
0x2c: {  	s7 =	sld [smem:$0x3FA9]  }
0x2d: {  	s3 =	simm.s32 $0x108;
	s8 =	sld [smem:$0x3FAA]  }
0x2e: {  	s3 =	simm.s32 @!p0 $0x1082;
	s9 =	sld [smem:$0x3FAB]  }
0x2f: {  	lr =	sadd.s32 s0, s3;
	s0 =	sld [smem:$0x3FA2]  }
0x30: {  	s3 =	sld [smem:$0x3FA5]  }
0x31: {  	[smem:$0x3FAE] =	sst s10  }
0x32: {  	s10 =	sld [smem:$0x3FAC];
	_ =	sdelay $0x3  }
0x33: {  	p0 =	seq.s32 s10, $0x1;
	s10 =	sld [smem:$0x3FAE];
	_ =	sdelay $0x3  }
0x34: {  	[smem:$0x3FAE] =	sst s10  }
0x35: {  	s10 =	sld [smem:$0x3FAD];
	_ =	sdelay $0x3  }
0x36: {  	p1 =	seq.s32 s10, $0x1;
	s10 =	sld [smem:$0x3FAE];
	_ =	sdelay $0x3  }
0x37: {  	[smem:$0x3FAE] =	sst s10  }
0x38: {  	s10 =	sld [smem:$0x3FAF]  }
0x39: {  	_ = 	snop;
	(pc) =	sbr.ind lr, $3  }
0x3a: {  	_ = 	snop  }
0x3b: {  	_ = 	snop  }
0x3c: {  	p2 =	seq.s32 s10, $0x1;
	s10 =	sld [smem:$0x3FAE]  }
0x3d: {  	_ =	shalt  }
0x3e: {  	_ =	shalt  }
0x3f: {  	_ =	shalt  }
0x40: {  	_ =	shalt  }
0x41: {  	_ =	shalt  }
0x42: {  	_ =	shalt  }
0x43: {  	_ =	shalt  }
0x44: {  	_ =	shalt  }
0x45: {  	_ =	shalt  }
0x46: {  	_ =	shalt  }
0x47: {  	_ =	shalt  }
0x48: {  	_ =	shalt  }
0x49: {  	_ =	shalt  }
0x4a: {  	_ =	shalt  }
0x4b: {  	_ =	shalt  }
0x4c: {  	_ =	shalt  }
0x4d: {  	_ =	shalt  }
0x4e: {  	_ =	shalt  }
0x4f: {  	_ =	shalt  }
0x50: {  	_ =	shalt  }
0x51: {  	_ =	shalt  }
0x52: {  	_ =	shalt  }
0x53: {  	_ =	shalt  }
0x54: {  	_ =	shalt  }
0x55: {  	_ =	shalt  }
0x56: {  	_ =	shalt  }
0x57: {  	_ =	shalt  }
0x58: {  	_ =	shalt  }
0x59: {  	_ =	shalt  }
0x5a: {  	_ =	shalt  }
0x5b: {  	_ =	shalt  }
0x5c: {  	_ =	shalt  }
0x5d: {  	_ =	shalt  }
0x5e: {  	_ =	shalt  }
0x5f: {  	_ =	shalt  }
0x60: {  	_ =	shalt  }
0x61: {  	_ =	shalt  }
0x62: {  	_ =	shalt  }
0x63: {  	_ =	shalt  }
0x64: {  	_ =	shalt  }
0x65: {  	_ =	shalt  }
0x66: {  	_ =	shalt  }
0x67: {  	_ =	shalt  }
0x68: {  	_ =	shalt  }
0x69: {  	_ =	shalt  }
0x6a: {  	_ =	shalt  }
0x6b: {  	_ =	shalt  }
0x6c: {  	_ =	shalt  }
0x6d: {  	_ =	shalt  }
0x6e: {  	_ =	shalt  }
0x6f: {  	_ =	shalt  }
0x70: {  	_ =	shalt  }
0x71: {  	_ =	shalt  }
0x72: {  	_ =	shalt  }
0x73: {  	_ =	shalt  }
0x74: {  	_ =	shalt  }
0x75: {  	_ =	shalt  }
0x76: {  	_ =	shalt  }
0x77: {  	_ =	shalt  }
0x78: {  	_ =	shalt  }
0x79: {  	_ =	shalt  }
0x7a: {  	_ =	shalt  }
0x7b: {  	_ =	shalt  }
0x7c: {  	_ =	shalt  }
0x7d: {  	_ =	shalt  }
0x7e: {  	_ =	shalt  }
0x7f: {  	_ =	shalt  }
0x80: {  	_ =	shalt  }
0x81: {  	_ =	shalt  }
0x82: {  	_ =	shalt  }
0x83: {  	_ =	shalt  }
0x84: {  	_ =	shalt  }
0x85: {  	_ =	shalt  }
0x86: {  	_ =	shalt  }
0x87: {  	_ =	shalt  }
.Lfunc_end0:
.L_simem_size_0:
called_computation.2_lowered:
.L_overlay_start_0:
0x88: {  	s2 =	sld [smem:$0x3FD9]  }
0x89: {  	s3 =	sld [smem:$0x3FFE];
	_ =	sdelay $0x1  }
0x8a: {  	s1 =	srdreg.scid  }
0x8b: {  	s0 =	sand.u32 $0x1, s1  }
0x8c: {  	s16 =	sshll.u32 s0, $0xA;
	s2 =	sadd.s32 s3, s2  }
0x8d: {  	s2 =	sadd.s32 s2, s16  }
0x8e: {  	[smem:$0x3FBA] =	sst s2  }
0x8f: {  	_ = 	snop  }
0x90: {  	(tm) =	ssettm $0x1  }
0x91: {  	s17 =	sld [smem:$0x3FFB];
	_ =	sdelay $0x3  }
0x92: {  	_ =	strace s17  }
0x93: {  	s2 =	sld [smem:$0x3FFC];
	_ =	sdelay $0x3  }
0x94: {  	_ =	strace s2  }
0x95: {  	s2 =	sld [smem:$0x3FFD];
	_ =	sdelay $0x3  }
0x96: {  	_ =	strace s2  }
0x97: {  	_ =	strace $0x8FFFFFFF  }
0x98: {  	s18 =	sld [smem:$0x3FDB];
	_ =	sdelay $0x1  }
0x99: {  	s19 =	simm.s32 $_scs_section_size  }
0x9a: {  	s4 =	simm.s32 $_size__tile_overlayer_lowered;
	s5 =	simm.s32 $_tile_overlayer_lowered  }
0x9b: {  	s22 =	simm.s32 $0x1BFF;
	s21 =	sshll.u32 s5, $0x1;
	s2 =	sadd.s32 s19, s18  }
0x9c: {  	s6 =	simm.s32 $0x0;
	s20 =	sshll.u32 s4, $0x1;
	s4 =	sadd.s32 s21, s2  }
0x9d: {  	[timem:s6], [sflag:s22] =	dma.local [hbm:s4], s20  }
0x9e: {  	_ =	swait.ge [sflag:s22], s20  }
0x9f: {  	s3 =	ssub.s32 $0x0, s20;
	[sflag:s22] =	ssyncset.done $0x0  }
0xa0: {  	[sflag:s22] =	ssyncadd.s32 s3;
	_ =	sdelay $0x1  }
0xa1: {  	s23 =	simm.s32 $0x1B8B  }
0xa2: {  	_ =	swait.ge [sflag:s23], $0x1  }
0xa3: {  	[sflag:s23] =	ssyncset.done $0x0  }
0xa4: {  	s25 =	simm.s32 $0x1B8E;
	s24 =	sld [smem:$0x3FFE];
	[sflag:s23] =	ssyncadd.s32 $0xFFFFFFFF  }
0xa5: {  	s26 =	simm.s32 $execute0_lowered;
	[smem:$0x3FD2] =	sst s25  }
0xa6: {  	s4 =	sshll.u32 s26, $0x1;
	_ =	strace $0x8000004C;
	[dreg:$0x1] =	wrdreg $0xFFFFFFFF  }
0xa7: {  	s28 =	simm.s32 $_size_execute0_lowered;
	s2 =	sadd.s32 s2, s4;
	[dreg:$0x0] =	wrdreg $0x0  }
0xa8: {  	s4 =	sshll.u32 s28, $0x1;
	[dreg:$0x2] =	wrdreg s2  }
0xa9: {  	[dreg:$0x3] =	wrdreg s4  }
0xaa: {  	[dreg:$0x4] =	wrdreg $0xC0  }
0xab: {  	_ =	task [dreg:s6], $0x5FFFF  }
0xac: {  	[dreg:$0x1] =	wrdreg $0xFFFFFFFF  }
0xad: {  	[dreg:$0x0] =	wrdreg $0x60  }
0xae: {  	[dreg:$0x2] =	wrdreg s24  }
0xaf: {  	[dreg:$0x3] =	wrdreg $0x92000  }
0xb0: {  	[dreg:$0x4] =	wrdreg $0x9  }
0xb1: {  	_ =	task.clear_ibuf [dreg:s6], $0x5FFFF;
	_ =	strace $0x9000004C  }
0xb2: {  	s29 =	simm.s32 $0x9;
	_ =	strace $0x8000004E  }
0xb3: {  	_ =	swait.ge [sflag:s29], $0x1  }
0xb4: {  	[sflag:s29] =	ssyncadd.s32 $0xFFFFFFFF  }
0xb5: {  	_ =	strace $0x9000004E  }
0xb6: {  	_ =	sfence  }
0xb7: {  	s30 =	sld [smem:$0x0];
	_ =	sdelay $0x2  }
0xb8: {  	s31 =	sshll.u32 s1, $0xD;
	s1 =	sshrl.u32 s1, $0x2  }
0xb9: {  	s3 =	sand.u32 $0x4000, s31;
	s1 =	sadd.s32 s1, s30  }
0xba: {  	s0 =	sor.u32 s3, s0;
	s1 =	sshll.u32 s1, $0x11  }
0xbb: {  	s0 =	sor.u32 s1, s0  }
0xbc: {  	s0 =	sadd.s32 $0x8F2B, s0  }
0xbd: {  	[sflag:s0] =	ssyncadd.remote.s32 $0x1  }
0xbe: {  	_ =	sfence.sel $0xFFFF  }
0xbf: {  	[dreg:$0x0] =	wrdreg $0xFFFFFFFF;
	(pc) =	sbr.abs _section_cstart, $3  }
0xc0: {  	[dreg:$0x1] =	wrdreg $0xFFFFFFFF  }
0xc1: {  	_ =	task.clear_ibuf [dreg:s6], $0x2FFFF;
	_ =	strace $0x9FFFFFFF  }
0xc2: {  	(tm) =	ssettm $0x7FFFFFFF  }
0xc3: {  	_ =	shalt  }
tec
execute0_lowered:
.L_overlay_start_1:
0x0: {  	(tag) =	ssettag $0x1  }
0x1: {  	s0 =	rddreg [dreg:$0x0]  }
0x2: {  	s1 =	rddreg [dreg:$0x1]  }
0x3: {  	s3 =	simm.s32 $0x0;
	s12 =	stileid.u32;
	s2 =	srdreg.scid  }
0x4: {  	[smem:$0x7FF] =	sst s3;
	s4 =	sadd.s32 $0x18E00, s0;
	s5 =	smul.u32 $0x4F000, s12  }
0x5: {  	s6 =	sadd.s32 $0x4E00, s0;
	s7 =	sadd.s32 $0xEE00, s0;
	s19 =	smul.u32 $0x2800, s12  }
0x6: {  	s2 =	sand.u32 $0x1, s2;
	s20 =	smul.u32 $0x2780, s12;
	s5 =	sshrl.u32 s5, $0x2  }
0x7: {  	_ =	strace $0x8000004D;
	s8 =	ssub.s32 $0x2, s2;
	s5 =	sadd.s32 s5, s1  }
0x8: {  	s9 =	sshll.u32 s2, $0x4;
	p0 =	seq.s32 s2, $0x1;
	s22 =	sadd.s32 $0x1000, s5  }
0x9: {  	s10 =	sshrl.u32 s8, $0x1;
	s23 =	sadd.s32 $0x2000, s5;
	[dreg:$0x3] =	wrdreg s22  }
0xa: {  	s9 =	sor.u32 s12, s9;
	s24 =	sadd.s32 $0x3000, s5;
	[dreg:$0x4] =	wrdreg s23  }
0xb: {  	s12 =	simm.s32 $0x200;
	s25 =	sadd.s32 $0x4000, s5;
	[dreg:$0x5] =	wrdreg s24  }
0xc: {  	s8 =	ssub.s32 s8, s10;
	s26 =	sadd.s32 $0x5000, s5;
	[dreg:$0x6] =	wrdreg s25  }
0xd: {  	s9 =	smul.u32 $0x2800, s9;
	s11 =	sadd.s32 $0x6000, s5;
	[dreg:$0x7] =	wrdreg s26  }
0xe: {  	s13 =	sadd.s32 $0x7000, s5;
	s14 =	sadd.s32 $0x8000, s5;
	[dreg:$0x8] =	wrdreg s11  }
0xf: {  	s15 =	sadd.s32 $0x9000, s5;
	s28 =	sadd.s32 $0xC000, s5;
	[dreg:$0x9] =	wrdreg s13  }
0x10: {  	s29 =	sadd.s32 $0xD000, s5;
	s30 =	sadd.s32 $0xE000, s5;
	[dreg:$0xa] =	wrdreg s14  }
0x11: {  	s31 =	sadd.s32 $0xF000, s5;
	[dreg:$0xb] =	wrdreg s15;
	s9 =	sshrl.u32 s9, $0x3  }
0x12: {  	s11 =	smul.u32 $0x28000, s2;
	s2 =	simm.s32 $0x68200;
	s24 =	sadd.s32 $0xA000, s5  }
0x13: {  	s25 =	smax.u32 s8, $0x1;
	s26 =	sadd.s32 $0xB000, s5;
	[dreg:$0x11] =	wrdreg s24  }
0x14: {  	s8 =	simm.s32 $0x8200;
	s13 =	simm.s32 $0x100;
	[dreg:$0x12] =	wrdreg s25  }
0x15: {  	s14 =	simm.s32 $0x180;
	s16 =	sadd.s32 s6, s9;
	[dreg:$0x13] =	wrdreg s26  }
0x16: {  	s17 =	sor.u32 $0x10, s9;
	s9 =	sadd.s32 s7, s9;
	[dreg:$0xc] =	wrdreg s16  }
0x17: {  	s15 =	simm.s32 $0x2;
	s2 =	simm.s32 @!p0 $0x40000;
	[dreg:$0xd] =	wrdreg s9  }
0x18: {  	s18 =	sadd.s32 s6, s17;
	s10 =	sadd.s32 s7, s17;
	s9 =	sadd.s32 s19, s11  }
0x19: {  	s0 =	sadd.s32 s2, s0;
	s2 =	sadd.s32 $0x11000, s5;
	s11 =	simm.s32 $0x1  }
0x1a: {  	s16 =	simm.s32 $0x4200;
	s17 =	simm.s32 $0x3;
	[dreg:$0xe] =	wrdreg s18  }
0x1b: {  	s19 =	simm.s32 $0x0;
	[dreg:$0xf] =	wrdreg s10;
	s21 =	sor.u32 $0x180, s9  }
0x1c: {  	s9 =	sor.u32 $0x100, s9;
	s0 =	sadd.s32 s0, s20;
	s10 =	simm.s32 $0x80  }
0x1d: {  	s18 =	simm.s32 $0x4;
	[dreg:$0x10] =	wrdreg s0;
	s22 =	sshrl.u32 s21, $0x3  }
0x1e: {  	s23 =	sshrl.u32 s9, $0x3;
	s0 =	sadd.s32 $0x10000, s5;
	s9 =	simm.s32 $0x5  }
0x1f: {  	s20 =	sadd.s32 s22, s7;
	s21 =	sadd.s32 s22, s6;
	s22 =	sadd.s32 s23, s7  }
0x20: {  	v0 =	vimm.f32 $0.0e+00;
	s23 =	sadd.s32 s23, s6;
	s6 =	sadd.s32 $0x12000, s5;
	s7 =	sadd.s32 $0x13000, s5  }
.LBB2_1:
0x21: {  	s24 =	simm.s32 $0x0;
	s25 =	simm.s32 $0x200  }
.LBB2_2:
0x22: {  	p0 =	sne.s32 s25, $0x3E00;
	[tilespmem:s24+$0x8270] =	vst v0  }
0x23: {  	[tilespmem:s24+$0x8200] =	vst v0  }
0x24: {  	[tilespmem:s24+$0x8210] =	vst v0  }
.Ltmp0:
0x25: {  	[tilespmem:s24+$0x8220] =	vst v0;
	(pc) =	sbr.rel @p0 .LBB2_2-.Ltmp0, $4  }
0x26: {  	[tilespmem:s24+$0x8230] =	vst v0  }
0x27: {  	[tilespmem:s24+$0x8240] =	vst v0  }
0x28: {  	[tilespmem:s24+$0x8250] =	vst v0  }
0x29: {  	[tilespmem:s24+$0x8260] =	vst v0;
	s24 =	sshra.s32 s25, $0x2;
	s25 =	sadd.s32 $0x200, s25  }
0x2a: {  	[tilespmem:s24+$0x8270] =	vst v0  }
0x2b: {  	[tilespmem:s24+$0x8200] =	vst v0  }
0x2c: {  	[tilespmem:s24+$0x8210] =	vst v0  }
0x2d: {  	[tilespmem:s24+$0x8220] =	vst v0  }
0x2e: {  	[tilespmem:s24+$0x8230] =	vst v0  }
0x2f: {  	[tilespmem:s24+$0x8240] =	vst v0  }
0x30: {  	[tilespmem:s24+$0x8250] =	vst v0  }
0x31: {  	[tilespmem:s24+$0x8260] =	vst v0  }
0x32: {  	[spmem:s5] =	stream.linear.scatter [tilespmem:s8], [sflag:$0x5], $0x1000, $0x38;
	[tilespmem:$0x1CE00] =	vst v63  }
0x33: {  	_ =	swait.ge [sflag:s9], $0x1000  }
0x34: {  	[sflag:s9] =	ssyncset.done $0x0  }
0x35: {  	s25 =	rddreg [dreg:$0x3];
	[sflag:s9] =	ssyncadd.s32 $0xFFFFF000  }
0x36: {  	[spmem:s25] =	stream.linear.scatter [tilespmem:s8], [sflag:$0x5], $0x1000, $0x38;
	[tilespmem:$0x1CE00] =	vst v63  }
0x37: {  	_ =	swait.ge [sflag:s9], $0x1000  }
0x38: {  	[sflag:s9] =	ssyncset.done $0x0  }
0x39: {  	s26 =	rddreg [dreg:$0x4];
	[sflag:s9] =	ssyncadd.s32 $0xFFFFF000  }
0x3a: {  	[spmem:s26] =	stream.linear.scatter [tilespmem:s8], [sflag:$0x5], $0x1000, $0x38;
	[tilespmem:$0x1CE00] =	vst v63  }
0x3b: {  	_ =	swait.ge [sflag:s9], $0x1000  }
0x3c: {  	[sflag:s9] =	ssyncset.done $0x0  }
0x3d: {  	s25 =	rddreg [dreg:$0x5];
	[sflag:s9] =	ssyncadd.s32 $0xFFFFF000  }
0x3e: {  	[spmem:s25] =	stream.linear.scatter [tilespmem:s8], [sflag:$0x5], $0x1000, $0x38;
	[tilespmem:$0x1CE00] =	vst v63  }
0x3f: {  	_ =	swait.ge [sflag:s9], $0x1000  }
0x40: {  	[sflag:s9] =	ssyncset.done $0x0  }
0x41: {  	s26 =	rddreg [dreg:$0x6];
	[sflag:s9] =	ssyncadd.s32 $0xFFFFF000  }
0x42: {  	[spmem:s26] =	stream.linear.scatter [tilespmem:s8], [sflag:$0x5], $0x1000, $0x38;
	[tilespmem:$0x1CE00] =	vst v63  }
0x43: {  	_ =	swait.ge [sflag:s9], $0x1000  }
0x44: {  	[sflag:s9] =	ssyncset.done $0x0  }
0x45: {  	s25 =	rddreg [dreg:$0x7];
	[sflag:s9] =	ssyncadd.s32 $0xFFFFF000  }
0x46: {  	[spmem:s25] =	stream.linear.scatter [tilespmem:s8], [sflag:$0x5], $0x1000, $0x38;
	[tilespmem:$0x1CE00] =	vst v63  }
0x47: {  	_ =	swait.ge [sflag:s9], $0x1000  }
0x48: {  	[sflag:s9] =	ssyncset.done $0x0  }
0x49: {  	s26 =	rddreg [dreg:$0x8];
	[sflag:s9] =	ssyncadd.s32 $0xFFFFF000  }
0x4a: {  	[spmem:s26] =	stream.linear.scatter [tilespmem:s8], [sflag:$0x5], $0x1000, $0x38;
	[tilespmem:$0x1CE00] =	vst v63  }
0x4b: {  	_ =	swait.ge [sflag:s9], $0x1000  }
0x4c: {  	[sflag:s9] =	ssyncset.done $0x0  }
0x4d: {  	s25 =	rddreg [dreg:$0x9];
	[sflag:s9] =	ssyncadd.s32 $0xFFFFF000  }
0x4e: {  	[spmem:s25] =	stream.linear.scatter [tilespmem:s8], [sflag:$0x5], $0x1000, $0x38;
	[tilespmem:$0x1CE00] =	vst v63  }
0x4f: {  	_ =	swait.ge [sflag:s9], $0x1000  }
0x50: {  	[sflag:s9] =	ssyncset.done $0x0  }
0x51: {  	s26 =	rddreg [dreg:$0xa];
	[sflag:s9] =	ssyncadd.s32 $0xFFFFF000  }
0x52: {  	[spmem:s26] =	stream.linear.scatter [tilespmem:s8], [sflag:$0x5], $0x1000, $0x38;
	[tilespmem:$0x1CE00] =	vst v63  }
0x53: {  	_ =	swait.ge [sflag:s9], $0x1000  }
0x54: {  	[sflag:s9] =	ssyncset.done $0x0  }
0x55: {  	s25 =	rddreg [dreg:$0xb];
	[sflag:s9] =	ssyncadd.s32 $0xFFFFF000  }
0x56: {  	[spmem:s25] =	stream.linear.scatter [tilespmem:s8], [sflag:$0x5], $0x1000, $0x38;
	[tilespmem:$0x1CE00] =	vst v63  }
0x57: {  	_ =	swait.ge [sflag:s9], $0x1000  }
0x58: {  	[sflag:s9] =	ssyncset.done $0x0  }
0x59: {  	s26 =	rddreg [dreg:$0x11];
	[sflag:s9] =	ssyncadd.s32 $0xFFFFF000  }
0x5a: {  	[spmem:s26] =	stream.linear.scatter [tilespmem:s8], [sflag:$0x5], $0x1000, $0x38;
	[tilespmem:$0x1CE00] =	vst v63  }
0x5b: {  	_ =	swait.ge [sflag:s9], $0x1000  }
0x5c: {  	[sflag:s9] =	ssyncset.done $0x0  }
0x5d: {  	s25 =	rddreg [dreg:$0x13];
	[sflag:s9] =	ssyncadd.s32 $0xFFFFF000  }
0x5e: {  	[spmem:s25] =	stream.linear.scatter [tilespmem:s8], [sflag:$0x5], $0x1000, $0x38;
	[tilespmem:$0x1CE00] =	vst v63  }
0x5f: {  	_ =	swait.ge [sflag:s9], $0x1000  }
0x60: {  	[sflag:s9] =	ssyncset.done $0x0  }
0x61: {  	[sflag:s9] =	ssyncadd.s32 $0xFFFFF000  }
0x62: {  	[spmem:s28] =	stream.linear.scatter [tilespmem:s8], [sflag:$0x5], $0x1000, $0x38;
	[tilespmem:$0x1CE00] =	vst v63  }
0x63: {  	_ =	swait.ge [sflag:s9], $0x1000  }
0x64: {  	[sflag:s9] =	ssyncset.done $0x0  }
0x65: {  	[sflag:s9] =	ssyncadd.s32 $0xFFFFF000  }
0x66: {  	[spmem:s29] =	stream.linear.scatter [tilespmem:s8], [sflag:$0x5], $0x1000, $0x38;
	[tilespmem:$0x1CE00] =	vst v63  }
0x67: {  	_ =	swait.ge [sflag:s9], $0x1000  }
0x68: {  	[sflag:s9] =	ssyncset.done $0x0  }
0x69: {  	[sflag:s9] =	ssyncadd.s32 $0xFFFFF000  }
0x6a: {  	[spmem:s30] =	stream.linear.scatter [tilespmem:s8], [sflag:$0x5], $0x1000, $0x38;
	[tilespmem:$0x1CE00] =	vst v63  }
0x6b: {  	_ =	swait.ge [sflag:s9], $0x1000  }
0x6c: {  	[sflag:s9] =	ssyncset.done $0x0  }
0x6d: {  	[sflag:s9] =	ssyncadd.s32 $0xFFFFF000  }
0x6e: {  	[spmem:s31] =	stream.linear.scatter [tilespmem:s8], [sflag:$0x5], $0x1000, $0x38;
	[tilespmem:$0x1CE00] =	vst v63  }
0x6f: {  	_ =	swait.ge [sflag:s9], $0x1000  }
0x70: {  	[sflag:s9] =	ssyncset.done $0x0  }
0x71: {  	[sflag:s9] =	ssyncadd.s32 $0xFFFFF000  }
0x72: {  	[spmem:s0] =	stream.linear.scatter [tilespmem:s8], [sflag:$0x5], $0x1000, $0x38;
	[tilespmem:$0x1CE00] =	vst v63  }
0x73: {  	_ =	swait.ge [sflag:s9], $0x1000  }
0x74: {  	[sflag:s9] =	ssyncset.done $0x0  }
0x75: {  	[sflag:s9] =	ssyncadd.s32 $0xFFFFF000  }
0x76: {  	[spmem:s2] =	stream.linear.scatter [tilespmem:s8], [sflag:$0x5], $0x1000, $0x38;
	[tilespmem:$0x1CE00] =	vst v63  }
0x77: {  	_ =	swait.ge [sflag:s9], $0x1000  }
0x78: {  	[sflag:s9] =	ssyncset.done $0x0  }
0x79: {  	[sflag:s9] =	ssyncadd.s32 $0xFFFFF000  }
0x7a: {  	[spmem:s6] =	stream.linear.scatter [tilespmem:s8], [sflag:$0x5], $0x1000, $0x38;
	[tilespmem:$0x1CE00] =	vst v63  }
0x7b: {  	_ =	swait.ge [sflag:s9], $0x1000  }
0x7c: {  	[sflag:s9] =	ssyncset.done $0x0  }
0x7d: {  	[sflag:s9] =	ssyncadd.s32 $0xFFFFF000  }
0x7e: {  	[spmem:s7] =	stream.linear.scatter [tilespmem:s8], [sflag:$0x5], $0xC00, $0x38;
	[tilespmem:$0x1CE00] =	vst v63  }
0x7f: {  	_ =	swait.ge [sflag:s9], $0xC00  }
0x80: {  	[sflag:s9] =	ssyncset.done $0x0  }
0x81: {  	[sflag:s9] =	ssyncadd.s32 $0xFFFFF400  }
0x82: {  	[bflag:$0x0] =	sbarrier.arrive $0xFFFF  }
0x83: {  	s24 =	simm.s32 $0x0;
	s25 =	rddreg [dreg:$0xc]  }
0x84: {  	[tilespmem:s24], [sflag:$0x1] =	stream.linear.gather [hbm4b:s25+s24], $0x80, $0x38;
	[tilespmem:$0x1CE00] =	vst v63  }
0x85: {  	s26 =	rddreg [dreg:$0xd]  }
0x86: {  	[tilespmem:s10], [sflag:$0x1] =	stream.linear.gather [hbm4b:s26+s24], $0x80, $0x38;
	[tilespmem:$0x1CE00] =	vst v63  }
0x87: {  	_ =	swait.ge [sflag:s11], $0x80  }
0x88: {  	[sflag:s11] =	ssyncset.done $0x0  }
0x89: {  	[sflag:s11] =	ssyncadd.s32 $0xFFFFFF80  }
0x8a: {  	_ =	swait.ge [sflag:s11], $0x80  }
0x8b: {  	[sflag:s11] =	ssyncset.done $0x0  }
0x8c: {  	[sflag:s11] =	ssyncadd.s32 $0xFFFFFF80  }
0x8d: {  	[tilespmem:s12], [sflag:$0x3] =	stream.indirect.gather [hbm4b:s4+s10], $0x80, s24, s10, $0xb8;
	[tilespmem:$0x1CE00] =	vst v63  }
0x8e: {  	s26 =	rddreg [dreg:$0xe]  }
0x8f: {  	[tilespmem:s13], [sflag:$0x2] =	stream.linear.gather [hbm4b:s26+s24], $0x80, $0x38;
	[tilespmem:$0x1CE00] =	vst v63  }
0x90: {  	s26 =	rddreg [dreg:$0xf]  }
0x91: {  	[tilespmem:s14], [sflag:$0x2] =	stream.linear.gather [hbm4b:s26+s24], $0x80, $0x38;
	[tilespmem:$0x1CE00] =	vst v63  }
0x92: {  	_ =	swait.ge [sflag:s15], $0x80  }
0x93: {  	[sflag:s15] =	ssyncset.done $0x0  }
0x94: {  	[sflag:s15] =	ssyncadd.s32 $0xFFFFFF80  }
0x95: {  	_ =	swait.ge [sflag:s15], $0x80  }
0x96: {  	[sflag:s15] =	ssyncset.done $0x0  }
0x97: {  	[sflag:s15] =	ssyncadd.s32 $0xFFFFFF80  }
0x98: {  	[tilespmem:s16], [sflag:$0x4] =	stream.indirect.gather [hbm4b:s4+s10], $0x80, s13, s10, $0xb8;
	[tilespmem:$0x1CE00] =	vst v63  }
0x99: {  	_ =	swait.ge [sflag:s17], $0x4000  }
0x9a: {  	[sflag:s17] =	ssyncset.done $0x0  }
0x9b: {  	[sflag:s17] =	ssyncadd.s32 $0xFFFFC000  }
0x9c: {  	[spmem:s1] =	stream.indirect.scatter.add.f32 [tilespmem:s12], [sflag:$0x5], $0x80, s10, s10, $0xb8;
	[tilespmem:$0x1CE00] =	vst v63  }
0x9d: {  	_ =	swait.ge [sflag:s9], $0x4000  }
0x9e: {  	[sflag:s9] =	ssyncset.done $0x0  }
0x9f: {  	s26 =	sadd.s32 $0x0, s23;
	[sflag:s9] =	ssyncadd.s32 $0xFFFFC000  }
0xa0: {  	[tilespmem:s3], [sflag:$0x1] =	stream.linear.gather [hbm4b:s26+s3], $0x80, $0x38;
	[tilespmem:$0x1CE00] =	vst v63  }
0xa1: {  	s25 =	sadd.s32 $0x0, s22  }
0xa2: {  	[tilespmem:s10], [sflag:$0x1] =	stream.linear.gather [hbm4b:s25+s3], $0x80, $0x38;
	[tilespmem:$0x1CE00] =	vst v63  }
0xa3: {  	_ =	swait.ge [sflag:s18], $0x4000  }
0xa4: {  	[sflag:s18] =	ssyncset.done $0x0  }
0xa5: {  	[sflag:s18] =	ssyncadd.s32 $0xFFFFC000  }
0xa6: {  	_ =	swait.ge [sflag:s11], $0x80  }
0xa7: {  	[sflag:s11] =	ssyncset.done $0x0  }
0xa8: {  	[sflag:s11] =	ssyncadd.s32 $0xFFFFFF80  }
0xa9: {  	_ =	swait.ge [sflag:s11], $0x80  }
0xaa: {  	[sflag:s11] =	ssyncset.done $0x0  }
0xab: {  	[sflag:s11] =	ssyncadd.s32 $0xFFFFFF80  }
0xac: {  	[tilespmem:s12], [sflag:$0x3] =	stream.indirect.gather [hbm4b:s4+s10], $0x80, s3, s10, $0xb8;
	[tilespmem:$0x1CE00] =	vst v63  }
0xad: {  	_ = 	snop  }
0xae: {  	[spmem:s1] =	stream.indirect.scatter.add.f32 [tilespmem:s16], [sflag:$0x5], $0x80, s14, s10, $0xb8;
	[tilespmem:$0x1CE00] =	vst v63  }
0xaf: {  	_ =	swait.ge [sflag:s9], $0x4000  }
0xb0: {  	s24 =	simm.s32 $0x20;
	[sflag:s9] =	ssyncset.done $0x0  }
0xb1: {  	s26 =	sadd.s32 $0x0, s21;
	s25 =	sadd.s32 $0x0, s20;
	[sflag:s9] =	ssyncadd.s32 $0xFFFFC000  }
0xb2: {  	[tilespmem:s13], [sflag:$0x2] =	stream.linear.gather [hbm4b:s26+s3], $0x80, $0x38;
	[tilespmem:$0x1CE00] =	vst v63  }
.LBB2_4:
0xb3: {  	[tilespmem:s14], [sflag:$0x2] =	stream.linear.gather [hbm4b:s25+s3], $0x80, $0x38;
	[tilespmem:$0x1CE00] =	vst v63  }
0xb4: {  	s25 =	smov.u32 s24  }
0xb5: {  	p0 =	sne.s32 s24, $0x4C0;
	s24 =	sadd.s32 $0x20, s24;
	_ =	swait.ge [sflag:s15], $0x80  }
0xb6: {  	[sflag:s15] =	ssyncset.done $0x0  }
0xb7: {  	[sflag:s15] =	ssyncadd.s32 $0xFFFFFF80  }
0xb8: {  	_ =	swait.ge [sflag:s15], $0x80  }
0xb9: {  	[sflag:s15] =	ssyncset.done $0x0  }
0xba: {  	[sflag:s15] =	ssyncadd.s32 $0xFFFFFF80  }
0xbb: {  	[tilespmem:s16], [sflag:$0x4] =	stream.indirect.gather [hbm4b:s4+s10], $0x80, s13, s10, $0xb8;
	[tilespmem:$0x1CE00] =	vst v63  }
0xbc: {  	_ =	swait.ge [sflag:s17], $0x4000  }
0xbd: {  	[sflag:s17] =	ssyncset.done $0x0  }
0xbe: {  	[sflag:s17] =	ssyncadd.s32 $0xFFFFC000  }
0xbf: {  	[spmem:s1] =	stream.indirect.scatter.add.f32 [tilespmem:s12], [sflag:$0x5], $0x80, s10, s10, $0xb8;
	[tilespmem:$0x1CE00] =	vst v63  }
0xc0: {  	_ =	swait.ge [sflag:s9], $0x4000  }
0xc1: {  	[sflag:s9] =	ssyncset.done $0x0  }
0xc2: {  	s26 =	sadd.s32 s25, s23;
	[sflag:s9] =	ssyncadd.s32 $0xFFFFC000  }
0xc3: {  	[tilespmem:s3], [sflag:$0x1] =	stream.linear.gather [hbm4b:s26+s3], $0x80, $0x38;
	[tilespmem:$0x1CE00] =	vst v63  }
0xc4: {  	s26 =	sadd.s32 s25, s22  }
0xc5: {  	[tilespmem:s10], [sflag:$0x1] =	stream.linear.gather [hbm4b:s26+s3], $0x80, $0x38;
	[tilespmem:$0x1CE00] =	vst v63  }
0xc6: {  	_ =	swait.ge [sflag:s18], $0x4000  }
0xc7: {  	[sflag:s18] =	ssyncset.done $0x0  }
0xc8: {  	[sflag:s18] =	ssyncadd.s32 $0xFFFFC000  }
0xc9: {  	_ =	swait.ge [sflag:s11], $0x80  }
0xca: {  	[sflag:s11] =	ssyncset.done $0x0  }
0xcb: {  	[sflag:s11] =	ssyncadd.s32 $0xFFFFFF80  }
0xcc: {  	_ =	swait.ge [sflag:s11], $0x80  }
0xcd: {  	[sflag:s11] =	ssyncset.done $0x0  }
0xce: {  	[sflag:s11] =	ssyncadd.s32 $0xFFFFFF80  }
0xcf: {  	[tilespmem:s12], [sflag:$0x3] =	stream.indirect.gather [hbm4b:s4+s10], $0x80, s3, s10, $0xb8;
	[tilespmem:$0x1CE00] =	vst v63  }
0xd0: {  	_ = 	snop  }
0xd1: {  	[spmem:s1] =	stream.indirect.scatter.add.f32 [tilespmem:s16], [sflag:$0x5], $0x80, s14, s10, $0xb8;
	[tilespmem:$0x1CE00] =	vst v63  }
.Ltmp1:
0xd2: {  	_ =	swait.ge [sflag:s9], $0x4000;
	(pc) =	sbr.rel @p0 .LBB2_4-.Ltmp1, $4  }
0xd3: {  	[sflag:s9] =	ssyncset.done $0x0  }
0xd4: {  	s26 =	sadd.s32 s25, s21;
	[sflag:s9] =	ssyncadd.s32 $0xFFFFC000  }
0xd5: {  	[tilespmem:s13], [sflag:$0x2] =	stream.linear.gather [hbm4b:s26+s3], $0x80, $0x38;
	[tilespmem:$0x1CE00] =	vst v63  }
0xd6: {  	s25 =	sadd.s32 s25, s20  }
0xd7: {  	[tilespmem:s14], [sflag:$0x2] =	stream.linear.gather [hbm4b:s25+s3], $0x80, $0x38;
	[tilespmem:$0x1CE00] =	vst v63  }
0xd8: {  	_ =	swait.ge [sflag:s15], $0x80  }
0xd9: {  	[sflag:s15] =	ssyncset.done $0x0  }
0xda: {  	[sflag:s15] =	ssyncadd.s32 $0xFFFFFF80  }
0xdb: {  	_ =	swait.ge [sflag:s15], $0x80  }
0xdc: {  	[sflag:s15] =	ssyncset.done $0x0  }
0xdd: {  	[sflag:s15] =	ssyncadd.s32 $0xFFFFFF80  }
0xde: {  	[tilespmem:s16], [sflag:$0x4] =	stream.indirect.gather [hbm4b:s4+s10], $0x80, s13, s10, $0xb8;
	[tilespmem:$0x1CE00] =	vst v63  }
0xdf: {  	_ =	swait.ge [sflag:s17], $0x4000  }
0xe0: {  	[sflag:s17] =	ssyncset.done $0x0  }
0xe1: {  	[sflag:s17] =	ssyncadd.s32 $0xFFFFC000  }
0xe2: {  	[spmem:s1] =	stream.indirect.scatter.add.f32 [tilespmem:s12], [sflag:$0x5], $0x80, s10, s10, $0xb8;
	[tilespmem:$0x1CE00] =	vst v63  }
0xe3: {  	_ =	swait.ge [sflag:s9], $0x4000  }
0xe4: {  	[sflag:s9] =	ssyncset.done $0x0  }
0xe5: {  	[sflag:s9] =	ssyncadd.s32 $0xFFFFC000  }
0xe6: {  	_ =	swait.ge [sflag:s18], $0x4000  }
0xe7: {  	[sflag:s18] =	ssyncset.done $0x0  }
0xe8: {  	[sflag:s18] =	ssyncadd.s32 $0xFFFFC000  }
0xe9: {  	[spmem:s1] =	stream.indirect.scatter.add.f32 [tilespmem:s16], [sflag:$0x5], $0x80, s14, s10, $0xb8;
	[tilespmem:$0x1CE00] =	vst v63  }
0xea: {  	_ =	swait.ge [sflag:s9], $0x4000  }
0xeb: {  	[sflag:s9] =	ssyncset.done $0x0  }
0xec: {  	s24 =	stileid.u32;
	[sflag:s9] =	ssyncadd.s32 $0xFFFFC000  }
0xed: {  	s24 =	sshll.u32 s24, $0x6;
	[bflag:$0x0] =	sbarrier.arrive $0xFFFF  }
0xee: {  	s25 =	sshrl.u32 s5, $0x3;
	s24 =	sor.u32 $0x1C05, s24;
	s26 =	rddreg [dreg:$0x10]  }
0xef: {  	[hbm:s26], [sflag:s24] =	dma.local [spmem:s25], $0x2780  }
0xf0: {  	_ =	swait.ge [sflag:s9], $0x2780  }
0xf1: {  	s19 =	sadd.s32 $0x1, s19;
	s26 =	rddreg [dreg:$0x12]  }
0xf2: {  	p0 =	sne.s32 s19, s26  }
.Ltmp2:
0xf3: {  	_ = 	snop;
	(pc) =	sbr.rel @p0 .LBB2_1-.Ltmp2, $3  }
0xf4: {  	_ =	sdelay $0x1  }
0xf5: {  	[sflag:s9] =	ssyncset.done $0x0  }
0xf6: {  	[sflag:s9] =	ssyncadd.s32 $0xFFFFD880  }
0xf7: {  	_ =	sfence.sel $0x180000  }
0xf8: {  	[bflag:$0x0] =	sbarrier.arrive $0xFFFF  }
0xf9: {  	_ =	strace $0x9000004D  }
0xfa: {  	s0 =	stileid.u32;
	[bflag:$0x2] =	sbarrier.arrive $0xFFFF  }
0xfb: {  	p0 =	sne.s32 s0, $0x0;
	s0 =	rddreg [dreg:$0x2]  }
0xfc: {  	s0 =	sadd.s32 @!p0 $0x100000, s0  }
0xfd: {  	[sflag:s0] =	ssyncadd.tile.s32 @!p0 $0x1;
	_ =	shalt  }
.Lfunc_end2:
_tile_overlayer_lowered:
.L_overlay_start_2:
0xfe: {  	(tag) =	ssettag $0x2  }
0xff: {  	s0 =	rddreg [dreg:$0x0];
	s2 =	stileid.u32  }
0x100: {  	s1 =	rddreg [dreg:$0x1];
	p0 =	sne.s32 s2, $0x0  }
0x101: {  	s3 =	rddreg [dreg:$0x2];
	[bflag:$0x3] =	sbarrier.arrive $0xFFFF;
	s2 =	simm.s32 @!p0 $0x1C05  }
0x102: {  	[timem:s3], [sflag:s2] =	dma.local @!p0 [hbm:s0], s1  }
0x103: {  	s0 =	simm.s32 @!p0 $0x5  }
0x104: {  	_ =	swait.ge @!p0 [sflag:s0], s1  }
0x105: {  	s1 =	ssub.s32 @!p0 $0x0, s1;
	[sflag:s0] =	ssyncset.done @!p0 $0x0  }
0x106: {  	[sflag:s0] =	ssyncadd.s32 @!p0 s1  }
0x107: {  	[bflag:$0x3] =	sbarrier.arrive $0xFFFF  }
0x108: {  	_ =	shalt  }

// kernel: kernel.8.cloned.1.call-start
scs
__scs_entry_jumppad:
0x0: {  	(pc) =	sbr.rel $0x88, $3  }
0x1: {  	(tag) =	ssettag $0x0;
	lr =	simm.s32 $0x1  }
0x2: {  	[smem:$0x3F93] =	sst lr;
	_ =	strace $0xD0000000  }
0x3: {  	_ = 	snop  }
0x4: {  	_ = 	snop  }
0x5: {  	_ = 	snop  }
0x6: {  	_ = 	snop  }
0x7: {  	_ = 	snop  }
__scs_overlays_trampoline_lowered:
0x8: {  	[smem:$0x3FA2] =	sst s0  }
0x9: {  	[smem:$0x3FA3] =	sst s1  }
0xa: {  	[smem:$0x3FA4] =	sst s2  }
0xb: {  	[smem:$0x3FA5] =	sst s3  }
0xc: {  	[smem:$0x3FA6] =	sst s4  }
0xd: {  	[smem:$0x3FA7] =	sst s5  }
0xe: {  	[smem:$0x3FA8] =	sst s6  }
0xf: {  	[smem:$0x3FA9] =	sst s7  }
0x10: {  	[smem:$0x3FAA] =	sst s8  }
0x11: {  	[smem:$0x3FAB] =	sst s9;
	s0 =	simm.s32 @!p0 $0x0  }
0x12: {  	s1 =	sld [smem:$0x3F91];
	s0 =	simm.s32 @p0 $0x1  }
0x13: {  	[smem:$0x3FAC] =	sst s0;
	s0 =	simm.s32 @!p1 $0x0  }
0x14: {  	s2 =	sld [smem:$0x3F90];
	s0 =	simm.s32 @p1 $0x1  }
0x15: {  	[smem:$0x3FAD] =	sst s0;
	s0 =	simm.s32 @!p2 $0x0  }
0x16: {  	s3 =	sld [smem:$0x3FDB];
	s0 =	simm.s32 @p2 $0x1  }
0x17: {  	s4 =	simm.s32 $0x1BF5;
	[smem:$0x3FAF] =	sst s0  }
0x18: {  	s0 =	sld [smem:$0x3F92];
	_ =	swait.ge [sflag:s4], $0x0  }
0x19: {  	s7 =	sld [smem:$0x3F93]  }
0x1a: {  	s8 =	sadd.s32 $0xFFFFE003, lr  }
0x1b: {  	s9 =	sadd.s32 $0xFFFFFEF7, lr;
	s5 =	simm.s32 $0xFFFFFFFF;
	p2 =	slt.u32 s8, $0xFFFFF086  }
0x1c: {  	p1 =	slt.u32 s9, $0xF7A;
	s5 =	simm.s32 @!p2 $0x0  }
0x1d: {  	s5 =	simm.s32 @p1 $0x1;
	p0 =	seq.s32 s7, s2  }
0x1e: {  	s7 =	smul.u32 @!p0 $0xF7A, s2;
	p2 =	seq.s32 @!p0 s5, $0x0  }
0x1f: {  	s9 =	smul.u32 $0xF7A, s1;
	s8 =	simm.s32 @!p0 $0x1BF5;
	p2 =	por !p2, p0  }
0x20: {  	[sflag:s8] =	ssyncset.s32 @!p0 $0xFFFFF086;
	s6 =	sadd.s32 @!p0 s3, s7;
	s7 =	simm.s32 @!p0 $0x108  }
0x21: {  	s3 =	sadd.s32 s3, s9;
	s6 =	sadd.s32 @!p0 $0x88, s6;
	s7 =	simm.s32 @p2 $0x1082  }
0x22: {  	[simem:s7], [sflag:s8] =	dma.local @!p0 [hbm:s6], $0xF7A  }
0x23: {  	s9 =	sor.u32 $0xD0000000, s2;
	s6 =	simm.s32 $0x108;
	_ =	swait.ge @!p0 [sflag:s8], $0x0  }
0x24: {  	s3 =	sadd.s32 $0x88, s3;
	s6 =	simm.s32 @!p1 $0x1082;
	[sflag:s4] =	ssyncset.s32 $0xFFFFF086  }
0x25: {  	[simem:s6], [sflag:s4] =	dma.local [hbm:s3], $0xF7A  }
0x26: {  	[smem:$0x3F93] =	sst s1;
	(tag) =	ssettag s2;
	_ =	strace s9  }
0x27: {  	s1 =	sld [smem:$0x3FA3]  }
0x28: {  	s2 =	sld [smem:$0x3FA4]  }
0x29: {  	s4 =	sld [smem:$0x3FA6]  }
0x2a: {  	p0 =	seq.s32 s5, $0x0;
	s5 =	sld [smem:$0x3FA7]  }
0x2b: {  	s6 =	sld [smem:$0x3FA8]  }
0x2c: {  	s7 =	sld [smem:$0x3FA9]  }
0x2d: {  	s3 =	simm.s32 $0x108;
	s8 =	sld [smem:$0x3FAA]  }
0x2e: {  	s3 =	simm.s32 @!p0 $0x1082;
	s9 =	sld [smem:$0x3FAB]  }
0x2f: {  	lr =	sadd.s32 s0, s3;
	s0 =	sld [smem:$0x3FA2]  }
0x30: {  	s3 =	sld [smem:$0x3FA5]  }
0x31: {  	[smem:$0x3FAE] =	sst s10  }
0x32: {  	s10 =	sld [smem:$0x3FAC];
	_ =	sdelay $0x3  }
0x33: {  	p0 =	seq.s32 s10, $0x1;
	s10 =	sld [smem:$0x3FAE];
	_ =	sdelay $0x3  }
0x34: {  	[smem:$0x3FAE] =	sst s10  }
0x35: {  	s10 =	sld [smem:$0x3FAD];
	_ =	sdelay $0x3  }
0x36: {  	p1 =	seq.s32 s10, $0x1;
	s10 =	sld [smem:$0x3FAE];
	_ =	sdelay $0x3  }
0x37: {  	[smem:$0x3FAE] =	sst s10  }
0x38: {  	s10 =	sld [smem:$0x3FAF]  }
0x39: {  	_ = 	snop;
	(pc) =	sbr.ind lr, $3  }
0x3a: {  	_ = 	snop  }
0x3b: {  	_ = 	snop  }
0x3c: {  	p2 =	seq.s32 s10, $0x1;
	s10 =	sld [smem:$0x3FAE]  }
0x3d: {  	_ =	shalt  }
0x3e: {  	_ =	shalt  }
0x3f: {  	_ =	shalt  }
0x40: {  	_ =	shalt  }
0x41: {  	_ =	shalt  }
0x42: {  	_ =	shalt  }
0x43: {  	_ =	shalt  }
0x44: {  	_ =	shalt  }
0x45: {  	_ =	shalt  }
0x46: {  	_ =	shalt  }
0x47: {  	_ =	shalt  }
0x48: {  	_ =	shalt  }
0x49: {  	_ =	shalt  }
0x4a: {  	_ =	shalt  }
0x4b: {  	_ =	shalt  }
0x4c: {  	_ =	shalt  }
0x4d: {  	_ =	shalt  }
0x4e: {  	_ =	shalt  }
0x4f: {  	_ =	shalt  }
0x50: {  	_ =	shalt  }
0x51: {  	_ =	shalt  }
0x52: {  	_ =	shalt  }
0x53: {  	_ =	shalt  }
0x54: {  	_ =	shalt  }
0x55: {  	_ =	shalt  }
0x56: {  	_ =	shalt  }
0x57: {  	_ =	shalt  }
0x58: {  	_ =	shalt  }
0x59: {  	_ =	shalt  }
0x5a: {  	_ =	shalt  }
0x5b: {  	_ =	shalt  }
0x5c: {  	_ =	shalt  }
0x5d: {  	_ =	shalt  }
0x5e: {  	_ =	shalt  }
0x5f: {  	_ =	shalt  }
0x60: {  	_ =	shalt  }
0x61: {  	_ =	shalt  }
0x62: {  	_ =	shalt  }
0x63: {  	_ =	shalt  }
0x64: {  	_ =	shalt  }
0x65: {  	_ =	shalt  }
0x66: {  	_ =	shalt  }
0x67: {  	_ =	shalt  }
0x68: {  	_ =	shalt  }
0x69: {  	_ =	shalt  }
0x6a: {  	_ =	shalt  }
0x6b: {  	_ =	shalt  }
0x6c: {  	_ =	shalt  }
0x6d: {  	_ =	shalt  }
0x6e: {  	_ =	shalt  }
0x6f: {  	_ =	shalt  }
0x70: {  	_ =	shalt  }
0x71: {  	_ =	shalt  }
0x72: {  	_ =	shalt  }
0x73: {  	_ =	shalt  }
0x74: {  	_ =	shalt  }
0x75: {  	_ =	shalt  }
0x76: {  	_ =	shalt  }
0x77: {  	_ =	shalt  }
0x78: {  	_ =	shalt  }
0x79: {  	_ =	shalt  }
0x7a: {  	_ =	shalt  }
0x7b: {  	_ =	shalt  }
0x7c: {  	_ =	shalt  }
0x7d: {  	_ =	shalt  }
0x7e: {  	_ =	shalt  }
0x7f: {  	_ =	shalt  }
0x80: {  	_ =	shalt  }
0x81: {  	_ =	shalt  }
0x82: {  	_ =	shalt  }
0x83: {  	_ =	shalt  }
0x84: {  	_ =	shalt  }
0x85: {  	_ =	shalt  }
0x86: {  	_ =	shalt  }
0x87: {  	_ =	shalt  }
.Lfunc_end0:
.L_simem_size_0:
called_computation_lowered:
.L_overlay_start_0:
0x88: {  	s2 =	sld [smem:$0x3FD9]  }
0x89: {  	s3 =	sld [smem:$0x3FFE];
	_ =	sdelay $0x1  }
0x8a: {  	s1 =	srdreg.scid  }
0x8b: {  	s0 =	sand.u32 $0x1, s1  }
0x8c: {  	s17 =	sshll.u32 s0, $0xA;
	s2 =	sadd.s32 s3, s2  }
0x8d: {  	s2 =	sadd.s32 s2, s17  }
0x8e: {  	[smem:$0x3FBA] =	sst s2  }
0x8f: {  	_ = 	snop  }
0x90: {  	s2 =	sld [smem:$0x3FC9];
	(tm) =	ssettm $0x1  }
0x91: {  	s18 =	sld [smem:$0x3FFB];
	_ =	sdelay $0x3  }
0x92: {  	_ =	strace s18  }
0x93: {  	s3 =	sld [smem:$0x3FFC];
	_ =	sdelay $0x3  }
0x94: {  	_ =	strace s3  }
0x95: {  	s3 =	sld [smem:$0x3FFD];
	_ =	sdelay $0x3  }
0x96: {  	_ =	strace s3  }
0x97: {  	_ =	strace $0x8FFFFFFF  }
0x98: {  	s19 =	sld [smem:$0x3FDB];
	_ =	sdelay $0x1  }
0x99: {  	s4 =	simm.s32 $_scs_section_size  }
0x9a: {  	s5 =	simm.s32 $_size__tile_overlayer_lowered;
	s6 =	simm.s32 $_tile_overlayer_lowered  }
0x9b: {  	s22 =	simm.s32 $0x1BFF;
	s21 =	sshll.u32 s6, $0x1;
	s3 =	sadd.s32 s4, s19  }
0x9c: {  	s7 =	simm.s32 $0x0;
	s20 =	sshll.u32 s5, $0x1;
	s5 =	sadd.s32 s21, s3  }
0x9d: {  	[timem:s7], [sflag:s22] =	dma.local [hbm:s5], s20  }
0x9e: {  	_ =	swait.ge [sflag:s22], s20  }
0x9f: {  	s4 =	ssub.s32 $0x0, s20;
	[sflag:s22] =	ssyncset.done $0x0  }
0xa0: {  	[sflag:s22] =	ssyncadd.s32 s4;
	_ =	sdelay $0x1  }
0xa1: {  	s23 =	simm.s32 $0x1B8B  }
0xa2: {  	_ =	swait.ge [sflag:s23], $0x1  }
0xa3: {  	[sflag:s23] =	ssyncset.done $0x0  }
0xa4: {  	s25 =	simm.s32 $0x1B8E;
	s24 =	sld [smem:$0x3FFE];
	[sflag:s23] =	ssyncadd.s32 $0xFFFFFFFF  }
0xa5: {  	s26 =	simm.s32 $execute0_lowered;
	[smem:$0x3FD2] =	sst s25  }
0xa6: {  	s5 =	sshll.u32 s26, $0x1;
	_ =	strace $0x80000046;
	[dreg:$0x1] =	wrdreg $0xFFFFFFFF  }
0xa7: {  	s28 =	simm.s32 $_size_execute0_lowered;
	s3 =	sadd.s32 s3, s5;
	[dreg:$0x0] =	wrdreg $0x0  }
0xa8: {  	s5 =	sshll.u32 s28, $0x1;
	[dreg:$0x2] =	wrdreg s3  }
0xa9: {  	[dreg:$0x3] =	wrdreg s5  }
0xaa: {  	[dreg:$0x4] =	wrdreg $0xC0  }
0xab: {  	_ =	task [dreg:s7], $0x5FFFF  }
0xac: {  	[dreg:$0x1] =	wrdreg $0xFFFFFFFF  }
0xad: {  	[dreg:$0x0] =	wrdreg $0x60  }
0xae: {  	[dreg:$0x2] =	wrdreg s2  }
0xaf: {  	[dreg:$0x3] =	wrdreg s24  }
0xb0: {  	[dreg:$0x4] =	wrdreg $0x92000  }
0xb1: {  	[dreg:$0x5] =	wrdreg $0x9  }
0xb2: {  	_ =	task.clear_ibuf [dreg:s7], $0x6FFFF;
	_ =	strace $0x90000046  }
0xb3: {  	s29 =	simm.s32 $0x9;
	_ =	strace $0x80000048  }
0xb4: {  	_ =	swait.ge [sflag:s29], $0x1  }
0xb5: {  	[sflag:s29] =	ssyncadd.s32 $0xFFFFFFFF  }
0xb6: {  	_ =	strace $0x90000048  }
0xb7: {  	_ =	sfence  }
0xb8: {  	s30 =	sld [smem:$0x0];
	_ =	sdelay $0x2  }
0xb9: {  	s31 =	sshll.u32 s1, $0xD;
	s1 =	sshrl.u32 s1, $0x2  }
0xba: {  	s3 =	sand.u32 $0x4000, s31;
	s1 =	sadd.s32 s1, s30  }
0xbb: {  	s0 =	sor.u32 s3, s0;
	s1 =	sshll.u32 s1, $0x11  }
0xbc: {  	s0 =	sor.u32 s1, s0  }
0xbd: {  	s0 =	sadd.s32 $0x8F2B, s0  }
0xbe: {  	[sflag:s0] =	ssyncadd.remote.s32 $0x1  }
0xbf: {  	_ =	sfence.sel $0xFFFF  }
0xc0: {  	[dreg:$0x0] =	wrdreg $0xFFFFFFFF;
	(pc) =	sbr.abs _section_cstart, $3  }
0xc1: {  	[dreg:$0x1] =	wrdreg $0xFFFFFFFF  }
0xc2: {  	_ =	task.clear_ibuf [dreg:s7], $0x2FFFF;
	_ =	strace $0x9FFFFFFF  }
0xc3: {  	(tm) =	ssettm $0x7FFFFFFF  }
tec
execute0_lowered:
.L_overlay_start_1:
0x0: {  	(tag) =	ssettag $0x1  }
0x1: {  	s1 =	rddreg [dreg:$0x0]  }
0x2: {  	s0 =	rddreg [dreg:$0x1]  }
0x3: {  	s3 =	rddreg [dreg:$0x2]  }
0x4: {  	s4 =	simm.s32 $0x0;
	s12 =	stileid.u32;
	s2 =	srdreg.scid  }
0x5: {  	[smem:$0x7FF] =	sst s4;
	s5 =	smul.u32 $0x4F000, s12  }
0x6: {  	s6 =	sadd.s32 $0x4E00, s0;
	s7 =	sadd.s32 $0xEE00, s0;
	s19 =	smul.u32 $0x2800, s12  }
0x7: {  	s2 =	sand.u32 $0x1, s2;
	s20 =	smul.u32 $0x2780, s12;
	s5 =	sshrl.u32 s5, $0x2  }
0x8: {  	_ =	strace $0x80000047;
	s8 =	ssub.s32 $0x2, s2;
	s5 =	sadd.s32 s5, s3  }
0x9: {  	s9 =	sshll.u32 s2, $0x4;
	p0 =	seq.s32 s2, $0x1;
	s22 =	sadd.s32 $0x1000, s5  }
0xa: {  	s10 =	sshrl.u32 s8, $0x1;
	s23 =	sadd.s32 $0x2000, s5;
	[dreg:$0x4] =	wrdreg s22  }
0xb: {  	s9 =	sor.u32 s12, s9;
	s24 =	sadd.s32 $0x3000, s5;
	[dreg:$0x5] =	wrdreg s23  }
0xc: {  	s12 =	simm.s32 $0x200;
	s25 =	sadd.s32 $0x4000, s5;
	[dreg:$0x6] =	wrdreg s24  }
0xd: {  	s8 =	ssub.s32 s8, s10;
	s26 =	sadd.s32 $0x5000, s5;
	[dreg:$0x7] =	wrdreg s25  }
0xe: {  	s9 =	smul.u32 $0x2800, s9;
	s11 =	sadd.s32 $0x6000, s5;
	[dreg:$0x8] =	wrdreg s26  }
0xf: {  	s13 =	sadd.s32 $0x7000, s5;
	s14 =	sadd.s32 $0x8000, s5;
	[dreg:$0x9] =	wrdreg s11  }
0x10: {  	s15 =	sadd.s32 $0x9000, s5;
	s28 =	sadd.s32 $0xC000, s5;
	[dreg:$0xa] =	wrdreg s13  }
0x11: {  	s29 =	sadd.s32 $0xD000, s5;
	s30 =	sadd.s32 $0xE000, s5;
	[dreg:$0xb] =	wrdreg s14  }
0x12: {  	s31 =	sadd.s32 $0xF000, s5;
	[dreg:$0xc] =	wrdreg s15;
	s9 =	sshrl.u32 s9, $0x3  }
0x13: {  	s11 =	smul.u32 $0x28000, s2;
	s2 =	simm.s32 $0x40600;
	s24 =	sadd.s32 $0xA000, s5  }
0x14: {  	s25 =	smax.u32 s8, $0x1;
	s26 =	sadd.s32 $0xB000, s5;
	[dreg:$0x12] =	wrdreg s24  }
0x15: {  	s8 =	simm.s32 $0x8200;
	s13 =	simm.s32 $0x100;
	[dreg:$0x13] =	wrdreg s25  }
0x16: {  	s14 =	simm.s32 $0x180;
	s16 =	sadd.s32 s6, s9;
	[dreg:$0x14] =	wrdreg s26  }
0x17: {  	s17 =	sor.u32 $0x10, s9;
	s9 =	sadd.s32 s7, s9;
	[dreg:$0xd] =	wrdreg s16  }
0x18: {  	s15 =	simm.s32 $0x2;
	s2 =	simm.s32 @!p0 $0x18E00;
	[dreg:$0xe] =	wrdreg s9  }
0x19: {  	s18 =	sadd.s32 s6, s17;
	s10 =	sadd.s32 s7, s17;
	s9 =	sadd.s32 s19, s11  }
0x1a: {  	s0 =	sadd.s32 s2, s0;
	s2 =	sadd.s32 $0x11000, s5;
	s11 =	simm.s32 $0x1  }
0x1b: {  	s16 =	simm.s32 $0x4200;
	s17 =	simm.s32 $0x3;
	[dreg:$0xf] =	wrdreg s18  }
0x1c: {  	s19 =	simm.s32 $0x0;
	[dreg:$0x10] =	wrdreg s10;
	s21 =	sor.u32 $0x180, s9  }
0x1d: {  	s9 =	sor.u32 $0x100, s9;
	s0 =	sadd.s32 s0, s20;
	s10 =	simm.s32 $0x80  }
0x1e: {  	s18 =	simm.s32 $0x4;
	[dreg:$0x11] =	wrdreg s0;
	s22 =	sshrl.u32 s21, $0x3  }
0x1f: {  	s23 =	sshrl.u32 s9, $0x3;
	s0 =	sadd.s32 $0x10000, s5;
	s9 =	simm.s32 $0x5  }
0x20: {  	s20 =	sadd.s32 s22, s7;
	s21 =	sadd.s32 s22, s6;
	s22 =	sadd.s32 s23, s7  }
0x21: {  	v0 =	vimm.f32 $0.0e+00;
	s23 =	sadd.s32 s23, s6;
	s6 =	sadd.s32 $0x12000, s5;
	s7 =	sadd.s32 $0x13000, s5  }
.LBB2_1:
0x22: {  	s24 =	simm.s32 $0x0;
	s25 =	simm.s32 $0x200  }
.LBB2_2:
0x23: {  	p0 =	sne.s32 s25, $0x3E00;
	[tilespmem:s24+$0x8270] =	vst v0  }
0x24: {  	[tilespmem:s24+$0x8200] =	vst v0  }
0x25: {  	[tilespmem:s24+$0x8210] =	vst v0  }
.Ltmp0:
0x26: {  	[tilespmem:s24+$0x8220] =	vst v0;
	(pc) =	sbr.rel @p0 .LBB2_2-.Ltmp0, $4  }
0x27: {  	[tilespmem:s24+$0x8230] =	vst v0  }
0x28: {  	[tilespmem:s24+$0x8240] =	vst v0  }
0x29: {  	[tilespmem:s24+$0x8250] =	vst v0  }
0x2a: {  	[tilespmem:s24+$0x8260] =	vst v0;
	s24 =	sshra.s32 s25, $0x2;
	s25 =	sadd.s32 $0x200, s25  }
0x2b: {  	[tilespmem:s24+$0x8270] =	vst v0  }
0x2c: {  	[tilespmem:s24+$0x8200] =	vst v0  }
0x2d: {  	[tilespmem:s24+$0x8210] =	vst v0  }
0x2e: {  	[tilespmem:s24+$0x8220] =	vst v0  }
0x2f: {  	[tilespmem:s24+$0x8230] =	vst v0  }
0x30: {  	[tilespmem:s24+$0x8240] =	vst v0  }
0x31: {  	[tilespmem:s24+$0x8250] =	vst v0  }
0x32: {  	[tilespmem:s24+$0x8260] =	vst v0  }
0x33: {  	[spmem:s5] =	stream.linear.scatter [tilespmem:s8], [sflag:$0x5], $0x1000, $0x38;
	[tilespmem:$0x1CE00] =	vst v63  }
0x34: {  	_ =	swait.ge [sflag:s9], $0x1000  }
0x35: {  	[sflag:s9] =	ssyncset.done $0x0  }
0x36: {  	s25 =	rddreg [dreg:$0x4];
	[sflag:s9] =	ssyncadd.s32 $0xFFFFF000  }
0x37: {  	[spmem:s25] =	stream.linear.scatter [tilespmem:s8], [sflag:$0x5], $0x1000, $0x38;
	[tilespmem:$0x1CE00] =	vst v63  }
0x38: {  	_ =	swait.ge [sflag:s9], $0x1000  }
0x39: {  	[sflag:s9] =	ssyncset.done $0x0  }
0x3a: {  	s26 =	rddreg [dreg:$0x5];
	[sflag:s9] =	ssyncadd.s32 $0xFFFFF000  }
0x3b: {  	[spmem:s26] =	stream.linear.scatter [tilespmem:s8], [sflag:$0x5], $0x1000, $0x38;
	[tilespmem:$0x1CE00] =	vst v63  }
0x3c: {  	_ =	swait.ge [sflag:s9], $0x1000  }
0x3d: {  	[sflag:s9] =	ssyncset.done $0x0  }
0x3e: {  	s25 =	rddreg [dreg:$0x6];
	[sflag:s9] =	ssyncadd.s32 $0xFFFFF000  }
0x3f: {  	[spmem:s25] =	stream.linear.scatter [tilespmem:s8], [sflag:$0x5], $0x1000, $0x38;
	[tilespmem:$0x1CE00] =	vst v63  }
0x40: {  	_ =	swait.ge [sflag:s9], $0x1000  }
0x41: {  	[sflag:s9] =	ssyncset.done $0x0  }
0x42: {  	s26 =	rddreg [dreg:$0x7];
	[sflag:s9] =	ssyncadd.s32 $0xFFFFF000  }
0x43: {  	[spmem:s26] =	stream.linear.scatter [tilespmem:s8], [sflag:$0x5], $0x1000, $0x38;
	[tilespmem:$0x1CE00] =	vst v63  }
0x44: {  	_ =	swait.ge [sflag:s9], $0x1000  }
0x45: {  	[sflag:s9] =	ssyncset.done $0x0  }
0x46: {  	s25 =	rddreg [dreg:$0x8];
	[sflag:s9] =	ssyncadd.s32 $0xFFFFF000  }
0x47: {  	[spmem:s25] =	stream.linear.scatter [tilespmem:s8], [sflag:$0x5], $0x1000, $0x38;
	[tilespmem:$0x1CE00] =	vst v63  }
0x48: {  	_ =	swait.ge [sflag:s9], $0x1000  }
0x49: {  	[sflag:s9] =	ssyncset.done $0x0  }
0x4a: {  	s26 =	rddreg [dreg:$0x9];
	[sflag:s9] =	ssyncadd.s32 $0xFFFFF000  }
0x4b: {  	[spmem:s26] =	stream.linear.scatter [tilespmem:s8], [sflag:$0x5], $0x1000, $0x38;
	[tilespmem:$0x1CE00] =	vst v63  }
0x4c: {  	_ =	swait.ge [sflag:s9], $0x1000  }
0x4d: {  	[sflag:s9] =	ssyncset.done $0x0  }
0x4e: {  	s25 =	rddreg [dreg:$0xa];
	[sflag:s9] =	ssyncadd.s32 $0xFFFFF000  }
0x4f: {  	[spmem:s25] =	stream.linear.scatter [tilespmem:s8], [sflag:$0x5], $0x1000, $0x38;
	[tilespmem:$0x1CE00] =	vst v63  }
0x50: {  	_ =	swait.ge [sflag:s9], $0x1000  }
0x51: {  	[sflag:s9] =	ssyncset.done $0x0  }
0x52: {  	s26 =	rddreg [dreg:$0xb];
	[sflag:s9] =	ssyncadd.s32 $0xFFFFF000  }
0x53: {  	[spmem:s26] =	stream.linear.scatter [tilespmem:s8], [sflag:$0x5], $0x1000, $0x38;
	[tilespmem:$0x1CE00] =	vst v63  }
0x54: {  	_ =	swait.ge [sflag:s9], $0x1000  }
0x55: {  	[sflag:s9] =	ssyncset.done $0x0  }
0x56: {  	s25 =	rddreg [dreg:$0xc];
	[sflag:s9] =	ssyncadd.s32 $0xFFFFF000  }
0x57: {  	[spmem:s25] =	stream.linear.scatter [tilespmem:s8], [sflag:$0x5], $0x1000, $0x38;
	[tilespmem:$0x1CE00] =	vst v63  }
0x58: {  	_ =	swait.ge [sflag:s9], $0x1000  }
0x59: {  	[sflag:s9] =	ssyncset.done $0x0  }
0x5a: {  	s26 =	rddreg [dreg:$0x12];
	[sflag:s9] =	ssyncadd.s32 $0xFFFFF000  }
0x5b: {  	[spmem:s26] =	stream.linear.scatter [tilespmem:s8], [sflag:$0x5], $0x1000, $0x38;
	[tilespmem:$0x1CE00] =	vst v63  }
0x5c: {  	_ =	swait.ge [sflag:s9], $0x1000  }
0x5d: {  	[sflag:s9] =	ssyncset.done $0x0  }
0x5e: {  	s25 =	rddreg [dreg:$0x14];
	[sflag:s9] =	ssyncadd.s32 $0xFFFFF000  }
0x5f: {  	[spmem:s25] =	stream.linear.scatter [tilespmem:s8], [sflag:$0x5], $0x1000, $0x38;
	[tilespmem:$0x1CE00] =	vst v63  }
0x60: {  	_ =	swait.ge [sflag:s9], $0x1000  }
0x61: {  	[sflag:s9] =	ssyncset.done $0x0  }
0x62: {  	[sflag:s9] =	ssyncadd.s32 $0xFFFFF000  }
0x63: {  	[spmem:s28] =	stream.linear.scatter [tilespmem:s8], [sflag:$0x5], $0x1000, $0x38;
	[tilespmem:$0x1CE00] =	vst v63  }
0x64: {  	_ =	swait.ge [sflag:s9], $0x1000  }
0x65: {  	[sflag:s9] =	ssyncset.done $0x0  }
0x66: {  	[sflag:s9] =	ssyncadd.s32 $0xFFFFF000  }
0x67: {  	[spmem:s29] =	stream.linear.scatter [tilespmem:s8], [sflag:$0x5], $0x1000, $0x38;
	[tilespmem:$0x1CE00] =	vst v63  }
0x68: {  	_ =	swait.ge [sflag:s9], $0x1000  }
0x69: {  	[sflag:s9] =	ssyncset.done $0x0  }
0x6a: {  	[sflag:s9] =	ssyncadd.s32 $0xFFFFF000  }
0x6b: {  	[spmem:s30] =	stream.linear.scatter [tilespmem:s8], [sflag:$0x5], $0x1000, $0x38;
	[tilespmem:$0x1CE00] =	vst v63  }
0x6c: {  	_ =	swait.ge [sflag:s9], $0x1000  }
0x6d: {  	[sflag:s9] =	ssyncset.done $0x0  }
0x6e: {  	[sflag:s9] =	ssyncadd.s32 $0xFFFFF000  }
0x6f: {  	[spmem:s31] =	stream.linear.scatter [tilespmem:s8], [sflag:$0x5], $0x1000, $0x38;
	[tilespmem:$0x1CE00] =	vst v63  }
0x70: {  	_ =	swait.ge [sflag:s9], $0x1000  }
0x71: {  	[sflag:s9] =	ssyncset.done $0x0  }
0x72: {  	[sflag:s9] =	ssyncadd.s32 $0xFFFFF000  }
0x73: {  	[spmem:s0] =	stream.linear.scatter [tilespmem:s8], [sflag:$0x5], $0x1000, $0x38;
	[tilespmem:$0x1CE00] =	vst v63  }
0x74: {  	_ =	swait.ge [sflag:s9], $0x1000  }
0x75: {  	[sflag:s9] =	ssyncset.done $0x0  }
0x76: {  	[sflag:s9] =	ssyncadd.s32 $0xFFFFF000  }
0x77: {  	[spmem:s2] =	stream.linear.scatter [tilespmem:s8], [sflag:$0x5], $0x1000, $0x38;
	[tilespmem:$0x1CE00] =	vst v63  }
0x78: {  	_ =	swait.ge [sflag:s9], $0x1000  }
0x79: {  	[sflag:s9] =	ssyncset.done $0x0  }
0x7a: {  	[sflag:s9] =	ssyncadd.s32 $0xFFFFF000  }
0x7b: {  	[spmem:s6] =	stream.linear.scatter [tilespmem:s8], [sflag:$0x5], $0x1000, $0x38;
	[tilespmem:$0x1CE00] =	vst v63  }
0x7c: {  	_ =	swait.ge [sflag:s9], $0x1000  }
0x7d: {  	[sflag:s9] =	ssyncset.done $0x0  }
0x7e: {  	[sflag:s9] =	ssyncadd.s32 $0xFFFFF000  }
0x7f: {  	[spmem:s7] =	stream.linear.scatter [tilespmem:s8], [sflag:$0x5], $0xC00, $0x38;
	[tilespmem:$0x1CE00] =	vst v63  }
0x80: {  	_ =	swait.ge [sflag:s9], $0xC00  }
0x81: {  	[sflag:s9] =	ssyncset.done $0x0  }
0x82: {  	[sflag:s9] =	ssyncadd.s32 $0xFFFFF400  }
0x83: {  	[bflag:$0x0] =	sbarrier.arrive $0xFFFF  }
0x84: {  	s24 =	simm.s32 $0x0;
	s25 =	rddreg [dreg:$0xd]  }
0x85: {  	[tilespmem:s24], [sflag:$0x1] =	stream.linear.gather [hbm4b:s25+s24], $0x80, $0x38;
	[tilespmem:$0x1CE00] =	vst v63  }
0x86: {  	s26 =	rddreg [dreg:$0xe]  }
0x87: {  	[tilespmem:s10], [sflag:$0x1] =	stream.linear.gather [hbm4b:s26+s24], $0x80, $0x38;
	[tilespmem:$0x1CE00] =	vst v63  }
0x88: {  	_ =	swait.ge [sflag:s11], $0x80  }
0x89: {  	[sflag:s11] =	ssyncset.done $0x0  }
0x8a: {  	[sflag:s11] =	ssyncadd.s32 $0xFFFFFF80  }
0x8b: {  	_ =	swait.ge [sflag:s11], $0x80  }
0x8c: {  	[sflag:s11] =	ssyncset.done $0x0  }
0x8d: {  	[sflag:s11] =	ssyncadd.s32 $0xFFFFFF80  }
0x8e: {  	[tilespmem:s12], [sflag:$0x3] =	stream.indirect.gather [hbm4b:s1+s10], $0x80, s24, s10, $0xb8;
	[tilespmem:$0x1CE00] =	vst v63  }
0x8f: {  	s26 =	rddreg [dreg:$0xf]  }
0x90: {  	[tilespmem:s13], [sflag:$0x2] =	stream.linear.gather [hbm4b:s26+s24], $0x80, $0x38;
	[tilespmem:$0x1CE00] =	vst v63  }
0x91: {  	s26 =	rddreg [dreg:$0x10]  }
0x92: {  	[tilespmem:s14], [sflag:$0x2] =	stream.linear.gather [hbm4b:s26+s24], $0x80, $0x38;
	[tilespmem:$0x1CE00] =	vst v63  }
0x93: {  	_ =	swait.ge [sflag:s15], $0x80  }
0x94: {  	[sflag:s15] =	ssyncset.done $0x0  }
0x95: {  	[sflag:s15] =	ssyncadd.s32 $0xFFFFFF80  }
0x96: {  	_ =	swait.ge [sflag:s15], $0x80  }
0x97: {  	[sflag:s15] =	ssyncset.done $0x0  }
0x98: {  	[sflag:s15] =	ssyncadd.s32 $0xFFFFFF80  }
0x99: {  	[tilespmem:s16], [sflag:$0x4] =	stream.indirect.gather [hbm4b:s1+s10], $0x80, s13, s10, $0xb8;
	[tilespmem:$0x1CE00] =	vst v63  }
0x9a: {  	_ =	swait.ge [sflag:s17], $0x4000  }
0x9b: {  	[sflag:s17] =	ssyncset.done $0x0  }
0x9c: {  	[sflag:s17] =	ssyncadd.s32 $0xFFFFC000  }
0x9d: {  	[spmem:s3] =	stream.indirect.scatter.add.f32 [tilespmem:s12], [sflag:$0x5], $0x80, s10, s10, $0xb8;
	[tilespmem:$0x1CE00] =	vst v63  }
0x9e: {  	_ =	swait.ge [sflag:s9], $0x4000  }
0x9f: {  	[sflag:s9] =	ssyncset.done $0x0  }
0xa0: {  	s26 =	sadd.s32 $0x0, s23;
	[sflag:s9] =	ssyncadd.s32 $0xFFFFC000  }
0xa1: {  	[tilespmem:s4], [sflag:$0x1] =	stream.linear.gather [hbm4b:s26+s4], $0x80, $0x38;
	[tilespmem:$0x1CE00] =	vst v63  }
0xa2: {  	s25 =	sadd.s32 $0x0, s22  }
0xa3: {  	[tilespmem:s10], [sflag:$0x1] =	stream.linear.gather [hbm4b:s25+s4], $0x80, $0x38;
	[tilespmem:$0x1CE00] =	vst v63  }
0xa4: {  	_ =	swait.ge [sflag:s18], $0x4000  }
0xa5: {  	[sflag:s18] =	ssyncset.done $0x0  }
0xa6: {  	[sflag:s18] =	ssyncadd.s32 $0xFFFFC000  }
0xa7: {  	_ =	swait.ge [sflag:s11], $0x80  }
0xa8: {  	[sflag:s11] =	ssyncset.done $0x0  }
0xa9: {  	[sflag:s11] =	ssyncadd.s32 $0xFFFFFF80  }
0xaa: {  	_ =	swait.ge [sflag:s11], $0x80  }
0xab: {  	[sflag:s11] =	ssyncset.done $0x0  }
0xac: {  	[sflag:s11] =	ssyncadd.s32 $0xFFFFFF80  }
0xad: {  	[tilespmem:s12], [sflag:$0x3] =	stream.indirect.gather [hbm4b:s1+s10], $0x80, s4, s10, $0xb8;
	[tilespmem:$0x1CE00] =	vst v63  }
0xae: {  	_ = 	snop  }
0xaf: {  	[spmem:s3] =	stream.indirect.scatter.add.f32 [tilespmem:s16], [sflag:$0x5], $0x80, s14, s10, $0xb8;
	[tilespmem:$0x1CE00] =	vst v63  }
0xb0: {  	_ =	swait.ge [sflag:s9], $0x4000  }
0xb1: {  	s24 =	simm.s32 $0x20;
	[sflag:s9] =	ssyncset.done $0x0  }
0xb2: {  	s26 =	sadd.s32 $0x0, s21;
	s25 =	sadd.s32 $0x0, s20;
	[sflag:s9] =	ssyncadd.s32 $0xFFFFC000  }
0xb3: {  	[tilespmem:s13], [sflag:$0x2] =	stream.linear.gather [hbm4b:s26+s4], $0x80, $0x38;
	[tilespmem:$0x1CE00] =	vst v63  }
.LBB2_4:
0xb4: {  	[tilespmem:s14], [sflag:$0x2] =	stream.linear.gather [hbm4b:s25+s4], $0x80, $0x38;
	[tilespmem:$0x1CE00] =	vst v63  }
0xb5: {  	s25 =	smov.u32 s24  }
0xb6: {  	p0 =	sne.s32 s24, $0x4C0;
	s24 =	sadd.s32 $0x20, s24;
	_ =	swait.ge [sflag:s15], $0x80  }
0xb7: {  	[sflag:s15] =	ssyncset.done $0x0  }
0xb8: {  	[sflag:s15] =	ssyncadd.s32 $0xFFFFFF80  }
0xb9: {  	_ =	swait.ge [sflag:s15], $0x80  }
0xba: {  	[sflag:s15] =	ssyncset.done $0x0  }
0xbb: {  	[sflag:s15] =	ssyncadd.s32 $0xFFFFFF80  }
0xbc: {  	[tilespmem:s16], [sflag:$0x4] =	stream.indirect.gather [hbm4b:s1+s10], $0x80, s13, s10, $0xb8;
	[tilespmem:$0x1CE00] =	vst v63  }
0xbd: {  	_ =	swait.ge [sflag:s17], $0x4000  }
0xbe: {  	[sflag:s17] =	ssyncset.done $0x0  }
0xbf: {  	[sflag:s17] =	ssyncadd.s32 $0xFFFFC000  }
0xc0: {  	[spmem:s3] =	stream.indirect.scatter.add.f32 [tilespmem:s12], [sflag:$0x5], $0x80, s10, s10, $0xb8;
	[tilespmem:$0x1CE00] =	vst v63  }
0xc1: {  	_ =	swait.ge [sflag:s9], $0x4000  }
0xc2: {  	[sflag:s9] =	ssyncset.done $0x0  }
0xc3: {  	s26 =	sadd.s32 s25, s23;
	[sflag:s9] =	ssyncadd.s32 $0xFFFFC000  }
0xc4: {  	[tilespmem:s4], [sflag:$0x1] =	stream.linear.gather [hbm4b:s26+s4], $0x80, $0x38;
	[tilespmem:$0x1CE00] =	vst v63  }
0xc5: {  	s26 =	sadd.s32 s25, s22  }
0xc6: {  	[tilespmem:s10], [sflag:$0x1] =	stream.linear.gather [hbm4b:s26+s4], $0x80, $0x38;
	[tilespmem:$0x1CE00] =	vst v63  }
0xc7: {  	_ =	swait.ge [sflag:s18], $0x4000  }
0xc8: {  	[sflag:s18] =	ssyncset.done $0x0  }
0xc9: {  	[sflag:s18] =	ssyncadd.s32 $0xFFFFC000  }
0xca: {  	_ =	swait.ge [sflag:s11], $0x80  }
0xcb: {  	[sflag:s11] =	ssyncset.done $0x0  }
0xcc: {  	[sflag:s11] =	ssyncadd.s32 $0xFFFFFF80  }
0xcd: {  	_ =	swait.ge [sflag:s11], $0x80  }
0xce: {  	[sflag:s11] =	ssyncset.done $0x0  }
0xcf: {  	[sflag:s11] =	ssyncadd.s32 $0xFFFFFF80  }
0xd0: {  	[tilespmem:s12], [sflag:$0x3] =	stream.indirect.gather [hbm4b:s1+s10], $0x80, s4, s10, $0xb8;
	[tilespmem:$0x1CE00] =	vst v63  }
0xd1: {  	_ = 	snop  }
0xd2: {  	[spmem:s3] =	stream.indirect.scatter.add.f32 [tilespmem:s16], [sflag:$0x5], $0x80, s14, s10, $0xb8;
	[tilespmem:$0x1CE00] =	vst v63  }
.Ltmp1:
0xd3: {  	_ =	swait.ge [sflag:s9], $0x4000;
	(pc) =	sbr.rel @p0 .LBB2_4-.Ltmp1, $4  }
0xd4: {  	[sflag:s9] =	ssyncset.done $0x0  }
0xd5: {  	s26 =	sadd.s32 s25, s21;
	[sflag:s9] =	ssyncadd.s32 $0xFFFFC000  }
0xd6: {  	[tilespmem:s13], [sflag:$0x2] =	stream.linear.gather [hbm4b:s26+s4], $0x80, $0x38;
	[tilespmem:$0x1CE00] =	vst v63  }
0xd7: {  	s25 =	sadd.s32 s25, s20  }
0xd8: {  	[tilespmem:s14], [sflag:$0x2] =	stream.linear.gather [hbm4b:s25+s4], $0x80, $0x38;
	[tilespmem:$0x1CE00] =	vst v63  }
0xd9: {  	_ =	swait.ge [sflag:s15], $0x80  }
0xda: {  	[sflag:s15] =	ssyncset.done $0x0  }
0xdb: {  	[sflag:s15] =	ssyncadd.s32 $0xFFFFFF80  }
0xdc: {  	_ =	swait.ge [sflag:s15], $0x80  }
0xdd: {  	[sflag:s15] =	ssyncset.done $0x0  }
0xde: {  	[sflag:s15] =	ssyncadd.s32 $0xFFFFFF80  }
0xdf: {  	[tilespmem:s16], [sflag:$0x4] =	stream.indirect.gather [hbm4b:s1+s10], $0x80, s13, s10, $0xb8;
	[tilespmem:$0x1CE00] =	vst v63  }
0xe0: {  	_ =	swait.ge [sflag:s17], $0x4000  }
0xe1: {  	[sflag:s17] =	ssyncset.done $0x0  }
0xe2: {  	[sflag:s17] =	ssyncadd.s32 $0xFFFFC000  }
0xe3: {  	[spmem:s3] =	stream.indirect.scatter.add.f32 [tilespmem:s12], [sflag:$0x5], $0x80, s10, s10, $0xb8;
	[tilespmem:$0x1CE00] =	vst v63  }
0xe4: {  	_ =	swait.ge [sflag:s9], $0x4000  }
0xe5: {  	[sflag:s9] =	ssyncset.done $0x0  }
0xe6: {  	[sflag:s9] =	ssyncadd.s32 $0xFFFFC000  }
0xe7: {  	_ =	swait.ge [sflag:s18], $0x4000  }
0xe8: {  	[sflag:s18] =	ssyncset.done $0x0  }
0xe9: {  	[sflag:s18] =	ssyncadd.s32 $0xFFFFC000  }
0xea: {  	[spmem:s3] =	stream.indirect.scatter.add.f32 [tilespmem:s16], [sflag:$0x5], $0x80, s14, s10, $0xb8;
	[tilespmem:$0x1CE00] =	vst v63  }
0xeb: {  	_ =	swait.ge [sflag:s9], $0x4000  }
0xec: {  	[sflag:s9] =	ssyncset.done $0x0  }
0xed: {  	s24 =	stileid.u32;
	[sflag:s9] =	ssyncadd.s32 $0xFFFFC000  }
0xee: {  	s24 =	sshll.u32 s24, $0x6;
	[bflag:$0x0] =	sbarrier.arrive $0xFFFF  }
0xef: {  	s25 =	sshrl.u32 s5, $0x3;
	s24 =	sor.u32 $0x1C05, s24;
	s26 =	rddreg [dreg:$0x11]  }
0xf0: {  	[hbm:s26], [sflag:s24] =	dma.local [spmem:s25], $0x2780  }
0xf1: {  	_ =	swait.ge [sflag:s9], $0x2780  }
0xf2: {  	s19 =	sadd.s32 $0x1, s19;
	s26 =	rddreg [dreg:$0x13]  }
0xf3: {  	p0 =	sne.s32 s19, s26  }
.Ltmp2:
0xf4: {  	_ = 	snop;
	(pc) =	sbr.rel @p0 .LBB2_1-.Ltmp2, $3  }
0xf5: {  	_ =	sdelay $0x1  }
0xf6: {  	[sflag:s9] =	ssyncset.done $0x0  }
0xf7: {  	[sflag:s9] =	ssyncadd.s32 $0xFFFFD880  }
0xf8: {  	_ =	sfence.sel $0x180000  }
0xf9: {  	[bflag:$0x0] =	sbarrier.arrive $0xFFFF  }
0xfa: {  	_ =	strace $0x90000047  }
0xfb: {  	s0 =	stileid.u32;
	[bflag:$0x2] =	sbarrier.arrive $0xFFFF  }
0xfc: {  	p0 =	sne.s32 s0, $0x0;
	s0 =	rddreg [dreg:$0x3]  }
0xfd: {  	s0 =	sadd.s32 @!p0 $0x100000, s0  }
0xfe: {  	[sflag:s0] =	ssyncadd.tile.s32 @!p0 $0x1;
	_ =	shalt  }
.Lfunc_end2:
_tile_overlayer_lowered:
.L_overlay_start_2:
0xff: {  	(tag) =	ssettag $0x2  }
0x100: {  	s0 =	rddreg [dreg:$0x0];
	s2 =	stileid.u32  }
0x101: {  	s1 =	rddreg [dreg:$0x1];
	p0 =	sne.s32 s2, $0x0  }
0x102: {  	s3 =	rddreg [dreg:$0x2];
	[bflag:$0x3] =	sbarrier.arrive $0xFFFF;
	s2 =	simm.s32 @!p0 $0x1C05  }
0x103: {  	[timem:s3], [sflag:s2] =	dma.local @!p0 [hbm:s0], s1  }
0x104: {  	s0 =	simm.s32 @!p0 $0x5  }
0x105: {  	_ =	swait.ge @!p0 [sflag:s0], s1  }
0x106: {  	s1 =	ssub.s32 @!p0 $0x0, s1;
	[sflag:s0] =	ssyncset.done @!p0 $0x0  }
0x107: {  	[sflag:s0] =	ssyncadd.s32 @!p0 s1  }
0x108: {  	[bflag:$0x3] =	sbarrier.arrive $0xFFFF  }
0x109: {  	_ =	shalt  }

</sc_bundles>
